<compile_context>
chip_gen: v7x
topology: tpu7x:2x2x1
jax: 0.10.2.dev20260603
libtpu: 0.0.44.dev20260713+nightly
codegen_flags: <defaults>
</compile_context>

<pallas_src>
import functools

import jax
import jax.numpy as jnp
from jax import lax
from jax.experimental import pallas as pl
from jax.experimental.pallas import tpu as pltpu
from jax.experimental.pallas import tpu_sc as plsc

B = 8
N = 512 * 512
NB = 16384
NBR = 128
NBP = NBR * 128
SHIFT = 14
NW = 32
PER_W = N * B // NW
CH = 16384
NCHUNK = PER_W // CH


def _prep_body(l_ref, t_ref, m_ref, p_ref, top_ref):
    for i in range(2):
        l = l_ref[i, 0]
        t = t_ref[i, 0]
        tpos = jnp.where(t > 0.5, 1.0, 0.0).astype(jnp.float32)
        e = 1.0 - l * (2.0 * tpos - 1.0)
        m = jnp.max(e)
        m_ref[i, 0, :] = jnp.broadcast_to(m, (128,))
        p_ref[i, 0, :] = jnp.broadcast_to(jnp.sum(tpos), (128,))
        top_ref[i, 0, :] = jnp.broadcast_to(
            lax.bitcast_convert_type(m, jnp.int32), (128,))


def _prepass(logits4, targets4):
    return pl.pallas_call(
        _prep_body,
        grid=(B // 2,),
        in_specs=[
            pl.BlockSpec((2, 1, 512, 512), lambda i: (i, 0, 0, 0)),
            pl.BlockSpec((2, 1, 512, 512), lambda i: (i, 0, 0, 0)),
        ],
        out_specs=[
            pl.BlockSpec((2, 1, 128), lambda i: (i, 0, 0)),
            pl.BlockSpec((2, 1, 128), lambda i: (i, 0, 0)),
            pl.BlockSpec((2, 1, 128), lambda i: (i, 0, 0)),
        ],
        out_shape=[
            jax.ShapeDtypeStruct((B, 1, 128), jnp.float32),
            jax.ShapeDtypeStruct((B, 1, 128), jnp.float32),
            jax.ShapeDtypeStruct((B, 1, 128), jnp.int32),
        ],
    )(logits4, targets4)


def _sc_hist_body(l_hbm, t_hbm, top_hbm, out_hbm,
                  lb0, lb1, tb0, tb1, topv, h0, h1, h2, sem0, sem1):
    cid = lax.axis_index("c")
    sid = lax.axis_index("s")
    img = cid * 4 + sid // 4
    part = sid % 4
    orow = img * 4 + part
    band0 = part * (NCHUNK * 32)

    zeros16 = jnp.zeros((16,), jnp.float32)
    iota = lax.iota(jnp.int32, 16)
    nxt_idx = jnp.minimum(iota + 1, 15)
    not_last = iota < 15
    cnt_run = (iota + 1).astype(jnp.float32)
    neg_cnt_run = -cnt_run
    gdn = lax.GatherDimensionNumbers(
        offset_dims=(), collapsed_slice_dims=(0,), start_index_map=(0,))

    lbufs = (lb0, lb1)
    tbufs = (tb0, tb1)
    sems = (sem0, sem1)

    def _start(ci):
        rows = band0 + ci * 32
        lc = pltpu.async_copy(
            l_hbm.at[img, pl.ds(rows, 32), :], lbufs[ci % 2], sems[ci % 2])
        tc_ = pltpu.async_copy(
            t_hbm.at[img, pl.ds(rows, 32), :], tbufs[ci % 2], sems[ci % 2])
        return lc, tc_

    pend = _start(0)

    @plsc.parallel_loop(0, NBP // 16, unroll=8)
    def _zero(j):
        h0[pl.ds(j * 16, 16)] = zeros16
        h1[pl.ds(j * 16, 16)] = zeros16
        h2[pl.ds(j * 16, 16)] = zeros16

    pltpu.sync_copy(top_hbm.at[img, 0, pl.ds(0, 16)], topv)
    top = topv[...]

    for ci in range(NCHUNK):
        lbuf = lbufs[ci % 2]
        tbuf = tbufs[ci % 2]
        nxt_pend = _start(ci + 1) if ci + 1 < NCHUNK else None
        pend[0].wait()
        pend[1].wait()
        pend = nxt_pend

        @plsc.parallel_loop(0, CH // 16, unroll=4)
        def _vec(v):
            r = v >> 5
            c = (v & 31) * 16
            l = lbuf[r, pl.ds(c, 16)]
            t = tbuf[r, pl.ds(c, 16)]
            lt = l * t
            e = (1.0 + l) - (lt + lt)
            es0 = jnp.maximum(e, 0.0)
            ebits = lax.bitcast_convert_type(es0, jnp.int32)
            d = lax.shift_right_arithmetic(top - ebits, SHIFT)
            bkt = jnp.minimum(jnp.maximum((NB - 1) - d, 0), NB - 1)
            bs, es = plsc.sort_key_val(bkt, es0)
            _, gs = plsc.sort_key_val(bkt, t)
            nxt = lax.gather(bs, nxt_idx[:, None], gdn, slice_sizes=(1,),
                             mode=lax.GatherScatterMode.PROMISE_IN_BOUNDS)
            brk = bs != nxt
            isend = brk | (~not_last)
            issub = brk & not_last
            ce = plsc.cumsum(es)
            cg = plsc.cumsum(gs)
            plsc.addupdate_scatter(h0, [bs], cnt_run, mask=isend)
            plsc.addupdate_scatter(h0, [nxt], neg_cnt_run, mask=issub)
            plsc.addupdate_scatter(h1, [bs], cg, mask=isend)
            plsc.addupdate_scatter(h1, [nxt], -cg, mask=issub)
            plsc.addupdate_scatter(h2, [bs], ce, mask=isend)
            plsc.addupdate_scatter(h2, [nxt], -ce, mask=issub)

    obase = orow * 3 * NBP
    o0 = pltpu.async_copy(h0, out_hbm.at[pl.ds(obase, NBP)], sem0)
    o1 = pltpu.async_copy(h1, out_hbm.at[pl.ds(obase + NBP, NBP)], sem1)
    o2 = pltpu.async_copy(h2, out_hbm.at[pl.ds(obase + 2 * NBP, NBP)], sem0)
    o0.wait()
    o1.wait()
    o2.wait()


def _sc_hist(l3, t3, topflat):
    mesh = plsc.VectorSubcoreMesh(core_axis_name="c", subcore_axis_name="s")
    k = functools.partial(
        pl.kernel,
        mesh=mesh,
        compiler_params=pltpu.CompilerParams(needs_layout_passes=False),
        out_type=jax.ShapeDtypeStruct((NW * 3 * NBP,), jnp.float32),
        scratch_types=[
            pltpu.VMEM((32, 512), jnp.float32),
            pltpu.VMEM((32, 512), jnp.float32),
            pltpu.VMEM((32, 512), jnp.float32),
            pltpu.VMEM((32, 512), jnp.float32),
            pltpu.VMEM((16,), jnp.int32),
            pltpu.VMEM((NBP,), jnp.float32),
            pltpu.VMEM((NBP,), jnp.float32),
            pltpu.VMEM((NBP,), jnp.float32),
            pltpu.SemaphoreType.DMA,
            pltpu.SemaphoreType.DMA,
        ],
    )(_sc_hist_body)
    return k(l3, t3, topflat)


def _fin_body(h_ref, p_ref, m_ref, o_ref):
    f32 = jnp.float32
    r = lax.broadcasted_iota(jnp.int32, (128, 128), 0)
    c = lax.broadcasted_iota(jnp.int32, (128, 128), 1)
    w_incl = (r >= c).astype(f32)
    w_strict = (r > c).astype(f32)

    total = jnp.zeros((), f32)
    for img in range(B):
        r0 = img * 4
        cnt = (h_ref[r0, 0] + h_ref[r0 + 1, 0]) + (h_ref[r0 + 2, 0] + h_ref[r0 + 3, 0])
        cntp = (h_ref[r0, 1] + h_ref[r0 + 1, 1]) + (h_ref[r0 + 2, 1] + h_ref[r0 + 3, 1])
        sm = (h_ref[r0, 2] + h_ref[r0 + 1, 2]) + (h_ref[r0 + 2, 2] + h_ref[r0 + 3, 2])

        def suffix(x):
            s_in = jnp.dot(x, w_incl, preferred_element_type=f32)
            rowtot = s_in[:, :1]
            above = jnp.dot(w_strict.T, rowtot, preferred_element_type=f32)
            return s_in + above

        suf = suffix(cnt)
        sufp = suffix(cntp)
        a = suf - cnt
        ap = sufp - cntp
        p = p_ref[img, 0, 0]
        m = m_ref[img, 0, 0]
        tp = cntp
        tn = cnt - cntp
        sumpos = sm * cntp / jnp.maximum(cnt, 1.0)
        sumneg = sm - sumpos
        aa = p + a - ap
        contrib = (sumpos + sumneg * (p - ap - tp) / jnp.maximum(aa + tn, 1.0)
                   ) / jnp.maximum(aa, 1.0)
        loss = jnp.sum(contrib)
        loss = jnp.where(p == 0.0, jnp.maximum(m, 0.0), loss)
        total = total + loss
    o_ref[...] = jnp.broadcast_to(total * (1.0 / B), (1, 1))


def _finalize(h4, pc, mc):
    return pl.pallas_call(
        _fin_body,
        in_specs=[
            pl.BlockSpec((NW, 3, NBR, 128), lambda: (0, 0, 0, 0)),
            pl.BlockSpec((B, 1, 128), lambda: (0, 0, 0)),
            pl.BlockSpec((B, 1, 128), lambda: (0, 0, 0)),
        ],
        out_specs=pl.BlockSpec((1, 1), lambda: (0, 0)),
        out_shape=jax.ShapeDtypeStruct((1, 1), jnp.float32),
    )(h4, pc, mc)


def kernel(logits, targets):
    l4 = logits.reshape(B, 1, 512, 512)
    t4 = targets.reshape(B, 1, 512, 512)
    mc, pc, top = _prepass(l4, t4)
    hists = _sc_hist(logits.reshape(B, 512, 512), targets.reshape(B, 512, 512),
                     top)
    h4 = hists.reshape(NW, 3, NBR, 128)
    out = _finalize(h4, pc, mc)
    return out.reshape(())

# --- scband reference (transcript-rebuilt; emitter-appended) ---
"""Pipeline reference for scband-lovasz-binary-loss-32650341384706 (READ-ONLY COPY).

The authoritative reference and input builder live on the scoring server;
editing this copy changes nothing except your own understanding.
"""

import jax, jax.numpy as jnp
import numpy as np


def _lovasz_grad(gt_sorted_f):
    gts = gt_sorted_f.sum()
    intersection = gts - jnp.cumsum(gt_sorted_f, axis=0)
    union = gts + jnp.cumsum(1.0 - gt_sorted_f, axis=0)
    jaccard = 1.0 - intersection / union
    jaccard = jnp.concatenate([jaccard[:1], jaccard[1:] - jaccard[:-1]], axis=0)
    return jaccard


def _lovasz_hinge_flat(logits_flat, targets_flat_f):
    signs = 2.0 * targets_flat_f - 1.0
    errors = 1.0 - logits_flat * signs
    perm = jnp.argsort(-errors)  # descending sort permutation
    errors_sorted = errors[perm]
    gt_sorted = targets_flat_f[perm]
    grad = _lovasz_grad(gt_sorted)
    return jnp.dot(jax.nn.relu(errors_sorted), grad)


def setup_inputs(seed: int = 0) -> dict:
    key = jax.random.key(seed)
    k1, k2 = jax.random.split(key)
    logits = jax.random.normal(k1, (8, 1, 512, 512), dtype=jnp.float32)
    targets = jax.random.randint(k2, (8, 1, 512, 512), 0, 2).astype(jnp.float32)
    return {"logits": logits, "targets": targets}


def reference(logits, targets):
    # per_image=True: compute Lovasz hinge per image, then mean over batch
    B = logits.shape[0]
    logits_f = logits.reshape(B, -1)
    targets_f = (targets.reshape(B, -1) > 0.5).astype(jnp.float32)
    losses = jax.vmap(_lovasz_hinge_flat)(logits_f, targets_f)
    return losses.mean()

if __name__ == "__main__":
    import jax
    _d = setup_inputs()
    print(jax.jit(kernel)(*tuple(_d.values())))

</pallas_src>

<mosaic_0001>
#map = affine_map<(d0, d1) -> (0, 0, 0)>
#map1 = affine_map<(d0, d1) -> (0)>
module attributes {stable_mosaic.version = 14 : i64} {
  func.func @_sc_hist_body(%arg0: i32, %arg1: i32, %arg2: memref<8x512x512xf32, #tpu.memory_space<hbm>>, %arg3: memref<8x512x512xf32, #tpu.memory_space<hbm>>, %arg4: memref<8x1x128xi32, #tpu.memory_space<hbm>>, %arg5: memref<1572864xf32, #tpu.memory_space<hbm>>, %arg6: memref<32x512xf32, #tpu.memory_space<vmem>>, %arg7: memref<32x512xf32, #tpu.memory_space<vmem>>, %arg8: memref<32x512xf32, #tpu.memory_space<vmem>>, %arg9: memref<32x512xf32, #tpu.memory_space<vmem>>, %arg10: memref<16xi32, #tpu.memory_space<vmem>>, %arg11: memref<16384xf32, #tpu.memory_space<vmem>>, %arg12: memref<16384xf32, #tpu.memory_space<vmem>>, %arg13: memref<16384xf32, #tpu.memory_space<vmem>>, %arg14: memref<!tpu.dma_semaphore, #tpu.memory_space<semaphore_mem>>, %arg15: memref<!tpu.dma_semaphore, #tpu.memory_space<semaphore_mem>>) attributes {dimension_semantics = [#tpu.dimension_semantics<core_parallel>, #tpu.dimension_semantics<subcore_parallel>], iteration_bounds = array<i64: 2, 16>, scalar_prefetch = 0 : i64, scratch_operands = 10 : i64, tpu.core_type = #tpu.core_type<sc_vector_subcore>, window_params = [{transform_indices = #map}, {transform_indices = #map}, {transform_indices = #map}, {transform_indices = #map1}]} {
    %mul3A = arith.constant 4 : i32
    %mul3A_0 = arith.muli %arg0, %mul3A : i32
    %jit3A = arith.constant 4 : i32
    %div3A = arith.divsi %arg1, %jit3A : i32
    %sign3A = arith.constant 0 : i32
    %sign3A_1 = arith.cmpi sgt, %arg1, %sign3A : i32
    %sign3A_2 = arith.extui %sign3A_1 : i1 to i32
    %sign3A_3 = arith.constant 0 : i32
    %sign3A_4 = arith.cmpi slt, %arg1, %sign3A_3 : i32
    %sign3A_5 = arith.extui %sign3A_4 : i1 to i32
    %sign3A_6 = arith.subi %sign3A_2, %sign3A_5 : i32
    %sign3A_7 = arith.constant 0 : i32
    %sign3A_8 = arith.cmpi sgt, %jit3A, %sign3A_7 : i32
    %sign3A_9 = arith.extui %sign3A_8 : i1 to i32
    %sign3A_10 = arith.constant 0 : i32
    %sign3A_11 = arith.cmpi slt, %jit3A, %sign3A_10 : i32
    %sign3A_12 = arith.extui %sign3A_11 : i1 to i32
    %sign3A_13 = arith.subi %sign3A_9, %sign3A_12 : i32
    %ne3A = arith.cmpi ne, %sign3A_6, %sign3A_13 : i32
    %rem3A = arith.remsi %arg1, %jit3A : i32
    %ne3A_14 = arith.constant 0 : i32
    %ne3A_15 = arith.cmpi ne, %rem3A, %ne3A_14 : i32
    %and3A = arith.andi %ne3A, %ne3A_15 : i1
    %sub3A = arith.constant 1 : i32
    %sub3A_16 = arith.subi %div3A, %sub3A : i32
    %select_n3A = arith.select %and3A, %sub3A_16, %div3A : i32
    %add3A = arith.addi %mul3A_0, %select_n3A : i32
    %jit3A_17 = arith.constant 4 : i32
    %eq3A = arith.constant 0 : i32
    %eq3A_18 = arith.cmpi eq, %jit3A_17, %eq3A : i32
    %jit3A_19 = arith.constant 1 : i32
    %select_n3A_20 = arith.select %eq3A_18, %jit3A_19, %jit3A_17 : i32
    %rem3A_21 = arith.remsi %arg1, %select_n3A_20 : i32
    %ne3A_22 = arith.constant 0 : i32
    %ne3A_23 = arith.cmpi ne, %rem3A_21, %ne3A_22 : i32
    %lt3A = arith.constant 0 : i32
    %lt3A_24 = arith.cmpi slt, %rem3A_21, %lt3A : i32
    %lt3A_25 = arith.constant 0 : i32
    %lt3A_26 = arith.cmpi slt, %select_n3A_20, %lt3A_25 : i32
    %ne3A_27 = arith.xori %lt3A_24, %lt3A_26 : i1
    %and3A_28 = arith.andi %ne3A_27, %ne3A_23 : i1
    %add3A_29 = arith.addi %rem3A_21, %select_n3A_20 : i32
    %select_n3A_30 = arith.select %and3A_28, %add3A_29, %rem3A_21 : i32
    %mul3A_31 = arith.constant 4 : i32
    %mul3A_32 = arith.muli %add3A, %mul3A_31 : i32
    %add3A_33 = arith.addi %mul3A_32, %select_n3A_30 : i32
    %mul3A_34 = arith.constant 128 : i32
    %mul3A_35 = arith.muli %select_n3A_30, %mul3A_34 : i32
    %broadcast_in_dim3A = arith.constant 0.000000e+00 : f32
    %broadcast_in_dim3A_36 = vector.broadcast %broadcast_in_dim3A : f32 to vector<16xf32>
    %iota3A = tpu.iota {dimensions = array<i32: 0>} : vector<16xi32>
    %add3A_37 = arith.constant 1 : i32
    %add3A_38 = vector.broadcast %add3A_37 : i32 to vector<16xi32>
    %add3A_39 = arith.addi %iota3A, %add3A_38 : vector<16xi32>
    %min3A = arith.constant 15 : i32
    %min3A_40 = vector.broadcast %min3A : i32 to vector<16xi32>
    %min3A_41 = arith.minsi %add3A_39, %min3A_40 : vector<16xi32>
    %lt3A_42 = arith.constant 15 : i32
    %lt3A_43 = vector.broadcast %lt3A_42 : i32 to vector<16xi32>
    %lt3A_44 = arith.cmpi slt, %iota3A, %lt3A_43 : vector<16xi32>
    %add3A_45 = arith.constant 1 : i32
    %add3A_46 = vector.broadcast %add3A_45 : i32 to vector<16xi32>
    %add3A_47 = arith.addi %iota3A, %add3A_46 : vector<16xi32>
    %convert_element_type3A = arith.sitofp %add3A_47 : vector<16xi32> to vector<16xf32>
    %neg3A = arith.constant 0.000000e+00 : f32
    %neg3A_48 = vector.broadcast %neg3A : f32 to vector<16xf32>
    %neg3A_49 = arith.subf %neg3A_48, %convert_element_type3A : vector<16xf32>
    %add3A_50 = arith.constant 0 : i32
    %add3A_51 = arith.addi %mul3A_35, %add3A_50 : i32
    %dma_start3A = arith.constant 0 : i32
    %dma_start3A_52 = tpu.memref_slice %arg2[%add3A, %add3A_51, %dma_start3A] : memref<8x512x512xf32, #tpu.memory_space<hbm>> -> memref<1x32x512xf32, #tpu.memory_space<hbm>>
    %dma_start3A_53 = tpu.memref_squeeze %dma_start3A_52 : memref<1x32x512xf32, #tpu.memory_space<hbm>> -> memref<32x512xf32, #tpu.memory_space<hbm>>
    %dma_start3A_54 = arith.constant 0 : i32
    %dma_start3A_55 = tpu.memref_slice %arg2[%add3A, %add3A_51, %dma_start3A_54] : memref<8x512x512xf32, #tpu.memory_space<hbm>> -> memref<1x32x512xf32, #tpu.memory_space<hbm>>
    %dma_start3A_56 = tpu.memref_squeeze %dma_start3A_55 : memref<1x32x512xf32, #tpu.memory_space<hbm>> -> memref<32x512xf32, #tpu.memory_space<hbm>>
    tpu.enqueue_dma source(%dma_start3A_56 : memref<32x512xf32, #tpu.memory_space<hbm>>) target(%arg6 : memref<32x512xf32, #tpu.memory_space<vmem>>) target_semaphore(%arg14 : memref<!tpu.dma_semaphore, #tpu.memory_space<semaphore_mem>>)
    %dma_start3A_57 = arith.constant 0 : i32
    %dma_start3A_58 = tpu.memref_slice %arg3[%add3A, %add3A_51, %dma_start3A_57] : memref<8x512x512xf32, #tpu.memory_space<hbm>> -> memref<1x32x512xf32, #tpu.memory_space<hbm>>
    %dma_start3A_59 = tpu.memref_squeeze %dma_start3A_58 : memref<1x32x512xf32, #tpu.memory_space<hbm>> -> memref<32x512xf32, #tpu.memory_space<hbm>>
    %dma_start3A_60 = arith.constant 0 : i32
    %dma_start3A_61 = tpu.memref_slice %arg3[%add3A, %add3A_51, %dma_start3A_60] : memref<8x512x512xf32, #tpu.memory_space<hbm>> -> memref<1x32x512xf32, #tpu.memory_space<hbm>>
    %dma_start3A_62 = tpu.memref_squeeze %dma_start3A_61 : memref<1x32x512xf32, #tpu.memory_space<hbm>> -> memref<32x512xf32, #tpu.memory_space<hbm>>
    tpu.enqueue_dma source(%dma_start3A_62 : memref<32x512xf32, #tpu.memory_space<hbm>>) target(%arg8 : memref<32x512xf32, #tpu.memory_space<vmem>>) target_semaphore(%arg14 : memref<!tpu.dma_semaphore, #tpu.memory_space<semaphore_mem>>)
    %parallel_loop3A = arith.constant 0 : i32
    %parallel_loop3A_63 = arith.constant 1024 : i32
    %parallel_loop3A_64 = arith.constant 1 : i32
    scf.for %parallel_loop3A_187 = %parallel_loop3A to %parallel_loop3A_63 step %parallel_loop3A_64  : i32 {
      %parallel_loop3A_188 = arith.constant 16 : i32
      %parallel_loop3A_189 = arith.muli %parallel_loop3A_187, %parallel_loop3A_188 : i32
      %parallel_loop3A_190 = arith.index_cast %parallel_loop3A_189 : i32 to index
      %parallel_loop3A_191 = tpu.vector_load %arg11[%parallel_loop3A_190] {strides = array<i32>} : memref<16384xf32, #tpu.memory_space<vmem>>, vector<16xf32>,
      tpu.vector_store %arg11[%parallel_loop3A_190], %broadcast_in_dim3A_36 {strides = array<i32>} : memref<16384xf32, #tpu.memory_space<vmem>>, vector<16xf32>,
      %parallel_loop3A_192 = arith.constant 16 : i32
      %parallel_loop3A_193 = arith.muli %parallel_loop3A_187, %parallel_loop3A_192 : i32
      %parallel_loop3A_194 = arith.index_cast %parallel_loop3A_193 : i32 to index
      %parallel_loop3A_195 = tpu.vector_load %arg12[%parallel_loop3A_194] {strides = array<i32>} : memref<16384xf32, #tpu.memory_space<vmem>>, vector<16xf32>,
      tpu.vector_store %arg12[%parallel_loop3A_194], %broadcast_in_dim3A_36 {strides = array<i32>} : memref<16384xf32, #tpu.memory_space<vmem>>, vector<16xf32>,
      %parallel_loop3A_196 = arith.constant 16 : i32
      %parallel_loop3A_197 = arith.muli %parallel_loop3A_187, %parallel_loop3A_196 : i32
      %parallel_loop3A_198 = arith.index_cast %parallel_loop3A_197 : i32 to index
      %parallel_loop3A_199 = tpu.vector_load %arg13[%parallel_loop3A_198] {strides = array<i32>} : memref<16384xf32, #tpu.memory_space<vmem>>, vector<16xf32>,
      tpu.vector_store %arg13[%parallel_loop3A_198], %broadcast_in_dim3A_36 {strides = array<i32>} : memref<16384xf32, #tpu.memory_space<vmem>>, vector<16xf32>,
    } {sc.loop_unroll_factor = 8 : i64, sc.parallel_access}
    %run_scoped3A = arith.constant 0 : i32
    "tpu.region"() ({
      %run_scoped3A_187 = tpu.sem_alloc : memref<!tpu.dma_semaphore, #tpu.memory_space<semaphore_mem>>
      %dma_start3A_188 = arith.constant 0 : i32
      %dma_start3A_189 = tpu.memref_slice %arg4[%add3A, %run_scoped3A, %dma_start3A_188] : memref<8x1x128xi32, #tpu.memory_space<hbm>> -> memref<1x1x16xi32, #tpu.memory_space<hbm>>
      %dma_start3A_190 = tpu.memref_squeeze %dma_start3A_189 : memref<1x1x16xi32, #tpu.memory_space<hbm>> -> memref<16xi32, #tpu.memory_space<hbm>>
      %dma_start3A_191 = arith.constant 0 : i32
      %dma_start3A_192 = tpu.memref_slice %arg4[%add3A, %run_scoped3A, %dma_start3A_191] : memref<8x1x128xi32, #tpu.memory_space<hbm>> -> memref<1x1x16xi32, #tpu.memory_space<hbm>>
      %dma_start3A_193 = tpu.memref_squeeze %dma_start3A_192 : memref<1x1x16xi32, #tpu.memory_space<hbm>> -> memref<16xi32, #tpu.memory_space<hbm>>
      tpu.enqueue_dma source(%dma_start3A_193 : memref<16xi32, #tpu.memory_space<hbm>>) target(%arg10 : memref<16xi32, #tpu.memory_space<vmem>>) target_semaphore(%run_scoped3A_187 : memref<!tpu.dma_semaphore, #tpu.memory_space<semaphore_mem>>)
      %dma_wait3A_194 = arith.constant 0 : i32
      %dma_wait3A_195 = tpu.memref_slice %arg4[%add3A, %run_scoped3A, %dma_wait3A_194] : memref<8x1x128xi32, #tpu.memory_space<hbm>> -> memref<1x1x16xi32, #tpu.memory_space<hbm>>
      %dma_wait3A_196 = tpu.memref_squeeze %dma_wait3A_195 : memref<1x1x16xi32, #tpu.memory_space<hbm>> -> memref<16xi32, #tpu.memory_space<hbm>>
      %dma_wait3A_197 = arith.constant 0 : i32
      %dma_wait3A_198 = tpu.memref_slice %arg4[%add3A, %run_scoped3A, %dma_wait3A_197] : memref<8x1x128xi32, #tpu.memory_space<hbm>> -> memref<1x1x16xi32, #tpu.memory_space<hbm>>
      %dma_wait3A_199 = tpu.memref_squeeze %dma_wait3A_198 : memref<1x1x16xi32, #tpu.memory_space<hbm>> -> memref<16xi32, #tpu.memory_space<hbm>>
      tpu.wait_dma2 semaphore(%run_scoped3A_187 : memref<!tpu.dma_semaphore, #tpu.memory_space<semaphore_mem>>) src(%dma_wait3A_199 : memref<16xi32, #tpu.memory_space<hbm>>) dst(%arg10 : memref<16xi32, #tpu.memory_space<vmem>>)
      tpu.yield
    }) : () -> ()
    %get3A = arith.constant 0 : index
    %get3A_65 = tpu.vector_load %arg10[%get3A] {strides = array<i32>} : memref<16xi32, #tpu.memory_space<vmem>>, vector<16xi32>,
    %add3A_66 = arith.constant 32 : i32
    %add3A_67 = arith.addi %mul3A_35, %add3A_66 : i32
    %dma_start3A_68 = arith.constant 0 : i32
    %dma_start3A_69 = tpu.memref_slice %arg2[%add3A, %add3A_67, %dma_start3A_68] : memref<8x512x512xf32, #tpu.memory_space<hbm>> -> memref<1x32x512xf32, #tpu.memory_space<hbm>>
    %dma_start3A_70 = tpu.memref_squeeze %dma_start3A_69 : memref<1x32x512xf32, #tpu.memory_space<hbm>> -> memref<32x512xf32, #tpu.memory_space<hbm>>
    %dma_start3A_71 = arith.constant 0 : i32
    %dma_start3A_72 = tpu.memref_slice %arg2[%add3A, %add3A_67, %dma_start3A_71] : memref<8x512x512xf32, #tpu.memory_space<hbm>> -> memref<1x32x512xf32, #tpu.memory_space<hbm>>
    %dma_start3A_73 = tpu.memref_squeeze %dma_start3A_72 : memref<1x32x512xf32, #tpu.memory_space<hbm>> -> memref<32x512xf32, #tpu.memory_space<hbm>>
    tpu.enqueue_dma source(%dma_start3A_73 : memref<32x512xf32, #tpu.memory_space<hbm>>) target(%arg7 : memref<32x512xf32, #tpu.memory_space<vmem>>) target_semaphore(%arg15 : memref<!tpu.dma_semaphore, #tpu.memory_space<semaphore_mem>>)
    %dma_start3A_74 = arith.constant 0 : i32
    %dma_start3A_75 = tpu.memref_slice %arg3[%add3A, %add3A_67, %dma_start3A_74] : memref<8x512x512xf32, #tpu.memory_space<hbm>> -> memref<1x32x512xf32, #tpu.memory_space<hbm>>
    %dma_start3A_76 = tpu.memref_squeeze %dma_start3A_75 : memref<1x32x512xf32, #tpu.memory_space<hbm>> -> memref<32x512xf32, #tpu.memory_space<hbm>>
    %dma_start3A_77 = arith.constant 0 : i32
    %dma_start3A_78 = tpu.memref_slice %arg3[%add3A, %add3A_67, %dma_start3A_77] : memref<8x512x512xf32, #tpu.memory_space<hbm>> -> memref<1x32x512xf32, #tpu.memory_space<hbm>>
    %dma_start3A_79 = tpu.memref_squeeze %dma_start3A_78 : memref<1x32x512xf32, #tpu.memory_space<hbm>> -> memref<32x512xf32, #tpu.memory_space<hbm>>
    tpu.enqueue_dma source(%dma_start3A_79 : memref<32x512xf32, #tpu.memory_space<hbm>>) target(%arg9 : memref<32x512xf32, #tpu.memory_space<vmem>>) target_semaphore(%arg15 : memref<!tpu.dma_semaphore, #tpu.memory_space<semaphore_mem>>)
    %dma_wait3A = arith.constant 0 : i32
    %dma_wait3A_80 = tpu.memref_slice %arg2[%add3A, %add3A_51, %dma_wait3A] : memref<8x512x512xf32, #tpu.memory_space<hbm>> -> memref<1x32x512xf32, #tpu.memory_space<hbm>>
    %dma_wait3A_81 = tpu.memref_squeeze %dma_wait3A_80 : memref<1x32x512xf32, #tpu.memory_space<hbm>> -> memref<32x512xf32, #tpu.memory_space<hbm>>
    %dma_wait3A_82 = arith.constant 0 : i32
    %dma_wait3A_83 = tpu.memref_slice %arg2[%add3A, %add3A_51, %dma_wait3A_82] : memref<8x512x512xf32, #tpu.memory_space<hbm>> -> memref<1x32x512xf32, #tpu.memory_space<hbm>>
    %dma_wait3A_84 = tpu.memref_squeeze %dma_wait3A_83 : memref<1x32x512xf32, #tpu.memory_space<hbm>> -> memref<32x512xf32, #tpu.memory_space<hbm>>
    tpu.wait_dma2 semaphore(%arg14 : memref<!tpu.dma_semaphore, #tpu.memory_space<semaphore_mem>>) src(%dma_wait3A_84 : memref<32x512xf32, #tpu.memory_space<hbm>>) dst(%arg6 : memref<32x512xf32, #tpu.memory_space<vmem>>)
    %dma_wait3A_85 = arith.constant 0 : i32
    %dma_wait3A_86 = tpu.memref_slice %arg3[%add3A, %add3A_51, %dma_wait3A_85] : memref<8x512x512xf32, #tpu.memory_space<hbm>> -> memref<1x32x512xf32, #tpu.memory_space<hbm>>
    %dma_wait3A_87 = tpu.memref_squeeze %dma_wait3A_86 : memref<1x32x512xf32, #tpu.memory_space<hbm>> -> memref<32x512xf32, #tpu.memory_space<hbm>>
    %dma_wait3A_88 = arith.constant 0 : i32
    %dma_wait3A_89 = tpu.memref_slice %arg3[%add3A, %add3A_51, %dma_wait3A_88] : memref<8x512x512xf32, #tpu.memory_space<hbm>> -> memref<1x32x512xf32, #tpu.memory_space<hbm>>
    %dma_wait3A_90 = tpu.memref_squeeze %dma_wait3A_89 : memref<1x32x512xf32, #tpu.memory_space<hbm>> -> memref<32x512xf32, #tpu.memory_space<hbm>>
    tpu.wait_dma2 semaphore(%arg14 : memref<!tpu.dma_semaphore, #tpu.memory_space<semaphore_mem>>) src(%dma_wait3A_90 : memref<32x512xf32, #tpu.memory_space<hbm>>) dst(%arg8 : memref<32x512xf32, #tpu.memory_space<vmem>>)
    %parallel_loop3A_91 = arith.constant 0 : i32
    %parallel_loop3A_92 = arith.constant 1024 : i32
    %parallel_loop3A_93 = arith.constant 1 : i32
    scf.for %parallel_loop3A_187 = %parallel_loop3A_91 to %parallel_loop3A_92 step %parallel_loop3A_93  : i32 {
      %parallel_loop3A_188 = arith.constant 5 : i32
      %parallel_loop3A_189 = arith.shrsi %parallel_loop3A_187, %parallel_loop3A_188 : i32
      %parallel_loop3A_190 = arith.constant 31 : i32
      %parallel_loop3A_191 = arith.andi %parallel_loop3A_187, %parallel_loop3A_190 : i32
      %parallel_loop3A_192 = arith.constant 16 : i32
      %parallel_loop3A_193 = arith.muli %parallel_loop3A_191, %parallel_loop3A_192 : i32
      %parallel_loop3A_194 = arith.index_cast %parallel_loop3A_189 : i32 to index
      %parallel_loop3A_195 = arith.index_cast %parallel_loop3A_193 : i32 to index
      %parallel_loop3A_196 = tpu.vector_load %arg6[%parallel_loop3A_194, %parallel_loop3A_195] {strides = array<i32>} : memref<32x512xf32, #tpu.memory_space<vmem>>, vector<16xf32>,
      %parallel_loop3A_197 = arith.index_cast %parallel_loop3A_189 : i32 to index
      %parallel_loop3A_198 = arith.index_cast %parallel_loop3A_193 : i32 to index
      %parallel_loop3A_199 = tpu.vector_load %arg8[%parallel_loop3A_197, %parallel_loop3A_198] {strides = array<i32>} : memref<32x512xf32, #tpu.memory_space<vmem>>, vector<16xf32>,
      %parallel_loop3A_200 = arith.mulf %parallel_loop3A_196, %parallel_loop3A_199 : vector<16xf32>
      %parallel_loop3A_201 = arith.constant 1.000000e+00 : f32
      %parallel_loop3A_202 = vector.broadcast %parallel_loop3A_201 : f32 to vector<16xf32>
      %parallel_loop3A_203 = arith.addf %parallel_loop3A_202, %parallel_loop3A_196 : vector<16xf32>
      %parallel_loop3A_204 = arith.addf %parallel_loop3A_200, %parallel_loop3A_200 : vector<16xf32>
      %parallel_loop3A_205 = arith.subf %parallel_loop3A_203, %parallel_loop3A_204 : vector<16xf32>
      %parallel_loop3A_206 = arith.constant 0.000000e+00 : f32
      %parallel_loop3A_207 = vector.broadcast %parallel_loop3A_206 : f32 to vector<16xf32>
      %parallel_loop3A_208 = arith.maximumf %parallel_loop3A_205, %parallel_loop3A_207 : vector<16xf32>
      %parallel_loop3A_209 = tpu.bitcast %parallel_loop3A_208 : vector<16xf32> -> vector<16xi32>
      %parallel_loop3A_210 = arith.subi %get3A_65, %parallel_loop3A_209 : vector<16xi32>
      %parallel_loop3A_211 = arith.constant 14 : i32
      %parallel_loop3A_212 = vector.broadcast %parallel_loop3A_211 : i32 to vector<16xi32>
      %parallel_loop3A_213 = arith.shrsi %parallel_loop3A_210, %parallel_loop3A_212 : vector<16xi32>
      %parallel_loop3A_214 = arith.constant 16383 : i32
      %parallel_loop3A_215 = vector.broadcast %parallel_loop3A_214 : i32 to vector<16xi32>
      %parallel_loop3A_216 = arith.subi %parallel_loop3A_215, %parallel_loop3A_213 : vector<16xi32>
      %parallel_loop3A_217 = arith.constant 0 : i32
      %parallel_loop3A_218 = vector.broadcast %parallel_loop3A_217 : i32 to vector<16xi32>
      %parallel_loop3A_219 = arith.maxsi %parallel_loop3A_216, %parallel_loop3A_218 : vector<16xi32>
      %parallel_loop3A_220 = arith.constant 16383 : i32
      %parallel_loop3A_221 = vector.broadcast %parallel_loop3A_220 : i32 to vector<16xi32>
      %parallel_loop3A_222 = arith.minsi %parallel_loop3A_219, %parallel_loop3A_221 : vector<16xi32>
      %parallel_loop3A_223 = arith.constant dense<true> : vector<16xi1>
      %parallel_loop3A_224 = arith.constant -2147483648 : i32
      %parallel_loop3A_225 = vector.broadcast %parallel_loop3A_224 : i32 to vector<16xi32>
      %parallel_loop3A_226 = arith.xori %parallel_loop3A_222, %parallel_loop3A_225 : vector<16xi32>
      %parallel_loop3A_227, %parallel_loop3A_228, %parallel_loop3A_229 = tpu.sort %parallel_loop3A_226, %parallel_loop3A_208 masked %parallel_loop3A_223 : (vector<16xi32>, vector<16xf32>, vector<16xi1>) -> (vector<16xi1>, vector<16xi32>, vector<16xf32>)
      %parallel_loop3A_230 = arith.xori %parallel_loop3A_228, %parallel_loop3A_225 : vector<16xi32>
      %parallel_loop3A_231 = arith.constant dense<true> : vector<16xi1>
      %parallel_loop3A_232 = arith.constant -2147483648 : i32
      %parallel_loop3A_233 = vector.broadcast %parallel_loop3A_232 : i32 to vector<16xi32>
      %parallel_loop3A_234 = arith.xori %parallel_loop3A_222, %parallel_loop3A_233 : vector<16xi32>
      %parallel_loop3A_235, %parallel_loop3A_236, %parallel_loop3A_237 = tpu.sort %parallel_loop3A_234, %parallel_loop3A_199 masked %parallel_loop3A_231 : (vector<16xi32>, vector<16xf32>, vector<16xi1>) -> (vector<16xi1>, vector<16xi32>, vector<16xf32>)
      %parallel_loop3A_238 = arith.xori %parallel_loop3A_236, %parallel_loop3A_233 : vector<16xi32>
      %parallel_loop3A_239 = vector.shape_cast %min3A_41 : vector<16xi32> to vector<16x1xi32>
      %parallel_loop3A_240 = vector.shape_cast %parallel_loop3A_239 : vector<16x1xi32> to vector<16xi32>
      %parallel_loop3A_241 = tpu.dynamic_gather %parallel_loop3A_230[%parallel_loop3A_240] in [0] : vector<16xi32>, vector<16xi32> -> vector<16xi32>
      %parallel_loop3A_242 = arith.cmpi ne, %parallel_loop3A_230, %parallel_loop3A_241 : vector<16xi32>
      %parallel_loop3A_243 = arith.constant dense<true> : vector<16xi1>
      %parallel_loop3A_244 = arith.xori %lt3A_44, %parallel_loop3A_243 : vector<16xi1>
      %parallel_loop3A_245 = arith.ori %parallel_loop3A_242, %parallel_loop3A_244 : vector<16xi1>
      %parallel_loop3A_246 = arith.andi %parallel_loop3A_242, %lt3A_44 : vector<16xi1>
      %parallel_loop3A_247 = arith.constant true
      %parallel_loop3A_248 = vector.broadcast %parallel_loop3A_247 : i1 to vector<16xi1>
      %parallel_loop3A_249 = tpu.scan <sum>, %parallel_loop3A_229 masked %parallel_loop3A_248 : vector<16xf32>, vector<16xi1> -> vector<16xf32>
      %parallel_loop3A_250 = arith.constant true
      %parallel_loop3A_251 = vector.broadcast %parallel_loop3A_250 : i1 to vector<16xi1>
      %parallel_loop3A_252 = tpu.scan <sum>, %parallel_loop3A_237 masked %parallel_loop3A_251 : vector<16xf32>, vector<16xi1> -> vector<16xf32>
      tpu.vector_store_idx %arg11[%parallel_loop3A_230], %convert_element_type3A masked %parallel_loop3A_245 {add = true} : memref<16384xf32, #tpu.memory_space<vmem>>[vector<16xi32>], vector<16xf32>, vector<16xi1>
      tpu.vector_store_idx %arg11[%parallel_loop3A_241], %neg3A_49 masked %parallel_loop3A_246 {add = true} : memref<16384xf32, #tpu.memory_space<vmem>>[vector<16xi32>], vector<16xf32>, vector<16xi1>
      tpu.vector_store_idx %arg12[%parallel_loop3A_230], %parallel_loop3A_252 masked %parallel_loop3A_245 {add = true} : memref<16384xf32, #tpu.memory_space<vmem>>[vector<16xi32>], vector<16xf32>, vector<16xi1>
      %parallel_loop3A_253 = arith.constant 0.000000e+00 : f32
      %parallel_loop3A_254 = vector.broadcast %parallel_loop3A_253 : f32 to vector<16xf32>
      %parallel_loop3A_255 = arith.subf %parallel_loop3A_254, %parallel_loop3A_252 : vector<16xf32>
      tpu.vector_store_idx %arg12[%parallel_loop3A_241], %parallel_loop3A_255 masked %parallel_loop3A_246 {add = true} : memref<16384xf32, #tpu.memory_space<vmem>>[vector<16xi32>], vector<16xf32>, vector<16xi1>
      tpu.vector_store_idx %arg13[%parallel_loop3A_230], %parallel_loop3A_249 masked %parallel_loop3A_245 {add = true} : memref<16384xf32, #tpu.memory_space<vmem>>[vector<16xi32>], vector<16xf32>, vector<16xi1>
      %parallel_loop3A_256 = arith.constant 0.000000e+00 : f32
      %parallel_loop3A_257 = vector.broadcast %parallel_loop3A_256 : f32 to vector<16xf32>
      %parallel_loop3A_258 = arith.subf %parallel_loop3A_257, %parallel_loop3A_249 : vector<16xf32>
      tpu.vector_store_idx %arg13[%parallel_loop3A_241], %parallel_loop3A_258 masked %parallel_loop3A_246 {add = true} : memref<16384xf32, #tpu.memory_space<vmem>>[vector<16xi32>], vector<16xf32>, vector<16xi1>
    } {sc.loop_unroll_factor = 4 : i64, sc.parallel_access}
    %add3A_94 = arith.constant 64 : i32
    %add3A_95 = arith.addi %mul3A_35, %add3A_94 : i32
    %dma_start3A_96 = arith.constant 0 : i32
    %dma_start3A_97 = tpu.memref_slice %arg2[%add3A, %add3A_95, %dma_start3A_96] : memref<8x512x512xf32, #tpu.memory_space<hbm>> -> memref<1x32x512xf32, #tpu.memory_space<hbm>>
    %dma_start3A_98 = tpu.memref_squeeze %dma_start3A_97 : memref<1x32x512xf32, #tpu.memory_space<hbm>> -> memref<32x512xf32, #tpu.memory_space<hbm>>
    %dma_start3A_99 = arith.constant 0 : i32
    %dma_start3A_100 = tpu.memref_slice %arg2[%add3A, %add3A_95, %dma_start3A_99] : memref<8x512x512xf32, #tpu.memory_space<hbm>> -> memref<1x32x512xf32, #tpu.memory_space<hbm>>
    %dma_start3A_101 = tpu.memref_squeeze %dma_start3A_100 : memref<1x32x512xf32, #tpu.memory_space<hbm>> -> memref<32x512xf32, #tpu.memory_space<hbm>>
    tpu.enqueue_dma source(%dma_start3A_101 : memref<32x512xf32, #tpu.memory_space<hbm>>) target(%arg6 : memref<32x512xf32, #tpu.memory_space<vmem>>) target_semaphore(%arg14 : memref<!tpu.dma_semaphore, #tpu.memory_space<semaphore_mem>>)
    %dma_start3A_102 = arith.constant 0 : i32
    %dma_start3A_103 = tpu.memref_slice %arg3[%add3A, %add3A_95, %dma_start3A_102] : memref<8x512x512xf32, #tpu.memory_space<hbm>> -> memref<1x32x512xf32, #tpu.memory_space<hbm>>
    %dma_start3A_104 = tpu.memref_squeeze %dma_start3A_103 : memref<1x32x512xf32, #tpu.memory_space<hbm>> -> memref<32x512xf32, #tpu.memory_space<hbm>>
    %dma_start3A_105 = arith.constant 0 : i32
    %dma_start3A_106 = tpu.memref_slice %arg3[%add3A, %add3A_95, %dma_start3A_105] : memref<8x512x512xf32, #tpu.memory_space<hbm>> -> memref<1x32x512xf32, #tpu.memory_space<hbm>>
    %dma_start3A_107 = tpu.memref_squeeze %dma_start3A_106 : memref<1x32x512xf32, #tpu.memory_space<hbm>> -> memref<32x512xf32, #tpu.memory_space<hbm>>
    tpu.enqueue_dma source(%dma_start3A_107 : memref<32x512xf32, #tpu.memory_space<hbm>>) target(%arg8 : memref<32x512xf32, #tpu.memory_space<vmem>>) target_semaphore(%arg14 : memref<!tpu.dma_semaphore, #tpu.memory_space<semaphore_mem>>)
    %dma_wait3A_108 = arith.constant 0 : i32
    %dma_wait3A_109 = tpu.memref_slice %arg2[%add3A, %add3A_67, %dma_wait3A_108] : memref<8x512x512xf32, #tpu.memory_space<hbm>> -> memref<1x32x512xf32, #tpu.memory_space<hbm>>
    %dma_wait3A_110 = tpu.memref_squeeze %dma_wait3A_109 : memref<1x32x512xf32, #tpu.memory_space<hbm>> -> memref<32x512xf32, #tpu.memory_space<hbm>>
    %dma_wait3A_111 = arith.constant 0 : i32
    %dma_wait3A_112 = tpu.memref_slice %arg2[%add3A, %add3A_67, %dma_wait3A_111] : memref<8x512x512xf32, #tpu.memory_space<hbm>> -> memref<1x32x512xf32, #tpu.memory_space<hbm>>
    %dma_wait3A_113 = tpu.memref_squeeze %dma_wait3A_112 : memref<1x32x512xf32, #tpu.memory_space<hbm>> -> memref<32x512xf32, #tpu.memory_space<hbm>>
    tpu.wait_dma2 semaphore(%arg15 : memref<!tpu.dma_semaphore, #tpu.memory_space<semaphore_mem>>) src(%dma_wait3A_113 : memref<32x512xf32, #tpu.memory_space<hbm>>) dst(%arg7 : memref<32x512xf32, #tpu.memory_space<vmem>>)
    %dma_wait3A_114 = arith.constant 0 : i32
    %dma_wait3A_115 = tpu.memref_slice %arg3[%add3A, %add3A_67, %dma_wait3A_114] : memref<8x512x512xf32, #tpu.memory_space<hbm>> -> memref<1x32x512xf32, #tpu.memory_space<hbm>>
    %dma_wait3A_116 = tpu.memref_squeeze %dma_wait3A_115 : memref<1x32x512xf32, #tpu.memory_space<hbm>> -> memref<32x512xf32, #tpu.memory_space<hbm>>
    %dma_wait3A_117 = arith.constant 0 : i32
    %dma_wait3A_118 = tpu.memref_slice %arg3[%add3A, %add3A_67, %dma_wait3A_117] : memref<8x512x512xf32, #tpu.memory_space<hbm>> -> memref<1x32x512xf32, #tpu.memory_space<hbm>>
    %dma_wait3A_119 = tpu.memref_squeeze %dma_wait3A_118 : memref<1x32x512xf32, #tpu.memory_space<hbm>> -> memref<32x512xf32, #tpu.memory_space<hbm>>
    tpu.wait_dma2 semaphore(%arg15 : memref<!tpu.dma_semaphore, #tpu.memory_space<semaphore_mem>>) src(%dma_wait3A_119 : memref<32x512xf32, #tpu.memory_space<hbm>>) dst(%arg9 : memref<32x512xf32, #tpu.memory_space<vmem>>)
    %parallel_loop3A_120 = arith.constant 0 : i32
    %parallel_loop3A_121 = arith.constant 1024 : i32
    %parallel_loop3A_122 = arith.constant 1 : i32
    scf.for %parallel_loop3A_187 = %parallel_loop3A_120 to %parallel_loop3A_121 step %parallel_loop3A_122  : i32 {
      %parallel_loop3A_188 = arith.constant 5 : i32
      %parallel_loop3A_189 = arith.shrsi %parallel_loop3A_187, %parallel_loop3A_188 : i32
      %parallel_loop3A_190 = arith.constant 31 : i32
      %parallel_loop3A_191 = arith.andi %parallel_loop3A_187, %parallel_loop3A_190 : i32
      %parallel_loop3A_192 = arith.constant 16 : i32
      %parallel_loop3A_193 = arith.muli %parallel_loop3A_191, %parallel_loop3A_192 : i32
      %parallel_loop3A_194 = arith.index_cast %parallel_loop3A_189 : i32 to index
      %parallel_loop3A_195 = arith.index_cast %parallel_loop3A_193 : i32 to index
      %parallel_loop3A_196 = tpu.vector_load %arg7[%parallel_loop3A_194, %parallel_loop3A_195] {strides = array<i32>} : memref<32x512xf32, #tpu.memory_space<vmem>>, vector<16xf32>,
      %parallel_loop3A_197 = arith.index_cast %parallel_loop3A_189 : i32 to index
      %parallel_loop3A_198 = arith.index_cast %parallel_loop3A_193 : i32 to index
      %parallel_loop3A_199 = tpu.vector_load %arg9[%parallel_loop3A_197, %parallel_loop3A_198] {strides = array<i32>} : memref<32x512xf32, #tpu.memory_space<vmem>>, vector<16xf32>,
      %parallel_loop3A_200 = arith.mulf %parallel_loop3A_196, %parallel_loop3A_199 : vector<16xf32>
      %parallel_loop3A_201 = arith.constant 1.000000e+00 : f32
      %parallel_loop3A_202 = vector.broadcast %parallel_loop3A_201 : f32 to vector<16xf32>
      %parallel_loop3A_203 = arith.addf %parallel_loop3A_202, %parallel_loop3A_196 : vector<16xf32>
      %parallel_loop3A_204 = arith.addf %parallel_loop3A_200, %parallel_loop3A_200 : vector<16xf32>
      %parallel_loop3A_205 = arith.subf %parallel_loop3A_203, %parallel_loop3A_204 : vector<16xf32>
      %parallel_loop3A_206 = arith.constant 0.000000e+00 : f32
      %parallel_loop3A_207 = vector.broadcast %parallel_loop3A_206 : f32 to vector<16xf32>
      %parallel_loop3A_208 = arith.maximumf %parallel_loop3A_205, %parallel_loop3A_207 : vector<16xf32>
      %parallel_loop3A_209 = tpu.bitcast %parallel_loop3A_208 : vector<16xf32> -> vector<16xi32>
      %parallel_loop3A_210 = arith.subi %get3A_65, %parallel_loop3A_209 : vector<16xi32>
      %parallel_loop3A_211 = arith.constant 14 : i32
      %parallel_loop3A_212 = vector.broadcast %parallel_loop3A_211 : i32 to vector<16xi32>
      %parallel_loop3A_213 = arith.shrsi %parallel_loop3A_210, %parallel_loop3A_212 : vector<16xi32>
      %parallel_loop3A_214 = arith.constant 16383 : i32
      %parallel_loop3A_215 = vector.broadcast %parallel_loop3A_214 : i32 to vector<16xi32>
      %parallel_loop3A_216 = arith.subi %parallel_loop3A_215, %parallel_loop3A_213 : vector<16xi32>
      %parallel_loop3A_217 = arith.constant 0 : i32
      %parallel_loop3A_218 = vector.broadcast %parallel_loop3A_217 : i32 to vector<16xi32>
      %parallel_loop3A_219 = arith.maxsi %parallel_loop3A_216, %parallel_loop3A_218 : vector<16xi32>
      %parallel_loop3A_220 = arith.constant 16383 : i32
      %parallel_loop3A_221 = vector.broadcast %parallel_loop3A_220 : i32 to vector<16xi32>
      %parallel_loop3A_222 = arith.minsi %parallel_loop3A_219, %parallel_loop3A_221 : vector<16xi32>
      %parallel_loop3A_223 = arith.constant dense<true> : vector<16xi1>
      %parallel_loop3A_224 = arith.constant -2147483648 : i32
      %parallel_loop3A_225 = vector.broadcast %parallel_loop3A_224 : i32 to vector<16xi32>
      %parallel_loop3A_226 = arith.xori %parallel_loop3A_222, %parallel_loop3A_225 : vector<16xi32>
      %parallel_loop3A_227, %parallel_loop3A_228, %parallel_loop3A_229 = tpu.sort %parallel_loop3A_226, %parallel_loop3A_208 masked %parallel_loop3A_223 : (vector<16xi32>, vector<16xf32>, vector<16xi1>) -> (vector<16xi1>, vector<16xi32>, vector<16xf32>)
      %parallel_loop3A_230 = arith.xori %parallel_loop3A_228, %parallel_loop3A_225 : vector<16xi32>
      %parallel_loop3A_231 = arith.constant dense<true> : vector<16xi1>
      %parallel_loop3A_232 = arith.constant -2147483648 : i32
      %parallel_loop3A_233 = vector.broadcast %parallel_loop3A_232 : i32 to vector<16xi32>
      %parallel_loop3A_234 = arith.xori %parallel_loop3A_222, %parallel_loop3A_233 : vector<16xi32>
      %parallel_loop3A_235, %parallel_loop3A_236, %parallel_loop3A_237 = tpu.sort %parallel_loop3A_234, %parallel_loop3A_199 masked %parallel_loop3A_231 : (vector<16xi32>, vector<16xf32>, vector<16xi1>) -> (vector<16xi1>, vector<16xi32>, vector<16xf32>)
      %parallel_loop3A_238 = arith.xori %parallel_loop3A_236, %parallel_loop3A_233 : vector<16xi32>
      %parallel_loop3A_239 = vector.shape_cast %min3A_41 : vector<16xi32> to vector<16x1xi32>
      %parallel_loop3A_240 = vector.shape_cast %parallel_loop3A_239 : vector<16x1xi32> to vector<16xi32>
      %parallel_loop3A_241 = tpu.dynamic_gather %parallel_loop3A_230[%parallel_loop3A_240] in [0] : vector<16xi32>, vector<16xi32> -> vector<16xi32>
      %parallel_loop3A_242 = arith.cmpi ne, %parallel_loop3A_230, %parallel_loop3A_241 : vector<16xi32>
      %parallel_loop3A_243 = arith.constant dense<true> : vector<16xi1>
      %parallel_loop3A_244 = arith.xori %lt3A_44, %parallel_loop3A_243 : vector<16xi1>
      %parallel_loop3A_245 = arith.ori %parallel_loop3A_242, %parallel_loop3A_244 : vector<16xi1>
      %parallel_loop3A_246 = arith.andi %parallel_loop3A_242, %lt3A_44 : vector<16xi1>
      %parallel_loop3A_247 = arith.constant true
      %parallel_loop3A_248 = vector.broadcast %parallel_loop3A_247 : i1 to vector<16xi1>
      %parallel_loop3A_249 = tpu.scan <sum>, %parallel_loop3A_229 masked %parallel_loop3A_248 : vector<16xf32>, vector<16xi1> -> vector<16xf32>
      %parallel_loop3A_250 = arith.constant true
      %parallel_loop3A_251 = vector.broadcast %parallel_loop3A_250 : i1 to vector<16xi1>
      %parallel_loop3A_252 = tpu.scan <sum>, %parallel_loop3A_237 masked %parallel_loop3A_251 : vector<16xf32>, vector<16xi1> -> vector<16xf32>
      tpu.vector_store_idx %arg11[%parallel_loop3A_230], %convert_element_type3A masked %parallel_loop3A_245 {add = true} : memref<16384xf32, #tpu.memory_space<vmem>>[vector<16xi32>], vector<16xf32>, vector<16xi1>
      tpu.vector_store_idx %arg11[%parallel_loop3A_241], %neg3A_49 masked %parallel_loop3A_246 {add = true} : memref<16384xf32, #tpu.memory_space<vmem>>[vector<16xi32>], vector<16xf32>, vector<16xi1>
      tpu.vector_store_idx %arg12[%parallel_loop3A_230], %parallel_loop3A_252 masked %parallel_loop3A_245 {add = true} : memref<16384xf32, #tpu.memory_space<vmem>>[vector<16xi32>], vector<16xf32>, vector<16xi1>
      %parallel_loop3A_253 = arith.constant 0.000000e+00 : f32
      %parallel_loop3A_254 = vector.broadcast %parallel_loop3A_253 : f32 to vector<16xf32>
      %parallel_loop3A_255 = arith.subf %parallel_loop3A_254, %parallel_loop3A_252 : vector<16xf32>
      tpu.vector_store_idx %arg12[%parallel_loop3A_241], %parallel_loop3A_255 masked %parallel_loop3A_246 {add = true} : memref<16384xf32, #tpu.memory_space<vmem>>[vector<16xi32>], vector<16xf32>, vector<16xi1>
      tpu.vector_store_idx %arg13[%parallel_loop3A_230], %parallel_loop3A_249 masked %parallel_loop3A_245 {add = true} : memref<16384xf32, #tpu.memory_space<vmem>>[vector<16xi32>], vector<16xf32>, vector<16xi1>
      %parallel_loop3A_256 = arith.constant 0.000000e+00 : f32
      %parallel_loop3A_257 = vector.broadcast %parallel_loop3A_256 : f32 to vector<16xf32>
      %parallel_loop3A_258 = arith.subf %parallel_loop3A_257, %parallel_loop3A_249 : vector<16xf32>
      tpu.vector_store_idx %arg13[%parallel_loop3A_241], %parallel_loop3A_258 masked %parallel_loop3A_246 {add = true} : memref<16384xf32, #tpu.memory_space<vmem>>[vector<16xi32>], vector<16xf32>, vector<16xi1>
    } {sc.loop_unroll_factor = 4 : i64, sc.parallel_access}
    %add3A_123 = arith.constant 96 : i32
    %add3A_124 = arith.addi %mul3A_35, %add3A_123 : i32
    %dma_start3A_125 = arith.constant 0 : i32
    %dma_start3A_126 = tpu.memref_slice %arg2[%add3A, %add3A_124, %dma_start3A_125] : memref<8x512x512xf32, #tpu.memory_space<hbm>> -> memref<1x32x512xf32, #tpu.memory_space<hbm>>
    %dma_start3A_127 = tpu.memref_squeeze %dma_start3A_126 : memref<1x32x512xf32, #tpu.memory_space<hbm>> -> memref<32x512xf32, #tpu.memory_space<hbm>>
    %dma_start3A_128 = arith.constant 0 : i32
    %dma_start3A_129 = tpu.memref_slice %arg2[%add3A, %add3A_124, %dma_start3A_128] : memref<8x512x512xf32, #tpu.memory_space<hbm>> -> memref<1x32x512xf32, #tpu.memory_space<hbm>>
    %dma_start3A_130 = tpu.memref_squeeze %dma_start3A_129 : memref<1x32x512xf32, #tpu.memory_space<hbm>> -> memref<32x512xf32, #tpu.memory_space<hbm>>
    tpu.enqueue_dma source(%dma_start3A_130 : memref<32x512xf32, #tpu.memory_space<hbm>>) target(%arg7 : memref<32x512xf32, #tpu.memory_space<vmem>>) target_semaphore(%arg15 : memref<!tpu.dma_semaphore, #tpu.memory_space<semaphore_mem>>)
    %dma_start3A_131 = arith.constant 0 : i32
    %dma_start3A_132 = tpu.memref_slice %arg3[%add3A, %add3A_124, %dma_start3A_131] : memref<8x512x512xf32, #tpu.memory_space<hbm>> -> memref<1x32x512xf32, #tpu.memory_space<hbm>>
    %dma_start3A_133 = tpu.memref_squeeze %dma_start3A_132 : memref<1x32x512xf32, #tpu.memory_space<hbm>> -> memref<32x512xf32, #tpu.memory_space<hbm>>
    %dma_start3A_134 = arith.constant 0 : i32
    %dma_start3A_135 = tpu.memref_slice %arg3[%add3A, %add3A_124, %dma_start3A_134] : memref<8x512x512xf32, #tpu.memory_space<hbm>> -> memref<1x32x512xf32, #tpu.memory_space<hbm>>
    %dma_start3A_136 = tpu.memref_squeeze %dma_start3A_135 : memref<1x32x512xf32, #tpu.memory_space<hbm>> -> memref<32x512xf32, #tpu.memory_space<hbm>>
    tpu.enqueue_dma source(%dma_start3A_136 : memref<32x512xf32, #tpu.memory_space<hbm>>) target(%arg9 : memref<32x512xf32, #tpu.memory_space<vmem>>) target_semaphore(%arg15 : memref<!tpu.dma_semaphore, #tpu.memory_space<semaphore_mem>>)
    %dma_wait3A_137 = arith.constant 0 : i32
    %dma_wait3A_138 = tpu.memref_slice %arg2[%add3A, %add3A_95, %dma_wait3A_137] : memref<8x512x512xf32, #tpu.memory_space<hbm>> -> memref<1x32x512xf32, #tpu.memory_space<hbm>>
    %dma_wait3A_139 = tpu.memref_squeeze %dma_wait3A_138 : memref<1x32x512xf32, #tpu.memory_space<hbm>> -> memref<32x512xf32, #tpu.memory_space<hbm>>
    %dma_wait3A_140 = arith.constant 0 : i32
    %dma_wait3A_141 = tpu.memref_slice %arg2[%add3A, %add3A_95, %dma_wait3A_140] : memref<8x512x512xf32, #tpu.memory_space<hbm>> -> memref<1x32x512xf32, #tpu.memory_space<hbm>>
    %dma_wait3A_142 = tpu.memref_squeeze %dma_wait3A_141 : memref<1x32x512xf32, #tpu.memory_space<hbm>> -> memref<32x512xf32, #tpu.memory_space<hbm>>
    tpu.wait_dma2 semaphore(%arg14 : memref<!tpu.dma_semaphore, #tpu.memory_space<semaphore_mem>>) src(%dma_wait3A_142 : memref<32x512xf32, #tpu.memory_space<hbm>>) dst(%arg6 : memref<32x512xf32, #tpu.memory_space<vmem>>)
    %dma_wait3A_143 = arith.constant 0 : i32
    %dma_wait3A_144 = tpu.memref_slice %arg3[%add3A, %add3A_95, %dma_wait3A_143] : memref<8x512x512xf32, #tpu.memory_space<hbm>> -> memref<1x32x512xf32, #tpu.memory_space<hbm>>
    %dma_wait3A_145 = tpu.memref_squeeze %dma_wait3A_144 : memref<1x32x512xf32, #tpu.memory_space<hbm>> -> memref<32x512xf32, #tpu.memory_space<hbm>>
    %dma_wait3A_146 = arith.constant 0 : i32
    %dma_wait3A_147 = tpu.memref_slice %arg3[%add3A, %add3A_95, %dma_wait3A_146] : memref<8x512x512xf32, #tpu.memory_space<hbm>> -> memref<1x32x512xf32, #tpu.memory_space<hbm>>
    %dma_wait3A_148 = tpu.memref_squeeze %dma_wait3A_147 : memref<1x32x512xf32, #tpu.memory_space<hbm>> -> memref<32x512xf32, #tpu.memory_space<hbm>>
    tpu.wait_dma2 semaphore(%arg14 : memref<!tpu.dma_semaphore, #tpu.memory_space<semaphore_mem>>) src(%dma_wait3A_148 : memref<32x512xf32, #tpu.memory_space<hbm>>) dst(%arg8 : memref<32x512xf32, #tpu.memory_space<vmem>>)
    %parallel_loop3A_149 = arith.constant 0 : i32
    %parallel_loop3A_150 = arith.constant 1024 : i32
    %parallel_loop3A_151 = arith.constant 1 : i32
    scf.for %parallel_loop3A_187 = %parallel_loop3A_149 to %parallel_loop3A_150 step %parallel_loop3A_151  : i32 {
      %parallel_loop3A_188 = arith.constant 5 : i32
      %parallel_loop3A_189 = arith.shrsi %parallel_loop3A_187, %parallel_loop3A_188 : i32
      %parallel_loop3A_190 = arith.constant 31 : i32
      %parallel_loop3A_191 = arith.andi %parallel_loop3A_187, %parallel_loop3A_190 : i32
      %parallel_loop3A_192 = arith.constant 16 : i32
      %parallel_loop3A_193 = arith.muli %parallel_loop3A_191, %parallel_loop3A_192 : i32
      %parallel_loop3A_194 = arith.index_cast %parallel_loop3A_189 : i32 to index
      %parallel_loop3A_195 = arith.index_cast %parallel_loop3A_193 : i32 to index
      %parallel_loop3A_196 = tpu.vector_load %arg6[%parallel_loop3A_194, %parallel_loop3A_195] {strides = array<i32>} : memref<32x512xf32, #tpu.memory_space<vmem>>, vector<16xf32>,
      %parallel_loop3A_197 = arith.index_cast %parallel_loop3A_189 : i32 to index
      %parallel_loop3A_198 = arith.index_cast %parallel_loop3A_193 : i32 to index
      %parallel_loop3A_199 = tpu.vector_load %arg8[%parallel_loop3A_197, %parallel_loop3A_198] {strides = array<i32>} : memref<32x512xf32, #tpu.memory_space<vmem>>, vector<16xf32>,
      %parallel_loop3A_200 = arith.mulf %parallel_loop3A_196, %parallel_loop3A_199 : vector<16xf32>
      %parallel_loop3A_201 = arith.constant 1.000000e+00 : f32
      %parallel_loop3A_202 = vector.broadcast %parallel_loop3A_201 : f32 to vector<16xf32>
      %parallel_loop3A_203 = arith.addf %parallel_loop3A_202, %parallel_loop3A_196 : vector<16xf32>
      %parallel_loop3A_204 = arith.addf %parallel_loop3A_200, %parallel_loop3A_200 : vector<16xf32>
      %parallel_loop3A_205 = arith.subf %parallel_loop3A_203, %parallel_loop3A_204 : vector<16xf32>
      %parallel_loop3A_206 = arith.constant 0.000000e+00 : f32
      %parallel_loop3A_207 = vector.broadcast %parallel_loop3A_206 : f32 to vector<16xf32>
      %parallel_loop3A_208 = arith.maximumf %parallel_loop3A_205, %parallel_loop3A_207 : vector<16xf32>
      %parallel_loop3A_209 = tpu.bitcast %parallel_loop3A_208 : vector<16xf32> -> vector<16xi32>
      %parallel_loop3A_210 = arith.subi %get3A_65, %parallel_loop3A_209 : vector<16xi32>
      %parallel_loop3A_211 = arith.constant 14 : i32
      %parallel_loop3A_212 = vector.broadcast %parallel_loop3A_211 : i32 to vector<16xi32>
      %parallel_loop3A_213 = arith.shrsi %parallel_loop3A_210, %parallel_loop3A_212 : vector<16xi32>
      %parallel_loop3A_214 = arith.constant 16383 : i32
      %parallel_loop3A_215 = vector.broadcast %parallel_loop3A_214 : i32 to vector<16xi32>
      %parallel_loop3A_216 = arith.subi %parallel_loop3A_215, %parallel_loop3A_213 : vector<16xi32>
      %parallel_loop3A_217 = arith.constant 0 : i32
      %parallel_loop3A_218 = vector.broadcast %parallel_loop3A_217 : i32 to vector<16xi32>
      %parallel_loop3A_219 = arith.maxsi %parallel_loop3A_216, %parallel_loop3A_218 : vector<16xi32>
      %parallel_loop3A_220 = arith.constant 16383 : i32
      %parallel_loop3A_221 = vector.broadcast %parallel_loop3A_220 : i32 to vector<16xi32>
      %parallel_loop3A_222 = arith.minsi %parallel_loop3A_219, %parallel_loop3A_221 : vector<16xi32>
      %parallel_loop3A_223 = arith.constant dense<true> : vector<16xi1>
      %parallel_loop3A_224 = arith.constant -2147483648 : i32
      %parallel_loop3A_225 = vector.broadcast %parallel_loop3A_224 : i32 to vector<16xi32>
      %parallel_loop3A_226 = arith.xori %parallel_loop3A_222, %parallel_loop3A_225 : vector<16xi32>
      %parallel_loop3A_227, %parallel_loop3A_228, %parallel_loop3A_229 = tpu.sort %parallel_loop3A_226, %parallel_loop3A_208 masked %parallel_loop3A_223 : (vector<16xi32>, vector<16xf32>, vector<16xi1>) -> (vector<16xi1>, vector<16xi32>, vector<16xf32>)
      %parallel_loop3A_230 = arith.xori %parallel_loop3A_228, %parallel_loop3A_225 : vector<16xi32>
      %parallel_loop3A_231 = arith.constant dense<true> : vector<16xi1>
      %parallel_loop3A_232 = arith.constant -2147483648 : i32
      %parallel_loop3A_233 = vector.broadcast %parallel_loop3A_232 : i32 to vector<16xi32>
      %parallel_loop3A_234 = arith.xori %parallel_loop3A_222, %parallel_loop3A_233 : vector<16xi32>
      %parallel_loop3A_235, %parallel_loop3A_236, %parallel_loop3A_237 = tpu.sort %parallel_loop3A_234, %parallel_loop3A_199 masked %parallel_loop3A_231 : (vector<16xi32>, vector<16xf32>, vector<16xi1>) -> (vector<16xi1>, vector<16xi32>, vector<16xf32>)
      %parallel_loop3A_238 = arith.xori %parallel_loop3A_236, %parallel_loop3A_233 : vector<16xi32>
      %parallel_loop3A_239 = vector.shape_cast %min3A_41 : vector<16xi32> to vector<16x1xi32>
      %parallel_loop3A_240 = vector.shape_cast %parallel_loop3A_239 : vector<16x1xi32> to vector<16xi32>
      %parallel_loop3A_241 = tpu.dynamic_gather %parallel_loop3A_230[%parallel_loop3A_240] in [0] : vector<16xi32>, vector<16xi32> -> vector<16xi32>
      %parallel_loop3A_242 = arith.cmpi ne, %parallel_loop3A_230, %parallel_loop3A_241 : vector<16xi32>
      %parallel_loop3A_243 = arith.constant dense<true> : vector<16xi1>
      %parallel_loop3A_244 = arith.xori %lt3A_44, %parallel_loop3A_243 : vector<16xi1>
      %parallel_loop3A_245 = arith.ori %parallel_loop3A_242, %parallel_loop3A_244 : vector<16xi1>
      %parallel_loop3A_246 = arith.andi %parallel_loop3A_242, %lt3A_44 : vector<16xi1>
      %parallel_loop3A_247 = arith.constant true
      %parallel_loop3A_248 = vector.broadcast %parallel_loop3A_247 : i1 to vector<16xi1>
      %parallel_loop3A_249 = tpu.scan <sum>, %parallel_loop3A_229 masked %parallel_loop3A_248 : vector<16xf32>, vector<16xi1> -> vector<16xf32>
      %parallel_loop3A_250 = arith.constant true
      %parallel_loop3A_251 = vector.broadcast %parallel_loop3A_250 : i1 to vector<16xi1>
      %parallel_loop3A_252 = tpu.scan <sum>, %parallel_loop3A_237 masked %parallel_loop3A_251 : vector<16xf32>, vector<16xi1> -> vector<16xf32>
      tpu.vector_store_idx %arg11[%parallel_loop3A_230], %convert_element_type3A masked %parallel_loop3A_245 {add = true} : memref<16384xf32, #tpu.memory_space<vmem>>[vector<16xi32>], vector<16xf32>, vector<16xi1>
      tpu.vector_store_idx %arg11[%parallel_loop3A_241], %neg3A_49 masked %parallel_loop3A_246 {add = true} : memref<16384xf32, #tpu.memory_space<vmem>>[vector<16xi32>], vector<16xf32>, vector<16xi1>
      tpu.vector_store_idx %arg12[%parallel_loop3A_230], %parallel_loop3A_252 masked %parallel_loop3A_245 {add = true} : memref<16384xf32, #tpu.memory_space<vmem>>[vector<16xi32>], vector<16xf32>, vector<16xi1>
      %parallel_loop3A_253 = arith.constant 0.000000e+00 : f32
      %parallel_loop3A_254 = vector.broadcast %parallel_loop3A_253 : f32 to vector<16xf32>
      %parallel_loop3A_255 = arith.subf %parallel_loop3A_254, %parallel_loop3A_252 : vector<16xf32>
      tpu.vector_store_idx %arg12[%parallel_loop3A_241], %parallel_loop3A_255 masked %parallel_loop3A_246 {add = true} : memref<16384xf32, #tpu.memory_space<vmem>>[vector<16xi32>], vector<16xf32>, vector<16xi1>
      tpu.vector_store_idx %arg13[%parallel_loop3A_230], %parallel_loop3A_249 masked %parallel_loop3A_245 {add = true} : memref<16384xf32, #tpu.memory_space<vmem>>[vector<16xi32>], vector<16xf32>, vector<16xi1>
      %parallel_loop3A_256 = arith.constant 0.000000e+00 : f32
      %parallel_loop3A_257 = vector.broadcast %parallel_loop3A_256 : f32 to vector<16xf32>
      %parallel_loop3A_258 = arith.subf %parallel_loop3A_257, %parallel_loop3A_249 : vector<16xf32>
      tpu.vector_store_idx %arg13[%parallel_loop3A_241], %parallel_loop3A_258 masked %parallel_loop3A_246 {add = true} : memref<16384xf32, #tpu.memory_space<vmem>>[vector<16xi32>], vector<16xf32>, vector<16xi1>
    } {sc.loop_unroll_factor = 4 : i64, sc.parallel_access}
    %dma_wait3A_152 = arith.constant 0 : i32
    %dma_wait3A_153 = tpu.memref_slice %arg2[%add3A, %add3A_124, %dma_wait3A_152] : memref<8x512x512xf32, #tpu.memory_space<hbm>> -> memref<1x32x512xf32, #tpu.memory_space<hbm>>
    %dma_wait3A_154 = tpu.memref_squeeze %dma_wait3A_153 : memref<1x32x512xf32, #tpu.memory_space<hbm>> -> memref<32x512xf32, #tpu.memory_space<hbm>>
    %dma_wait3A_155 = arith.constant 0 : i32
    %dma_wait3A_156 = tpu.memref_slice %arg2[%add3A, %add3A_124, %dma_wait3A_155] : memref<8x512x512xf32, #tpu.memory_space<hbm>> -> memref<1x32x512xf32, #tpu.memory_space<hbm>>
    %dma_wait3A_157 = tpu.memref_squeeze %dma_wait3A_156 : memref<1x32x512xf32, #tpu.memory_space<hbm>> -> memref<32x512xf32, #tpu.memory_space<hbm>>
    tpu.wait_dma2 semaphore(%arg15 : memref<!tpu.dma_semaphore, #tpu.memory_space<semaphore_mem>>) src(%dma_wait3A_157 : memref<32x512xf32, #tpu.memory_space<hbm>>) dst(%arg7 : memref<32x512xf32, #tpu.memory_space<vmem>>)
    %dma_wait3A_158 = arith.constant 0 : i32
    %dma_wait3A_159 = tpu.memref_slice %arg3[%add3A, %add3A_124, %dma_wait3A_158] : memref<8x512x512xf32, #tpu.memory_space<hbm>> -> memref<1x32x512xf32, #tpu.memory_space<hbm>>
    %dma_wait3A_160 = tpu.memref_squeeze %dma_wait3A_159 : memref<1x32x512xf32, #tpu.memory_space<hbm>> -> memref<32x512xf32, #tpu.memory_space<hbm>>
    %dma_wait3A_161 = arith.constant 0 : i32
    %dma_wait3A_162 = tpu.memref_slice %arg3[%add3A, %add3A_124, %dma_wait3A_161] : memref<8x512x512xf32, #tpu.memory_space<hbm>> -> memref<1x32x512xf32, #tpu.memory_space<hbm>>
    %dma_wait3A_163 = tpu.memref_squeeze %dma_wait3A_162 : memref<1x32x512xf32, #tpu.memory_space<hbm>> -> memref<32x512xf32, #tpu.memory_space<hbm>>
    tpu.wait_dma2 semaphore(%arg15 : memref<!tpu.dma_semaphore, #tpu.memory_space<semaphore_mem>>) src(%dma_wait3A_163 : memref<32x512xf32, #tpu.memory_space<hbm>>) dst(%arg9 : memref<32x512xf32, #tpu.memory_space<vmem>>)
    %parallel_loop3A_164 = arith.constant 0 : i32
    %parallel_loop3A_165 = arith.constant 1024 : i32
    %parallel_loop3A_166 = arith.constant 1 : i32
    scf.for %parallel_loop3A_187 = %parallel_loop3A_164 to %parallel_loop3A_165 step %parallel_loop3A_166  : i32 {
      %parallel_loop3A_188 = arith.constant 5 : i32
      %parallel_loop3A_189 = arith.shrsi %parallel_loop3A_187, %parallel_loop3A_188 : i32
      %parallel_loop3A_190 = arith.constant 31 : i32
      %parallel_loop3A_191 = arith.andi %parallel_loop3A_187, %parallel_loop3A_190 : i32
      %parallel_loop3A_192 = arith.constant 16 : i32
      %parallel_loop3A_193 = arith.muli %parallel_loop3A_191, %parallel_loop3A_192 : i32
      %parallel_loop3A_194 = arith.index_cast %parallel_loop3A_189 : i32 to index
      %parallel_loop3A_195 = arith.index_cast %parallel_loop3A_193 : i32 to index
      %parallel_loop3A_196 = tpu.vector_load %arg7[%parallel_loop3A_194, %parallel_loop3A_195] {strides = array<i32>} : memref<32x512xf32, #tpu.memory_space<vmem>>, vector<16xf32>,
      %parallel_loop3A_197 = arith.index_cast %parallel_loop3A_189 : i32 to index
      %parallel_loop3A_198 = arith.index_cast %parallel_loop3A_193 : i32 to index
      %parallel_loop3A_199 = tpu.vector_load %arg9[%parallel_loop3A_197, %parallel_loop3A_198] {strides = array<i32>} : memref<32x512xf32, #tpu.memory_space<vmem>>, vector<16xf32>,
      %parallel_loop3A_200 = arith.mulf %parallel_loop3A_196, %parallel_loop3A_199 : vector<16xf32>
      %parallel_loop3A_201 = arith.constant 1.000000e+00 : f32
      %parallel_loop3A_202 = vector.broadcast %parallel_loop3A_201 : f32 to vector<16xf32>
      %parallel_loop3A_203 = arith.addf %parallel_loop3A_202, %parallel_loop3A_196 : vector<16xf32>
      %parallel_loop3A_204 = arith.addf %parallel_loop3A_200, %parallel_loop3A_200 : vector<16xf32>
      %parallel_loop3A_205 = arith.subf %parallel_loop3A_203, %parallel_loop3A_204 : vector<16xf32>
      %parallel_loop3A_206 = arith.constant 0.000000e+00 : f32
      %parallel_loop3A_207 = vector.broadcast %parallel_loop3A_206 : f32 to vector<16xf32>
      %parallel_loop3A_208 = arith.maximumf %parallel_loop3A_205, %parallel_loop3A_207 : vector<16xf32>
      %parallel_loop3A_209 = tpu.bitcast %parallel_loop3A_208 : vector<16xf32> -> vector<16xi32>
      %parallel_loop3A_210 = arith.subi %get3A_65, %parallel_loop3A_209 : vector<16xi32>
      %parallel_loop3A_211 = arith.constant 14 : i32
      %parallel_loop3A_212 = vector.broadcast %parallel_loop3A_211 : i32 to vector<16xi32>
      %parallel_loop3A_213 = arith.shrsi %parallel_loop3A_210, %parallel_loop3A_212 : vector<16xi32>
      %parallel_loop3A_214 = arith.constant 16383 : i32
      %parallel_loop3A_215 = vector.broadcast %parallel_loop3A_214 : i32 to vector<16xi32>
      %parallel_loop3A_216 = arith.subi %parallel_loop3A_215, %parallel_loop3A_213 : vector<16xi32>
      %parallel_loop3A_217 = arith.constant 0 : i32
      %parallel_loop3A_218 = vector.broadcast %parallel_loop3A_217 : i32 to vector<16xi32>
      %parallel_loop3A_219 = arith.maxsi %parallel_loop3A_216, %parallel_loop3A_218 : vector<16xi32>
      %parallel_loop3A_220 = arith.constant 16383 : i32
      %parallel_loop3A_221 = vector.broadcast %parallel_loop3A_220 : i32 to vector<16xi32>
      %parallel_loop3A_222 = arith.minsi %parallel_loop3A_219, %parallel_loop3A_221 : vector<16xi32>
      %parallel_loop3A_223 = arith.constant dense<true> : vector<16xi1>
      %parallel_loop3A_224 = arith.constant -2147483648 : i32
      %parallel_loop3A_225 = vector.broadcast %parallel_loop3A_224 : i32 to vector<16xi32>
      %parallel_loop3A_226 = arith.xori %parallel_loop3A_222, %parallel_loop3A_225 : vector<16xi32>
      %parallel_loop3A_227, %parallel_loop3A_228, %parallel_loop3A_229 = tpu.sort %parallel_loop3A_226, %parallel_loop3A_208 masked %parallel_loop3A_223 : (vector<16xi32>, vector<16xf32>, vector<16xi1>) -> (vector<16xi1>, vector<16xi32>, vector<16xf32>)
      %parallel_loop3A_230 = arith.xori %parallel_loop3A_228, %parallel_loop3A_225 : vector<16xi32>
      %parallel_loop3A_231 = arith.constant dense<true> : vector<16xi1>
      %parallel_loop3A_232 = arith.constant -2147483648 : i32
      %parallel_loop3A_233 = vector.broadcast %parallel_loop3A_232 : i32 to vector<16xi32>
      %parallel_loop3A_234 = arith.xori %parallel_loop3A_222, %parallel_loop3A_233 : vector<16xi32>
      %parallel_loop3A_235, %parallel_loop3A_236, %parallel_loop3A_237 = tpu.sort %parallel_loop3A_234, %parallel_loop3A_199 masked %parallel_loop3A_231 : (vector<16xi32>, vector<16xf32>, vector<16xi1>) -> (vector<16xi1>, vector<16xi32>, vector<16xf32>)
      %parallel_loop3A_238 = arith.xori %parallel_loop3A_236, %parallel_loop3A_233 : vector<16xi32>
      %parallel_loop3A_239 = vector.shape_cast %min3A_41 : vector<16xi32> to vector<16x1xi32>
      %parallel_loop3A_240 = vector.shape_cast %parallel_loop3A_239 : vector<16x1xi32> to vector<16xi32>
      %parallel_loop3A_241 = tpu.dynamic_gather %parallel_loop3A_230[%parallel_loop3A_240] in [0] : vector<16xi32>, vector<16xi32> -> vector<16xi32>
      %parallel_loop3A_242 = arith.cmpi ne, %parallel_loop3A_230, %parallel_loop3A_241 : vector<16xi32>
      %parallel_loop3A_243 = arith.constant dense<true> : vector<16xi1>
      %parallel_loop3A_244 = arith.xori %lt3A_44, %parallel_loop3A_243 : vector<16xi1>
      %parallel_loop3A_245 = arith.ori %parallel_loop3A_242, %parallel_loop3A_244 : vector<16xi1>
      %parallel_loop3A_246 = arith.andi %parallel_loop3A_242, %lt3A_44 : vector<16xi1>
      %parallel_loop3A_247 = arith.constant true
      %parallel_loop3A_248 = vector.broadcast %parallel_loop3A_247 : i1 to vector<16xi1>
      %parallel_loop3A_249 = tpu.scan <sum>, %parallel_loop3A_229 masked %parallel_loop3A_248 : vector<16xf32>, vector<16xi1> -> vector<16xf32>
      %parallel_loop3A_250 = arith.constant true
      %parallel_loop3A_251 = vector.broadcast %parallel_loop3A_250 : i1 to vector<16xi1>
      %parallel_loop3A_252 = tpu.scan <sum>, %parallel_loop3A_237 masked %parallel_loop3A_251 : vector<16xf32>, vector<16xi1> -> vector<16xf32>
      tpu.vector_store_idx %arg11[%parallel_loop3A_230], %convert_element_type3A masked %parallel_loop3A_245 {add = true} : memref<16384xf32, #tpu.memory_space<vmem>>[vector<16xi32>], vector<16xf32>, vector<16xi1>
      tpu.vector_store_idx %arg11[%parallel_loop3A_241], %neg3A_49 masked %parallel_loop3A_246 {add = true} : memref<16384xf32, #tpu.memory_space<vmem>>[vector<16xi32>], vector<16xf32>, vector<16xi1>
      tpu.vector_store_idx %arg12[%parallel_loop3A_230], %parallel_loop3A_252 masked %parallel_loop3A_245 {add = true} : memref<16384xf32, #tpu.memory_space<vmem>>[vector<16xi32>], vector<16xf32>, vector<16xi1>
      %parallel_loop3A_253 = arith.constant 0.000000e+00 : f32
      %parallel_loop3A_254 = vector.broadcast %parallel_loop3A_253 : f32 to vector<16xf32>
      %parallel_loop3A_255 = arith.subf %parallel_loop3A_254, %parallel_loop3A_252 : vector<16xf32>
      tpu.vector_store_idx %arg12[%parallel_loop3A_241], %parallel_loop3A_255 masked %parallel_loop3A_246 {add = true} : memref<16384xf32, #tpu.memory_space<vmem>>[vector<16xi32>], vector<16xf32>, vector<16xi1>
      tpu.vector_store_idx %arg13[%parallel_loop3A_230], %parallel_loop3A_249 masked %parallel_loop3A_245 {add = true} : memref<16384xf32, #tpu.memory_space<vmem>>[vector<16xi32>], vector<16xf32>, vector<16xi1>
      %parallel_loop3A_256 = arith.constant 0.000000e+00 : f32
      %parallel_loop3A_257 = vector.broadcast %parallel_loop3A_256 : f32 to vector<16xf32>
      %parallel_loop3A_258 = arith.subf %parallel_loop3A_257, %parallel_loop3A_249 : vector<16xf32>
      tpu.vector_store_idx %arg13[%parallel_loop3A_241], %parallel_loop3A_258 masked %parallel_loop3A_246 {add = true} : memref<16384xf32, #tpu.memory_space<vmem>>[vector<16xi32>], vector<16xf32>, vector<16xi1>
    } {sc.loop_unroll_factor = 4 : i64, sc.parallel_access}
    %mul3A_167 = arith.constant 3 : i32
    %mul3A_168 = arith.muli %add3A_33, %mul3A_167 : i32
    %mul3A_169 = arith.constant 16384 : i32
    %mul3A_170 = arith.muli %mul3A_168, %mul3A_169 : i32
    %dma_start3A_171 = tpu.memref_slice %arg5[%mul3A_170] : memref<1572864xf32, #tpu.memory_space<hbm>> -> memref<16384xf32, #tpu.memory_space<hbm>>
    %dma_start3A_172 = tpu.memref_slice %arg5[%mul3A_170] : memref<1572864xf32, #tpu.memory_space<hbm>> -> memref<16384xf32, #tpu.memory_space<hbm>>
    tpu.enqueue_dma source(%arg11 : memref<16384xf32, #tpu.memory_space<vmem>>) target(%dma_start3A_172 : memref<16384xf32, #tpu.memory_space<hbm>>) target_semaphore(%arg14 : memref<!tpu.dma_semaphore, #tpu.memory_space<semaphore_mem>>)
    %add3A_173 = arith.constant 16384 : i32
    %add3A_174 = arith.addi %mul3A_170, %add3A_173 : i32
    %dma_start3A_175 = tpu.memref_slice %arg5[%add3A_174] : memref<1572864xf32, #tpu.memory_space<hbm>> -> memref<16384xf32, #tpu.memory_space<hbm>>
    %dma_start3A_176 = tpu.memref_slice %arg5[%add3A_174] : memref<1572864xf32, #tpu.memory_space<hbm>> -> memref<16384xf32, #tpu.memory_space<hbm>>
    tpu.enqueue_dma source(%arg12 : memref<16384xf32, #tpu.memory_space<vmem>>) target(%dma_start3A_176 : memref<16384xf32, #tpu.memory_space<hbm>>) target_semaphore(%arg15 : memref<!tpu.dma_semaphore, #tpu.memory_space<semaphore_mem>>)
    %add3A_177 = arith.constant 32768 : i32
    %add3A_178 = arith.addi %mul3A_170, %add3A_177 : i32
    %dma_start3A_179 = tpu.memref_slice %arg5[%add3A_178] : memref<1572864xf32, #tpu.memory_space<hbm>> -> memref<16384xf32, #tpu.memory_space<hbm>>
    %dma_start3A_180 = tpu.memref_slice %arg5[%add3A_178] : memref<1572864xf32, #tpu.memory_space<hbm>> -> memref<16384xf32, #tpu.memory_space<hbm>>
    tpu.enqueue_dma source(%arg13 : memref<16384xf32, #tpu.memory_space<vmem>>) target(%dma_start3A_180 : memref<16384xf32, #tpu.memory_space<hbm>>) target_semaphore(%arg14 : memref<!tpu.dma_semaphore, #tpu.memory_space<semaphore_mem>>)
    %dma_wait3A_181 = tpu.memref_slice %arg5[%mul3A_170] : memref<1572864xf32, #tpu.memory_space<hbm>> -> memref<16384xf32, #tpu.memory_space<hbm>>
    %dma_wait3A_182 = tpu.memref_slice %arg5[%mul3A_170] : memref<1572864xf32, #tpu.memory_space<hbm>> -> memref<16384xf32, #tpu.memory_space<hbm>>
    tpu.wait_dma2 semaphore(%arg14 : memref<!tpu.dma_semaphore, #tpu.memory_space<semaphore_mem>>) src(%arg11 : memref<16384xf32, #tpu.memory_space<vmem>>) dst(%dma_wait3A_182 : memref<16384xf32, #tpu.memory_space<hbm>>)
    %dma_wait3A_183 = tpu.memref_slice %arg5[%add3A_174] : memref<1572864xf32, #tpu.memory_space<hbm>> -> memref<16384xf32, #tpu.memory_space<hbm>>
    %dma_wait3A_184 = tpu.memref_slice %arg5[%add3A_174] : memref<1572864xf32, #tpu.memory_space<hbm>> -> memref<16384xf32, #tpu.memory_space<hbm>>
    tpu.wait_dma2 semaphore(%arg15 : memref<!tpu.dma_semaphore, #tpu.memory_space<semaphore_mem>>) src(%arg12 : memref<16384xf32, #tpu.memory_space<vmem>>) dst(%dma_wait3A_184 : memref<16384xf32, #tpu.memory_space<hbm>>)
    %dma_wait3A_185 = tpu.memref_slice %arg5[%add3A_178] : memref<1572864xf32, #tpu.memory_space<hbm>> -> memref<16384xf32, #tpu.memory_space<hbm>>
    %dma_wait3A_186 = tpu.memref_slice %arg5[%add3A_178] : memref<1572864xf32, #tpu.memory_space<hbm>> -> memref<16384xf32, #tpu.memory_space<hbm>>
    tpu.wait_dma2 semaphore(%arg14 : memref<!tpu.dma_semaphore, #tpu.memory_space<semaphore_mem>>) src(%arg13 : memref<16384xf32, #tpu.memory_space<vmem>>) dst(%dma_wait3A_186 : memref<16384xf32, #tpu.memory_space<hbm>>)
    return
  }
}

module attributes {stable_mosaic.version = 14 : i64} {
  func.func @_fin_body(%arg0: memref<32x3x128x128xf32, #tpu.memory_space<vmem>>, %arg1: memref<8x1x128xf32, #tpu.memory_space<vmem>>, %arg2: memref<8x1x128xf32, #tpu.memory_space<vmem>>, %arg3: memref<1x1xf32, #tpu.memory_space<vmem>>) attributes {dimension_semantics = [], scalar_prefetch = 0 : i64, scratch_operands = 0 : i64, tpu.core_type = #tpu.core_type<tc>} {
    %iota3A = tpu.iota {dimensions = array<i32: 0>} : vector<128x128xi32>
    %iota3A_0 = tpu.iota {dimensions = array<i32: 1>} : vector<128x128xi32>
    %ge3A = arith.cmpi sge, %iota3A, %iota3A_0 : vector<128x128xi32>
    %convert_element_type3A = arith.extui %ge3A : vector<128x128xi1> to vector<128x128xi32>
    %convert_element_type3A_1 = arith.sitofp %convert_element_type3A : vector<128x128xi32> to vector<128x128xf32>
    %gt3A = arith.cmpi sgt, %iota3A, %iota3A_0 : vector<128x128xi32>
    %convert_element_type3A_2 = arith.extui %gt3A : vector<128x128xi1> to vector<128x128xi32>
    %convert_element_type3A_3 = arith.sitofp %convert_element_type3A_2 : vector<128x128xi32> to vector<128x128xf32>
    %get3A = arith.constant 0 : index
    %get3A_4 = arith.constant 0 : index
    %get3A_5 = arith.constant 0 : index
    %get3A_6 = arith.constant 0 : index
    %get3A_7 = vector.load %arg0[%get3A, %get3A_4, %get3A_5, %get3A_6] : memref<32x3x128x128xf32, #tpu.memory_space<vmem>>, vector<1x1x128x128xf32>
    %get3A_8 = vector.shape_cast %get3A_7 : vector<1x1x128x128xf32> to vector<128x128xf32>
    %get3A_9 = arith.constant 1 : index
    %get3A_10 = arith.constant 0 : index
    %get3A_11 = arith.constant 0 : index
    %get3A_12 = arith.constant 0 : index
    %get3A_13 = vector.load %arg0[%get3A_9, %get3A_10, %get3A_11, %get3A_12] : memref<32x3x128x128xf32, #tpu.memory_space<vmem>>, vector<1x1x128x128xf32>
    %get3A_14 = vector.shape_cast %get3A_13 : vector<1x1x128x128xf32> to vector<128x128xf32>
    %add3A = arith.addf %get3A_8, %get3A_14 : vector<128x128xf32>
    %get3A_15 = arith.constant 2 : index
    %get3A_16 = arith.constant 0 : index
    %get3A_17 = arith.constant 0 : index
    %get3A_18 = arith.constant 0 : index
    %get3A_19 = vector.load %arg0[%get3A_15, %get3A_16, %get3A_17, %get3A_18] : memref<32x3x128x128xf32, #tpu.memory_space<vmem>>, vector<1x1x128x128xf32>
    %get3A_20 = vector.shape_cast %get3A_19 : vector<1x1x128x128xf32> to vector<128x128xf32>
    %get3A_21 = arith.constant 3 : index
    %get3A_22 = arith.constant 0 : index
    %get3A_23 = arith.constant 0 : index
    %get3A_24 = arith.constant 0 : index
    %get3A_25 = vector.load %arg0[%get3A_21, %get3A_22, %get3A_23, %get3A_24] : memref<32x3x128x128xf32, #tpu.memory_space<vmem>>, vector<1x1x128x128xf32>
    %get3A_26 = vector.shape_cast %get3A_25 : vector<1x1x128x128xf32> to vector<128x128xf32>
    %add3A_27 = arith.addf %get3A_20, %get3A_26 : vector<128x128xf32>
    %add3A_28 = arith.addf %add3A, %add3A_27 : vector<128x128xf32>
    %get3A_29 = arith.constant 0 : index
    %get3A_30 = arith.constant 1 : index
    %get3A_31 = arith.constant 0 : index
    %get3A_32 = arith.constant 0 : index
    %get3A_33 = vector.load %arg0[%get3A_29, %get3A_30, %get3A_31, %get3A_32] : memref<32x3x128x128xf32, #tpu.memory_space<vmem>>, vector<1x1x128x128xf32>
    %get3A_34 = vector.shape_cast %get3A_33 : vector<1x1x128x128xf32> to vector<128x128xf32>
    %get3A_35 = arith.constant 1 : index
    %get3A_36 = arith.constant 1 : index
    %get3A_37 = arith.constant 0 : index
    %get3A_38 = arith.constant 0 : index
    %get3A_39 = vector.load %arg0[%get3A_35, %get3A_36, %get3A_37, %get3A_38] : memref<32x3x128x128xf32, #tpu.memory_space<vmem>>, vector<1x1x128x128xf32>
    %get3A_40 = vector.shape_cast %get3A_39 : vector<1x1x128x128xf32> to vector<128x128xf32>
    %add3A_41 = arith.addf %get3A_34, %get3A_40 : vector<128x128xf32>
    %get3A_42 = arith.constant 2 : index
    %get3A_43 = arith.constant 1 : index
    %get3A_44 = arith.constant 0 : index
    %get3A_45 = arith.constant 0 : index
    %get3A_46 = vector.load %arg0[%get3A_42, %get3A_43, %get3A_44, %get3A_45] : memref<32x3x128x128xf32, #tpu.memory_space<vmem>>, vector<1x1x128x128xf32>
    %get3A_47 = vector.shape_cast %get3A_46 : vector<1x1x128x128xf32> to vector<128x128xf32>
    %get3A_48 = arith.constant 3 : index
    %get3A_49 = arith.constant 1 : index
    %get3A_50 = arith.constant 0 : index
    %get3A_51 = arith.constant 0 : index
    %get3A_52 = vector.load %arg0[%get3A_48, %get3A_49, %get3A_50, %get3A_51] : memref<32x3x128x128xf32, #tpu.memory_space<vmem>>, vector<1x1x128x128xf32>
    %get3A_53 = vector.shape_cast %get3A_52 : vector<1x1x128x128xf32> to vector<128x128xf32>
    %add3A_54 = arith.addf %get3A_47, %get3A_53 : vector<128x128xf32>
    %add3A_55 = arith.addf %add3A_41, %add3A_54 : vector<128x128xf32>
    %get3A_56 = arith.constant 0 : index
    %get3A_57 = arith.constant 2 : index
    %get3A_58 = arith.constant 0 : index
    %get3A_59 = arith.constant 0 : index
    %get3A_60 = vector.load %arg0[%get3A_56, %get3A_57, %get3A_58, %get3A_59] : memref<32x3x128x128xf32, #tpu.memory_space<vmem>>, vector<1x1x128x128xf32>
    %get3A_61 = vector.shape_cast %get3A_60 : vector<1x1x128x128xf32> to vector<128x128xf32>
    %get3A_62 = arith.constant 1 : index
    %get3A_63 = arith.constant 2 : index
    %get3A_64 = arith.constant 0 : index
    %get3A_65 = arith.constant 0 : index
    %get3A_66 = vector.load %arg0[%get3A_62, %get3A_63, %get3A_64, %get3A_65] : memref<32x3x128x128xf32, #tpu.memory_space<vmem>>, vector<1x1x128x128xf32>
    %get3A_67 = vector.shape_cast %get3A_66 : vector<1x1x128x128xf32> to vector<128x128xf32>
    %add3A_68 = arith.addf %get3A_61, %get3A_67 : vector<128x128xf32>
    %get3A_69 = arith.constant 2 : index
    %get3A_70 = arith.constant 2 : index
    %get3A_71 = arith.constant 0 : index
    %get3A_72 = arith.constant 0 : index
    %get3A_73 = vector.load %arg0[%get3A_69, %get3A_70, %get3A_71, %get3A_72] : memref<32x3x128x128xf32, #tpu.memory_space<vmem>>, vector<1x1x128x128xf32>
    %get3A_74 = vector.shape_cast %get3A_73 : vector<1x1x128x128xf32> to vector<128x128xf32>
    %get3A_75 = arith.constant 3 : index
    %get3A_76 = arith.constant 2 : index
    %get3A_77 = arith.constant 0 : index
    %get3A_78 = arith.constant 0 : index
    %get3A_79 = vector.load %arg0[%get3A_75, %get3A_76, %get3A_77, %get3A_78] : memref<32x3x128x128xf32, #tpu.memory_space<vmem>>, vector<1x1x128x128xf32>
    %get3A_80 = vector.shape_cast %get3A_79 : vector<1x1x128x128xf32> to vector<128x128xf32>
    %add3A_81 = arith.addf %get3A_74, %get3A_80 : vector<128x128xf32>
    %add3A_82 = arith.addf %add3A_68, %add3A_81 : vector<128x128xf32>
    %dot_general3A = arith.constant dense<0.000000e+00> : vector<128x128xf32>
    %dot_general3A_83 = tpu.matmul %add3A_28, %convert_element_type3A_1, %dot_general3A {dimension_numbers = #tpu.dot_dimension_numbers<[1], [0], [0], [1], [0, 0, 1, 1], [], []>, transpose_lhs_hint = false} : vector<128x128xf32>, vector<128x128xf32>, vector<128x128xf32> -> vector<128x128xf32>
    %slice3A = vector.extract_strided_slice %dot_general3A_83 {offsets = [0, 0], sizes = [128, 1], strides = [1, 1]} : vector<128x128xf32> to vector<128x1xf32>
    %transpose3A = tpu.transpose %convert_element_type3A_3, [1, 0] : vector<128x128xf32> -> vector<128x128xf32>
    %dot_general3A_84 = arith.constant dense<0.000000e+00> : vector<128x1xf32>
    %dot_general3A_85 = tpu.matmul %transpose3A, %slice3A, %dot_general3A_84 {dimension_numbers = #tpu.dot_dimension_numbers<[1], [0], [0], [1], [0, 0, 1, 1], [], []>, transpose_lhs_hint = false} : vector<128x128xf32>, vector<128x1xf32>, vector<128x1xf32> -> vector<128x1xf32>
    %add3A_86 = vector.broadcast %dot_general3A_85 : vector<128x1xf32> to vector<128x128xf32>
    %add3A_87 = arith.addf %dot_general3A_83, %add3A_86 : vector<128x128xf32>
    %dot_general3A_88 = arith.constant dense<0.000000e+00> : vector<128x128xf32>
    %dot_general3A_89 = tpu.matmul %add3A_55, %convert_element_type3A_1, %dot_general3A_88 {dimension_numbers = #tpu.dot_dimension_numbers<[1], [0], [0], [1], [0, 0, 1, 1], [], []>, transpose_lhs_hint = false} : vector<128x128xf32>, vector<128x128xf32>, vector<128x128xf32> -> vector<128x128xf32>
    %slice3A_90 = vector.extract_strided_slice %dot_general3A_89 {offsets = [0, 0], sizes = [128, 1], strides = [1, 1]} : vector<128x128xf32> to vector<128x1xf32>
    %transpose3A_91 = tpu.transpose %convert_element_type3A_3, [1, 0] : vector<128x128xf32> -> vector<128x128xf32>
    %dot_general3A_92 = arith.constant dense<0.000000e+00> : vector<128x1xf32>
    %dot_general3A_93 = tpu.matmul %transpose3A_91, %slice3A_90, %dot_general3A_92 {dimension_numbers = #tpu.dot_dimension_numbers<[1], [0], [0], [1], [0, 0, 1, 1], [], []>, transpose_lhs_hint = false} : vector<128x128xf32>, vector<128x1xf32>, vector<128x1xf32> -> vector<128x1xf32>
    %add3A_94 = vector.broadcast %dot_general3A_93 : vector<128x1xf32> to vector<128x128xf32>
    %add3A_95 = arith.addf %dot_general3A_89, %add3A_94 : vector<128x128xf32>
    %sub3A = arith.subf %add3A_87, %add3A_28 : vector<128x128xf32>
    %sub3A_96 = arith.subf %add3A_95, %add3A_55 : vector<128x128xf32>
    %get3A_97 = arith.constant 0 : index
    %get3A_98 = arith.constant 0 : index
    %get3A_99 = arith.constant 0 : index
    %get3A_100 = vector.load %arg1[%get3A_97, %get3A_98, %get3A_99] : memref<8x1x128xf32, #tpu.memory_space<vmem>>, vector<1x1x1xf32>
    %get3A_101 = vector.extract %get3A_100[0, 0, 0] : f32 from vector<1x1x1xf32>
    %get3A_102 = arith.constant 0 : index
    %get3A_103 = arith.constant 0 : index
    %get3A_104 = arith.constant 0 : index
    %get3A_105 = vector.load %arg2[%get3A_102, %get3A_103, %get3A_104] : memref<8x1x128xf32, #tpu.memory_space<vmem>>, vector<1x1x1xf32>
    %get3A_106 = vector.extract %get3A_105[0, 0, 0] : f32 from vector<1x1x1xf32>
    %sub3A_107 = arith.subf %add3A_28, %add3A_55 : vector<128x128xf32>
    %mul3A = arith.mulf %add3A_82, %add3A_55 : vector<128x128xf32>
    %max3A = arith.constant 1.000000e+00 : f32
    %max3A_108 = vector.broadcast %max3A : f32 to vector<128x128xf32>
    %max3A_109 = arith.maximumf %add3A_28, %max3A_108 : vector<128x128xf32>
    %div3A = arith.divf %mul3A, %max3A_109 : vector<128x128xf32>
    %sub3A_110 = arith.subf %add3A_82, %div3A : vector<128x128xf32>
    %add3A_111 = vector.broadcast %get3A_101 : f32 to vector<128x128xf32>
    %add3A_112 = arith.addf %add3A_111, %sub3A : vector<128x128xf32>
    %sub3A_113 = arith.subf %add3A_112, %sub3A_96 : vector<128x128xf32>
    %sub3A_114 = vector.broadcast %get3A_101 : f32 to vector<128x128xf32>
    %sub3A_115 = arith.subf %sub3A_114, %sub3A_96 : vector<128x128xf32>
    %sub3A_116 = arith.subf %sub3A_115, %add3A_55 : vector<128x128xf32>
    %mul3A_117 = arith.mulf %sub3A_110, %sub3A_116 : vector<128x128xf32>
    %add3A_118 = arith.addf %sub3A_113, %sub3A_107 : vector<128x128xf32>
    %max3A_119 = arith.constant 1.000000e+00 : f32
    %max3A_120 = vector.broadcast %max3A_119 : f32 to vector<128x128xf32>
    %max3A_121 = arith.maximumf %add3A_118, %max3A_120 : vector<128x128xf32>
    %div3A_122 = arith.divf %mul3A_117, %max3A_121 : vector<128x128xf32>
    %add3A_123 = arith.addf %div3A, %div3A_122 : vector<128x128xf32>
    %max3A_124 = arith.constant 1.000000e+00 : f32
    %max3A_125 = vector.broadcast %max3A_124 : f32 to vector<128x128xf32>
    %max3A_126 = arith.maximumf %sub3A_113, %max3A_125 : vector<128x128xf32>
    %div3A_127 = arith.divf %add3A_123, %max3A_126 : vector<128x128xf32>
    %reduce_sum3A = vector.shape_cast %div3A_127 : vector<128x128xf32> to vector<1x128x128xf32>
    %reduce_sum3A_128 = arith.constant dense<0.000000e+00> : vector<1xf32>
    %reduce_sum3A_129 = vector.multi_reduction <add>, %reduce_sum3A, %reduce_sum3A_128 [1, 2] : vector<1x128x128xf32> to vector<1xf32>
    %reduce_sum3A_130 = vector.shape_cast %reduce_sum3A_129 : vector<1xf32> to vector<1x1x1xf32>
    %reduce_sum3A_131 = vector.extract %reduce_sum3A_130[0, 0, 0] : f32 from vector<1x1x1xf32>
    %eq3A = arith.constant 0.000000e+00 : f32
    %eq3A_132 = arith.cmpf oeq, %get3A_101, %eq3A : f32
    %max3A_133 = arith.constant 0.000000e+00 : f32
    %max3A_134 = arith.maximumf %get3A_106, %max3A_133 : f32
    %select_n3A = arith.select %eq3A_132, %max3A_134, %reduce_sum3A_131 : f32
    %add3A_135 = arith.constant 0.000000e+00 : f32
    %add3A_136 = arith.addf %add3A_135, %select_n3A : f32
    %get3A_137 = arith.constant 4 : index
    %get3A_138 = arith.constant 0 : index
    %get3A_139 = arith.constant 0 : index
    %get3A_140 = arith.constant 0 : index
    %get3A_141 = vector.load %arg0[%get3A_137, %get3A_138, %get3A_139, %get3A_140] : memref<32x3x128x128xf32, #tpu.memory_space<vmem>>, vector<1x1x128x128xf32>
    %get3A_142 = vector.shape_cast %get3A_141 : vector<1x1x128x128xf32> to vector<128x128xf32>
    %get3A_143 = arith.constant 5 : index
    %get3A_144 = arith.constant 0 : index
    %get3A_145 = arith.constant 0 : index
    %get3A_146 = arith.constant 0 : index
    %get3A_147 = vector.load %arg0[%get3A_143, %get3A_144, %get3A_145, %get3A_146] : memref<32x3x128x128xf32, #tpu.memory_space<vmem>>, vector<1x1x128x128xf32>
    %get3A_148 = vector.shape_cast %get3A_147 : vector<1x1x128x128xf32> to vector<128x128xf32>
    %add3A_149 = arith.addf %get3A_142, %get3A_148 : vector<128x128xf32>
    %get3A_150 = arith.constant 6 : index
    %get3A_151 = arith.constant 0 : index
    %get3A_152 = arith.constant 0 : index
    %get3A_153 = arith.constant 0 : index
    %get3A_154 = vector.load %arg0[%get3A_150, %get3A_151, %get3A_152, %get3A_153] : memref<32x3x128x128xf32, #tpu.memory_space<vmem>>, vector<1x1x128x128xf32>
    %get3A_155 = vector.shape_cast %get3A_154 : vector<1x1x128x128xf32> to vector<128x128xf32>
    %get3A_156 = arith.constant 7 : index
    %get3A_157 = arith.constant 0 : index
    %get3A_158 = arith.constant 0 : index
    %get3A_159 = arith.constant 0 : index
    %get3A_160 = vector.load %arg0[%get3A_156, %get3A_157, %get3A_158, %get3A_159] : memref<32x3x128x128xf32, #tpu.memory_space<vmem>>, vector<1x1x128x128xf32>
    %get3A_161 = vector.shape_cast %get3A_160 : vector<1x1x128x128xf32> to vector<128x128xf32>
    %add3A_162 = arith.addf %get3A_155, %get3A_161 : vector<128x128xf32>
    %add3A_163 = arith.addf %add3A_149, %add3A_162 : vector<128x128xf32>
    %get3A_164 = arith.constant 4 : index
    %get3A_165 = arith.constant 1 : index
    %get3A_166 = arith.constant 0 : index
    %get3A_167 = arith.constant 0 : index
    %get3A_168 = vector.load %arg0[%get3A_164, %get3A_165, %get3A_166, %get3A_167] : memref<32x3x128x128xf32, #tpu.memory_space<vmem>>, vector<1x1x128x128xf32>
    %get3A_169 = vector.shape_cast %get3A_168 : vector<1x1x128x128xf32> to vector<128x128xf32>
    %get3A_170 = arith.constant 5 : index
    %get3A_171 = arith.constant 1 : index
    %get3A_172 = arith.constant 0 : index
    %get3A_173 = arith.constant 0 : index
    %get3A_174 = vector.load %arg0[%get3A_170, %get3A_171, %get3A_172, %get3A_173] : memref<32x3x128x128xf32, #tpu.memory_space<vmem>>, vector<1x1x128x128xf32>
    %get3A_175 = vector.shape_cast %get3A_174 : vector<1x1x128x128xf32> to vector<128x128xf32>
    %add3A_176 = arith.addf %get3A_169, %get3A_175 : vector<128x128xf32>
    %get3A_177 = arith.constant 6 : index
    %get3A_178 = arith.constant 1 : index
    %get3A_179 = arith.constant 0 : index
    %get3A_180 = arith.constant 0 : index
    %get3A_181 = vector.load %arg0[%get3A_177, %get3A_178, %get3A_179, %get3A_180] : memref<32x3x128x128xf32, #tpu.memory_space<vmem>>, vector<1x1x128x128xf32>
    %get3A_182 = vector.shape_cast %get3A_181 : vector<1x1x128x128xf32> to vector<128x128xf32>
    %get3A_183 = arith.constant 7 : index
    %get3A_184 = arith.constant 1 : index
    %get3A_185 = arith.constant 0 : index
    %get3A_186 = arith.constant 0 : index
    %get3A_187 = vector.load %arg0[%get3A_183, %get3A_184, %get3A_185, %get3A_186] : memref<32x3x128x128xf32, #tpu.memory_space<vmem>>, vector<1x1x128x128xf32>
    %get3A_188 = vector.shape_cast %get3A_187 : vector<1x1x128x128xf32> to vector<128x128xf32>
    %add3A_189 = arith.addf %get3A_182, %get3A_188 : vector<128x128xf32>
    %add3A_190 = arith.addf %add3A_176, %add3A_189 : vector<128x128xf32>
    %get3A_191 = arith.constant 4 : index
    %get3A_192 = arith.constant 2 : index
    %get3A_193 = arith.constant 0 : index
    %get3A_194 = arith.constant 0 : index
    %get3A_195 = vector.load %arg0[%get3A_191, %get3A_192, %get3A_193, %get3A_194] : memref<32x3x128x128xf32, #tpu.memory_space<vmem>>, vector<1x1x128x128xf32>
    %get3A_196 = vector.shape_cast %get3A_195 : vector<1x1x128x128xf32> to vector<128x128xf32>
    %get3A_197 = arith.constant 5 : index
    %get3A_198 = arith.constant 2 : index
    %get3A_199 = arith.constant 0 : index
    %get3A_200 = arith.constant 0 : index
    %get3A_201 = vector.load %arg0[%get3A_197, %get3A_198, %get3A_199, %get3A_200] : memref<32x3x128x128xf32, #tpu.memory_space<vmem>>, vector<1x1x128x128xf32>
    %get3A_202 = vector.shape_cast %get3A_201 : vector<1x1x128x128xf32> to vector<128x128xf32>
    %add3A_203 = arith.addf %get3A_196, %get3A_202 : vector<128x128xf32>
    %get3A_204 = arith.constant 6 : index
    %get3A_205 = arith.constant 2 : index
    %get3A_206 = arith.constant 0 : index
    %get3A_207 = arith.constant 0 : index
    %get3A_208 = vector.load %arg0[%get3A_204, %get3A_205, %get3A_206, %get3A_207] : memref<32x3x128x128xf32, #tpu.memory_space<vmem>>, vector<1x1x128x128xf32>
    %get3A_209 = vector.shape_cast %get3A_208 : vector<1x1x128x128xf32> to vector<128x128xf32>
    %get3A_210 = arith.constant 7 : index
    %get3A_211 = arith.constant 2 : index
    %get3A_212 = arith.constant 0 : index
    %get3A_213 = arith.constant 0 : index
    %get3A_214 = vector.load %arg0[%get3A_210, %get3A_211, %get3A_212, %get3A_213] : memref<32x3x128x128xf32, #tpu.memory_space<vmem>>, vector<1x1x128x128xf32>
    %get3A_215 = vector.shape_cast %get3A_214 : vector<1x1x128x128xf32> to vector<128x128xf32>
    %add3A_216 = arith.addf %get3A_209, %get3A_215 : vector<128x128xf32>
    %add3A_217 = arith.addf %add3A_203, %add3A_216 : vector<128x128xf32>
    %dot_general3A_218 = arith.constant dense<0.000000e+00> : vector<128x128xf32>
    %dot_general3A_219 = tpu.matmul %add3A_163, %convert_element_type3A_1, %dot_general3A_218 {dimension_numbers = #tpu.dot_dimension_numbers<[1], [0], [0], [1], [0, 0, 1, 1], [], []>, transpose_lhs_hint = false} : vector<128x128xf32>, vector<128x128xf32>, vector<128x128xf32> -> vector<128x128xf32>
    %slice3A_220 = vector.extract_strided_slice %dot_general3A_219 {offsets = [0, 0], sizes = [128, 1], strides = [1, 1]} : vector<128x128xf32> to vector<128x1xf32>
    %transpose3A_221 = tpu.transpose %convert_element_type3A_3, [1, 0] : vector<128x128xf32> -> vector<128x128xf32>
    %dot_general3A_222 = arith.constant dense<0.000000e+00> : vector<128x1xf32>
    %dot_general3A_223 = tpu.matmul %transpose3A_221, %slice3A_220, %dot_general3A_222 {dimension_numbers = #tpu.dot_dimension_numbers<[1], [0], [0], [1], [0, 0, 1, 1], [], []>, transpose_lhs_hint = false} : vector<128x128xf32>, vector<128x1xf32>, vector<128x1xf32> -> vector<128x1xf32>
    %add3A_224 = vector.broadcast %dot_general3A_223 : vector<128x1xf32> to vector<128x128xf32>
    %add3A_225 = arith.addf %dot_general3A_219, %add3A_224 : vector<128x128xf32>
    %dot_general3A_226 = arith.constant dense<0.000000e+00> : vector<128x128xf32>
    %dot_general3A_227 = tpu.matmul %add3A_190, %convert_element_type3A_1, %dot_general3A_226 {dimension_numbers = #tpu.dot_dimension_numbers<[1], [0], [0], [1], [0, 0, 1, 1], [], []>, transpose_lhs_hint = false} : vector<128x128xf32>, vector<128x128xf32>, vector<128x128xf32> -> vector<128x128xf32>
    %slice3A_228 = vector.extract_strided_slice %dot_general3A_227 {offsets = [0, 0], sizes = [128, 1], strides = [1, 1]} : vector<128x128xf32> to vector<128x1xf32>
    %transpose3A_229 = tpu.transpose %convert_element_type3A_3, [1, 0] : vector<128x128xf32> -> vector<128x128xf32>
    %dot_general3A_230 = arith.constant dense<0.000000e+00> : vector<128x1xf32>
    %dot_general3A_231 = tpu.matmul %transpose3A_229, %slice3A_228, %dot_general3A_230 {dimension_numbers = #tpu.dot_dimension_numbers<[1], [0], [0], [1], [0, 0, 1, 1], [], []>, transpose_lhs_hint = false} : vector<128x128xf32>, vector<128x1xf32>, vector<128x1xf32> -> vector<128x1xf32>
    %add3A_232 = vector.broadcast %dot_general3A_231 : vector<128x1xf32> to vector<128x128xf32>
    %add3A_233 = arith.addf %dot_general3A_227, %add3A_232 : vector<128x128xf32>
    %sub3A_234 = arith.subf %add3A_225, %add3A_163 : vector<128x128xf32>
    %sub3A_235 = arith.subf %add3A_233, %add3A_190 : vector<128x128xf32>
    %get3A_236 = arith.constant 1 : index
    %get3A_237 = arith.constant 0 : index
    %get3A_238 = arith.constant 0 : index
    %get3A_239 = vector.load %arg1[%get3A_236, %get3A_237, %get3A_238] : memref<8x1x128xf32, #tpu.memory_space<vmem>>, vector<1x1x1xf32>
    %get3A_240 = vector.extract %get3A_239[0, 0, 0] : f32 from vector<1x1x1xf32>
    %get3A_241 = arith.constant 1 : index
    %get3A_242 = arith.constant 0 : index
    %get3A_243 = arith.constant 0 : index
    %get3A_244 = vector.load %arg2[%get3A_241, %get3A_242, %get3A_243] : memref<8x1x128xf32, #tpu.memory_space<vmem>>, vector<1x1x1xf32>
    %get3A_245 = vector.extract %get3A_244[0, 0, 0] : f32 from vector<1x1x1xf32>
    %sub3A_246 = arith.subf %add3A_163, %add3A_190 : vector<128x128xf32>
    %mul3A_247 = arith.mulf %add3A_217, %add3A_190 : vector<128x128xf32>
    %max3A_248 = arith.constant 1.000000e+00 : f32
    %max3A_249 = vector.broadcast %max3A_248 : f32 to vector<128x128xf32>
    %max3A_250 = arith.maximumf %add3A_163, %max3A_249 : vector<128x128xf32>
    %div3A_251 = arith.divf %mul3A_247, %max3A_250 : vector<128x128xf32>
    %sub3A_252 = arith.subf %add3A_217, %div3A_251 : vector<128x128xf32>
    %add3A_253 = vector.broadcast %get3A_240 : f32 to vector<128x128xf32>
    %add3A_254 = arith.addf %add3A_253, %sub3A_234 : vector<128x128xf32>
    %sub3A_255 = arith.subf %add3A_254, %sub3A_235 : vector<128x128xf32>
    %sub3A_256 = vector.broadcast %get3A_240 : f32 to vector<128x128xf32>
    %sub3A_257 = arith.subf %sub3A_256, %sub3A_235 : vector<128x128xf32>
    %sub3A_258 = arith.subf %sub3A_257, %add3A_190 : vector<128x128xf32>
    %mul3A_259 = arith.mulf %sub3A_252, %sub3A_258 : vector<128x128xf32>
    %add3A_260 = arith.addf %sub3A_255, %sub3A_246 : vector<128x128xf32>
    %max3A_261 = arith.constant 1.000000e+00 : f32
    %max3A_262 = vector.broadcast %max3A_261 : f32 to vector<128x128xf32>
    %max3A_263 = arith.maximumf %add3A_260, %max3A_262 : vector<128x128xf32>
    %div3A_264 = arith.divf %mul3A_259, %max3A_263 : vector<128x128xf32>
    %add3A_265 = arith.addf %div3A_251, %div3A_264 : vector<128x128xf32>
    %max3A_266 = arith.constant 1.000000e+00 : f32
    %max3A_267 = vector.broadcast %max3A_266 : f32 to vector<128x128xf32>
    %max3A_268 = arith.maximumf %sub3A_255, %max3A_267 : vector<128x128xf32>
    %div3A_269 = arith.divf %add3A_265, %max3A_268 : vector<128x128xf32>
    %reduce_sum3A_270 = vector.shape_cast %div3A_269 : vector<128x128xf32> to vector<1x128x128xf32>
    %reduce_sum3A_271 = arith.constant dense<0.000000e+00> : vector<1xf32>
    %reduce_sum3A_272 = vector.multi_reduction <add>, %reduce_sum3A_270, %reduce_sum3A_271 [1, 2] : vector<1x128x128xf32> to vector<1xf32>
    %reduce_sum3A_273 = vector.shape_cast %reduce_sum3A_272 : vector<1xf32> to vector<1x1x1xf32>
    %reduce_sum3A_274 = vector.extract %reduce_sum3A_273[0, 0, 0] : f32 from vector<1x1x1xf32>
    %eq3A_275 = arith.constant 0.000000e+00 : f32
    %eq3A_276 = arith.cmpf oeq, %get3A_240, %eq3A_275 : f32
    %max3A_277 = arith.constant 0.000000e+00 : f32
    %max3A_278 = arith.maximumf %get3A_245, %max3A_277 : f32
    %select_n3A_279 = arith.select %eq3A_276, %max3A_278, %reduce_sum3A_274 : f32
    %add3A_280 = arith.addf %add3A_136, %select_n3A_279 : f32
    %get3A_281 = arith.constant 8 : index
    %get3A_282 = arith.constant 0 : index
    %get3A_283 = arith.constant 0 : index
    %get3A_284 = arith.constant 0 : index
    %get3A_285 = vector.load %arg0[%get3A_281, %get3A_282, %get3A_283, %get3A_284] : memref<32x3x128x128xf32, #tpu.memory_space<vmem>>, vector<1x1x128x128xf32>
    %get3A_286 = vector.shape_cast %get3A_285 : vector<1x1x128x128xf32> to vector<128x128xf32>
    %get3A_287 = arith.constant 9 : index
    %get3A_288 = arith.constant 0 : index
    %get3A_289 = arith.constant 0 : index
    %get3A_290 = arith.constant 0 : index
    %get3A_291 = vector.load %arg0[%get3A_287, %get3A_288, %get3A_289, %get3A_290] : memref<32x3x128x128xf32, #tpu.memory_space<vmem>>, vector<1x1x128x128xf32>
    %get3A_292 = vector.shape_cast %get3A_291 : vector<1x1x128x128xf32> to vector<128x128xf32>
    %add3A_293 = arith.addf %get3A_286, %get3A_292 : vector<128x128xf32>
    %get3A_294 = arith.constant 10 : index
    %get3A_295 = arith.constant 0 : index
    %get3A_296 = arith.constant 0 : index
    %get3A_297 = arith.constant 0 : index
    %get3A_298 = vector.load %arg0[%get3A_294, %get3A_295, %get3A_296, %get3A_297] : memref<32x3x128x128xf32, #tpu.memory_space<vmem>>, vector<1x1x128x128xf32>
    %get3A_299 = vector.shape_cast %get3A_298 : vector<1x1x128x128xf32> to vector<128x128xf32>
    %get3A_300 = arith.constant 11 : index
    %get3A_301 = arith.constant 0 : index
    %get3A_302 = arith.constant 0 : index
    %get3A_303 = arith.constant 0 : index
    %get3A_304 = vector.load %arg0[%get3A_300, %get3A_301, %get3A_302, %get3A_303] : memref<32x3x128x128xf32, #tpu.memory_space<vmem>>, vector<1x1x128x128xf32>
    %get3A_305 = vector.shape_cast %get3A_304 : vector<1x1x128x128xf32> to vector<128x128xf32>
    %add3A_306 = arith.addf %get3A_299, %get3A_305 : vector<128x128xf32>
    %add3A_307 = arith.addf %add3A_293, %add3A_306 : vector<128x128xf32>
    %get3A_308 = arith.constant 8 : index
    %get3A_309 = arith.constant 1 : index
    %get3A_310 = arith.constant 0 : index
    %get3A_311 = arith.constant 0 : index
    %get3A_312 = vector.load %arg0[%get3A_308, %get3A_309, %get3A_310, %get3A_311] : memref<32x3x128x128xf32, #tpu.memory_space<vmem>>, vector<1x1x128x128xf32>
    %get3A_313 = vector.shape_cast %get3A_312 : vector<1x1x128x128xf32> to vector<128x128xf32>
    %get3A_314 = arith.constant 9 : index
    %get3A_315 = arith.constant 1 : index
    %get3A_316 = arith.constant 0 : index
    %get3A_317 = arith.constant 0 : index
    %get3A_318 = vector.load %arg0[%get3A_314, %get3A_315, %get3A_316, %get3A_317] : memref<32x3x128x128xf32, #tpu.memory_space<vmem>>, vector<1x1x128x128xf32>
    %get3A_319 = vector.shape_cast %get3A_318 : vector<1x1x128x128xf32> to vector<128x128xf32>
    %add3A_320 = arith.addf %get3A_313, %get3A_319 : vector<128x128xf32>
    %get3A_321 = arith.constant 10 : index
    %get3A_322 = arith.constant 1 : index
    %get3A_323 = arith.constant 0 : index
    %get3A_324 = arith.constant 0 : index
    %get3A_325 = vector.load %arg0[%get3A_321, %get3A_322, %get3A_323, %get3A_324] : memref<32x3x128x128xf32, #tpu.memory_space<vmem>>, vector<1x1x128x128xf32>
    %get3A_326 = vector.shape_cast %get3A_325 : vector<1x1x128x128xf32> to vector<128x128xf32>
    %get3A_327 = arith.constant 11 : index
    %get3A_328 = arith.constant 1 : index
    %get3A_329 = arith.constant 0 : index
    %get3A_330 = arith.constant 0 : index
    %get3A_331 = vector.load %arg0[%get3A_327, %get3A_328, %get3A_329, %get3A_330] : memref<32x3x128x128xf32, #tpu.memory_space<vmem>>, vector<1x1x128x128xf32>
    %get3A_332 = vector.shape_cast %get3A_331 : vector<1x1x128x128xf32> to vector<128x128xf32>
    %add3A_333 = arith.addf %get3A_326, %get3A_332 : vector<128x128xf32>
    %add3A_334 = arith.addf %add3A_320, %add3A_333 : vector<128x128xf32>
    %get3A_335 = arith.constant 8 : index
    %get3A_336 = arith.constant 2 : index
    %get3A_337 = arith.constant 0 : index
    %get3A_338 = arith.constant 0 : index
    %get3A_339 = vector.load %arg0[%get3A_335, %get3A_336, %get3A_337, %get3A_338] : memref<32x3x128x128xf32, #tpu.memory_space<vmem>>, vector<1x1x128x128xf32>
    %get3A_340 = vector.shape_cast %get3A_339 : vector<1x1x128x128xf32> to vector<128x128xf32>
    %get3A_341 = arith.constant 9 : index
    %get3A_342 = arith.constant 2 : index
    %get3A_343 = arith.constant 0 : index
    %get3A_344 = arith.constant 0 : index
    %get3A_345 = vector.load %arg0[%get3A_341, %get3A_342, %get3A_343, %get3A_344] : memref<32x3x128x128xf32, #tpu.memory_space<vmem>>, vector<1x1x128x128xf32>
    %get3A_346 = vector.shape_cast %get3A_345 : vector<1x1x128x128xf32> to vector<128x128xf32>
    %add3A_347 = arith.addf %get3A_340, %get3A_346 : vector<128x128xf32>
    %get3A_348 = arith.constant 10 : index
    %get3A_349 = arith.constant 2 : index
    %get3A_350 = arith.constant 0 : index
    %get3A_351 = arith.constant 0 : index
    %get3A_352 = vector.load %arg0[%get3A_348, %get3A_349, %get3A_350, %get3A_351] : memref<32x3x128x128xf32, #tpu.memory_space<vmem>>, vector<1x1x128x128xf32>
    %get3A_353 = vector.shape_cast %get3A_352 : vector<1x1x128x128xf32> to vector<128x128xf32>
    %get3A_354 = arith.constant 11 : index
    %get3A_355 = arith.constant 2 : index
    %get3A_356 = arith.constant 0 : index
    %get3A_357 = arith.constant 0 : index
    %get3A_358 = vector.load %arg0[%get3A_354, %get3A_355, %get3A_356, %get3A_357] : memref<32x3x128x128xf32, #tpu.memory_space<vmem>>, vector<1x1x128x128xf32>
    %get3A_359 = vector.shape_cast %get3A_358 : vector<1x1x128x128xf32> to vector<128x128xf32>
    %add3A_360 = arith.addf %get3A_353, %get3A_359 : vector<128x128xf32>
    %add3A_361 = arith.addf %add3A_347, %add3A_360 : vector<128x128xf32>
    %dot_general3A_362 = arith.constant dense<0.000000e+00> : vector<128x128xf32>
    %dot_general3A_363 = tpu.matmul %add3A_307, %convert_element_type3A_1, %dot_general3A_362 {dimension_numbers = #tpu.dot_dimension_numbers<[1], [0], [0], [1], [0, 0, 1, 1], [], []>, transpose_lhs_hint = false} : vector<128x128xf32>, vector<128x128xf32>, vector<128x128xf32> -> vector<128x128xf32>
    %slice3A_364 = vector.extract_strided_slice %dot_general3A_363 {offsets = [0, 0], sizes = [128, 1], strides = [1, 1]} : vector<128x128xf32> to vector<128x1xf32>
    %transpose3A_365 = tpu.transpose %convert_element_type3A_3, [1, 0] : vector<128x128xf32> -> vector<128x128xf32>
    %dot_general3A_366 = arith.constant dense<0.000000e+00> : vector<128x1xf32>
    %dot_general3A_367 = tpu.matmul %transpose3A_365, %slice3A_364, %dot_general3A_366 {dimension_numbers = #tpu.dot_dimension_numbers<[1], [0], [0], [1], [0, 0, 1, 1], [], []>, transpose_lhs_hint = false} : vector<128x128xf32>, vector<128x1xf32>, vector<128x1xf32> -> vector<128x1xf32>
    %add3A_368 = vector.broadcast %dot_general3A_367 : vector<128x1xf32> to vector<128x128xf32>
    %add3A_369 = arith.addf %dot_general3A_363, %add3A_368 : vector<128x128xf32>
    %dot_general3A_370 = arith.constant dense<0.000000e+00> : vector<128x128xf32>
    %dot_general3A_371 = tpu.matmul %add3A_334, %convert_element_type3A_1, %dot_general3A_370 {dimension_numbers = #tpu.dot_dimension_numbers<[1], [0], [0], [1], [0, 0, 1, 1], [], []>, transpose_lhs_hint = false} : vector<128x128xf32>, vector<128x128xf32>, vector<128x128xf32> -> vector<128x128xf32>
    %slice3A_372 = vector.extract_strided_slice %dot_general3A_371 {offsets = [0, 0], sizes = [128, 1], strides = [1, 1]} : vector<128x128xf32> to vector<128x1xf32>
    %transpose3A_373 = tpu.transpose %convert_element_type3A_3, [1, 0] : vector<128x128xf32> -> vector<128x128xf32>
    %dot_general3A_374 = arith.constant dense<0.000000e+00> : vector<128x1xf32>
    %dot_general3A_375 = tpu.matmul %transpose3A_373, %slice3A_372, %dot_general3A_374 {dimension_numbers = #tpu.dot_dimension_numbers<[1], [0], [0], [1], [0, 0, 1, 1], [], []>, transpose_lhs_hint = false} : vector<128x128xf32>, vector<128x1xf32>, vector<128x1xf32> -> vector<128x1xf32>
    %add3A_376 = vector.broadcast %dot_general3A_375 : vector<128x1xf32> to vector<128x128xf32>
    %add3A_377 = arith.addf %dot_general3A_371, %add3A_376 : vector<128x128xf32>
    %sub3A_378 = arith.subf %add3A_369, %add3A_307 : vector<128x128xf32>
    %sub3A_379 = arith.subf %add3A_377, %add3A_334 : vector<128x128xf32>
    %get3A_380 = arith.constant 2 : index
    %get3A_381 = arith.constant 0 : index
    %get3A_382 = arith.constant 0 : index
    %get3A_383 = vector.load %arg1[%get3A_380, %get3A_381, %get3A_382] : memref<8x1x128xf32, #tpu.memory_space<vmem>>, vector<1x1x1xf32>
    %get3A_384 = vector.extract %get3A_383[0, 0, 0] : f32 from vector<1x1x1xf32>
    %get3A_385 = arith.constant 2 : index
    %get3A_386 = arith.constant 0 : index
    %get3A_387 = arith.constant 0 : index
    %get3A_388 = vector.load %arg2[%get3A_385, %get3A_386, %get3A_387] : memref<8x1x128xf32, #tpu.memory_space<vmem>>, vector<1x1x1xf32>
    %get3A_389 = vector.extract %get3A_388[0, 0, 0] : f32 from vector<1x1x1xf32>
    %sub3A_390 = arith.subf %add3A_307, %add3A_334 : vector<128x128xf32>
    %mul3A_391 = arith.mulf %add3A_361, %add3A_334 : vector<128x128xf32>
    %max3A_392 = arith.constant 1.000000e+00 : f32
    %max3A_393 = vector.broadcast %max3A_392 : f32 to vector<128x128xf32>
    %max3A_394 = arith.maximumf %add3A_307, %max3A_393 : vector<128x128xf32>
    %div3A_395 = arith.divf %mul3A_391, %max3A_394 : vector<128x128xf32>
    %sub3A_396 = arith.subf %add3A_361, %div3A_395 : vector<128x128xf32>
    %add3A_397 = vector.broadcast %get3A_384 : f32 to vector<128x128xf32>
    %add3A_398 = arith.addf %add3A_397, %sub3A_378 : vector<128x128xf32>
    %sub3A_399 = arith.subf %add3A_398, %sub3A_379 : vector<128x128xf32>
    %sub3A_400 = vector.broadcast %get3A_384 : f32 to vector<128x128xf32>
    %sub3A_401 = arith.subf %sub3A_400, %sub3A_379 : vector<128x128xf32>
    %sub3A_402 = arith.subf %sub3A_401, %add3A_334 : vector<128x128xf32>
    %mul3A_403 = arith.mulf %sub3A_396, %sub3A_402 : vector<128x128xf32>
    %add3A_404 = arith.addf %sub3A_399, %sub3A_390 : vector<128x128xf32>
    %max3A_405 = arith.constant 1.000000e+00 : f32
    %max3A_406 = vector.broadcast %max3A_405 : f32 to vector<128x128xf32>
    %max3A_407 = arith.maximumf %add3A_404, %max3A_406 : vector<128x128xf32>
    %div3A_408 = arith.divf %mul3A_403, %max3A_407 : vector<128x128xf32>
    %add3A_409 = arith.addf %div3A_395, %div3A_408 : vector<128x128xf32>
    %max3A_410 = arith.constant 1.000000e+00 : f32
    %max3A_411 = vector.broadcast %max3A_410 : f32 to vector<128x128xf32>
    %max3A_412 = arith.maximumf %sub3A_399, %max3A_411 : vector<128x128xf32>
    %div3A_413 = arith.divf %add3A_409, %max3A_412 : vector<128x128xf32>
    %reduce_sum3A_414 = vector.shape_cast %div3A_413 : vector<128x128xf32> to vector<1x128x128xf32>
    %reduce_sum3A_415 = arith.constant dense<0.000000e+00> : vector<1xf32>
    %reduce_sum3A_416 = vector.multi_reduction <add>, %reduce_sum3A_414, %reduce_sum3A_415 [1, 2] : vector<1x128x128xf32> to vector<1xf32>
    %reduce_sum3A_417 = vector.shape_cast %reduce_sum3A_416 : vector<1xf32> to vector<1x1x1xf32>
    %reduce_sum3A_418 = vector.extract %reduce_sum3A_417[0, 0, 0] : f32 from vector<1x1x1xf32>
    %eq3A_419 = arith.constant 0.000000e+00 : f32
    %eq3A_420 = arith.cmpf oeq, %get3A_384, %eq3A_419 : f32
    %max3A_421 = arith.constant 0.000000e+00 : f32
    %max3A_422 = arith.maximumf %get3A_389, %max3A_421 : f32
    %select_n3A_423 = arith.select %eq3A_420, %max3A_422, %reduce_sum3A_418 : f32
    %add3A_424 = arith.addf %add3A_280, %select_n3A_423 : f32
    %get3A_425 = arith.constant 12 : index
    %get3A_426 = arith.constant 0 : index
    %get3A_427 = arith.constant 0 : index
    %get3A_428 = arith.constant 0 : index
    %get3A_429 = vector.load %arg0[%get3A_425, %get3A_426, %get3A_427, %get3A_428] : memref<32x3x128x128xf32, #tpu.memory_space<vmem>>, vector<1x1x128x128xf32>
    %get3A_430 = vector.shape_cast %get3A_429 : vector<1x1x128x128xf32> to vector<128x128xf32>
    %get3A_431 = arith.constant 13 : index
    %get3A_432 = arith.constant 0 : index
    %get3A_433 = arith.constant 0 : index
    %get3A_434 = arith.constant 0 : index
    %get3A_435 = vector.load %arg0[%get3A_431, %get3A_432, %get3A_433, %get3A_434] : memref<32x3x128x128xf32, #tpu.memory_space<vmem>>, vector<1x1x128x128xf32>
    %get3A_436 = vector.shape_cast %get3A_435 : vector<1x1x128x128xf32> to vector<128x128xf32>
    %add3A_437 = arith.addf %get3A_430, %get3A_436 : vector<128x128xf32>
    %get3A_438 = arith.constant 14 : index
    %get3A_439 = arith.constant 0 : index
    %get3A_440 = arith.constant 0 : index
    %get3A_441 = arith.constant 0 : index
    %get3A_442 = vector.load %arg0[%get3A_438, %get3A_439, %get3A_440, %get3A_441] : memref<32x3x128x128xf32, #tpu.memory_space<vmem>>, vector<1x1x128x128xf32>
    %get3A_443 = vector.shape_cast %get3A_442 : vector<1x1x128x128xf32> to vector<128x128xf32>
    %get3A_444 = arith.constant 15 : index
    %get3A_445 = arith.constant 0 : index
    %get3A_446 = arith.constant 0 : index
    %get3A_447 = arith.constant 0 : index
    %get3A_448 = vector.load %arg0[%get3A_444, %get3A_445, %get3A_446, %get3A_447] : memref<32x3x128x128xf32, #tpu.memory_space<vmem>>, vector<1x1x128x128xf32>
    %get3A_449 = vector.shape_cast %get3A_448 : vector<1x1x128x128xf32> to vector<128x128xf32>
    %add3A_450 = arith.addf %get3A_443, %get3A_449 : vector<128x128xf32>
    %add3A_451 = arith.addf %add3A_437, %add3A_450 : vector<128x128xf32>
    %get3A_452 = arith.constant 12 : index
    %get3A_453 = arith.constant 1 : index
    %get3A_454 = arith.constant 0 : index
    %get3A_455 = arith.constant 0 : index
    %get3A_456 = vector.load %arg0[%get3A_452, %get3A_453, %get3A_454, %get3A_455] : memref<32x3x128x128xf32, #tpu.memory_space<vmem>>, vector<1x1x128x128xf32>
    %get3A_457 = vector.shape_cast %get3A_456 : vector<1x1x128x128xf32> to vector<128x128xf32>
    %get3A_458 = arith.constant 13 : index
    %get3A_459 = arith.constant 1 : index
    %get3A_460 = arith.constant 0 : index
    %get3A_461 = arith.constant 0 : index
    %get3A_462 = vector.load %arg0[%get3A_458, %get3A_459, %get3A_460, %get3A_461] : memref<32x3x128x128xf32, #tpu.memory_space<vmem>>, vector<1x1x128x128xf32>
    %get3A_463 = vector.shape_cast %get3A_462 : vector<1x1x128x128xf32> to vector<128x128xf32>
    %add3A_464 = arith.addf %get3A_457, %get3A_463 : vector<128x128xf32>
    %get3A_465 = arith.constant 14 : index
    %get3A_466 = arith.constant 1 : index
    %get3A_467 = arith.constant 0 : index
    %get3A_468 = arith.constant 0 : index
    %get3A_469 = vector.load %arg0[%get3A_465, %get3A_466, %get3A_467, %get3A_468] : memref<32x3x128x128xf32, #tpu.memory_space<vmem>>, vector<1x1x128x128xf32>
    %get3A_470 = vector.shape_cast %get3A_469 : vector<1x1x128x128xf32> to vector<128x128xf32>
    %get3A_471 = arith.constant 15 : index
    %get3A_472 = arith.constant 1 : index
    %get3A_473 = arith.constant 0 : index
    %get3A_474 = arith.constant 0 : index
    %get3A_475 = vector.load %arg0[%get3A_471, %get3A_472, %get3A_473, %get3A_474] : memref<32x3x128x128xf32, #tpu.memory_space<vmem>>, vector<1x1x128x128xf32>
    %get3A_476 = vector.shape_cast %get3A_475 : vector<1x1x128x128xf32> to vector<128x128xf32>
    %add3A_477 = arith.addf %get3A_470, %get3A_476 : vector<128x128xf32>
    %add3A_478 = arith.addf %add3A_464, %add3A_477 : vector<128x128xf32>
    %get3A_479 = arith.constant 12 : index
    %get3A_480 = arith.constant 2 : index
    %get3A_481 = arith.constant 0 : index
    %get3A_482 = arith.constant 0 : index
    %get3A_483 = vector.load %arg0[%get3A_479, %get3A_480, %get3A_481, %get3A_482] : memref<32x3x128x128xf32, #tpu.memory_space<vmem>>, vector<1x1x128x128xf32>
    %get3A_484 = vector.shape_cast %get3A_483 : vector<1x1x128x128xf32> to vector<128x128xf32>
    %get3A_485 = arith.constant 13 : index
    %get3A_486 = arith.constant 2 : index
    %get3A_487 = arith.constant 0 : index
    %get3A_488 = arith.constant 0 : index
    %get3A_489 = vector.load %arg0[%get3A_485, %get3A_486, %get3A_487, %get3A_488] : memref<32x3x128x128xf32, #tpu.memory_space<vmem>>, vector<1x1x128x128xf32>
    %get3A_490 = vector.shape_cast %get3A_489 : vector<1x1x128x128xf32> to vector<128x128xf32>
    %add3A_491 = arith.addf %get3A_484, %get3A_490 : vector<128x128xf32>
    %get3A_492 = arith.constant 14 : index
    %get3A_493 = arith.constant 2 : index
    %get3A_494 = arith.constant 0 : index
    %get3A_495 = arith.constant 0 : index
    %get3A_496 = vector.load %arg0[%get3A_492, %get3A_493, %get3A_494, %get3A_495] : memref<32x3x128x128xf32, #tpu.memory_space<vmem>>, vector<1x1x128x128xf32>
    %get3A_497 = vector.shape_cast %get3A_496 : vector<1x1x128x128xf32> to vector<128x128xf32>
    %get3A_498 = arith.constant 15 : index
    %get3A_499 = arith.constant 2 : index
    %get3A_500 = arith.constant 0 : index
    %get3A_501 = arith.constant 0 : index
    %get3A_502 = vector.load %arg0[%get3A_498, %get3A_499, %get3A_500, %get3A_501] : memref<32x3x128x128xf32, #tpu.memory_space<vmem>>, vector<1x1x128x128xf32>
    %get3A_503 = vector.shape_cast %get3A_502 : vector<1x1x128x128xf32> to vector<128x128xf32>
    %add3A_504 = arith.addf %get3A_497, %get3A_503 : vector<128x128xf32>
    %add3A_505 = arith.addf %add3A_491, %add3A_504 : vector<128x128xf32>
    %dot_general3A_506 = arith.constant dense<0.000000e+00> : vector<128x128xf32>
    %dot_general3A_507 = tpu.matmul %add3A_451, %convert_element_type3A_1, %dot_general3A_506 {dimension_numbers = #tpu.dot_dimension_numbers<[1], [0], [0], [1], [0, 0, 1, 1], [], []>, transpose_lhs_hint = false} : vector<128x128xf32>, vector<128x128xf32>, vector<128x128xf32> -> vector<128x128xf32>
    %slice3A_508 = vector.extract_strided_slice %dot_general3A_507 {offsets = [0, 0], sizes = [128, 1], strides = [1, 1]} : vector<128x128xf32> to vector<128x1xf32>
    %transpose3A_509 = tpu.transpose %convert_element_type3A_3, [1, 0] : vector<128x128xf32> -> vector<128x128xf32>
    %dot_general3A_510 = arith.constant dense<0.000000e+00> : vector<128x1xf32>
    %dot_general3A_511 = tpu.matmul %transpose3A_509, %slice3A_508, %dot_general3A_510 {dimension_numbers = #tpu.dot_dimension_numbers<[1], [0], [0], [1], [0, 0, 1, 1], [], []>, transpose_lhs_hint = false} : vector<128x128xf32>, vector<128x1xf32>, vector<128x1xf32> -> vector<128x1xf32>
    %add3A_512 = vector.broadcast %dot_general3A_511 : vector<128x1xf32> to vector<128x128xf32>
    %add3A_513 = arith.addf %dot_general3A_507, %add3A_512 : vector<128x128xf32>
    %dot_general3A_514 = arith.constant dense<0.000000e+00> : vector<128x128xf32>
    %dot_general3A_515 = tpu.matmul %add3A_478, %convert_element_type3A_1, %dot_general3A_514 {dimension_numbers = #tpu.dot_dimension_numbers<[1], [0], [0], [1], [0, 0, 1, 1], [], []>, transpose_lhs_hint = false} : vector<128x128xf32>, vector<128x128xf32>, vector<128x128xf32> -> vector<128x128xf32>
    %slice3A_516 = vector.extract_strided_slice %dot_general3A_515 {offsets = [0, 0], sizes = [128, 1], strides = [1, 1]} : vector<128x128xf32> to vector<128x1xf32>
    %transpose3A_517 = tpu.transpose %convert_element_type3A_3, [1, 0] : vector<128x128xf32> -> vector<128x128xf32>
    %dot_general3A_518 = arith.constant dense<0.000000e+00> : vector<128x1xf32>
    %dot_general3A_519 = tpu.matmul %transpose3A_517, %slice3A_516, %dot_general3A_518 {dimension_numbers = #tpu.dot_dimension_numbers<[1], [0], [0], [1], [0, 0, 1, 1], [], []>, transpose_lhs_hint = false} : vector<128x128xf32>, vector<128x1xf32>, vector<128x1xf32> -> vector<128x1xf32>
    %add3A_520 = vector.broadcast %dot_general3A_519 : vector<128x1xf32> to vector<128x128xf32>
    %add3A_521 = arith.addf %dot_general3A_515, %add3A_520 : vector<128x128xf32>
    %sub3A_522 = arith.subf %add3A_513, %add3A_451 : vector<128x128xf32>
    %sub3A_523 = arith.subf %add3A_521, %add3A_478 : vector<128x128xf32>
    %get3A_524 = arith.constant 3 : index
    %get3A_525 = arith.constant 0 : index
    %get3A_526 = arith.constant 0 : index
    %get3A_527 = vector.load %arg1[%get3A_524, %get3A_525, %get3A_526] : memref<8x1x128xf32, #tpu.memory_space<vmem>>, vector<1x1x1xf32>
    %get3A_528 = vector.extract %get3A_527[0, 0, 0] : f32 from vector<1x1x1xf32>
    %get3A_529 = arith.constant 3 : index
    %get3A_530 = arith.constant 0 : index
    %get3A_531 = arith.constant 0 : index
    %get3A_532 = vector.load %arg2[%get3A_529, %get3A_530, %get3A_531] : memref<8x1x128xf32, #tpu.memory_space<vmem>>, vector<1x1x1xf32>
    %get3A_533 = vector.extract %get3A_532[0, 0, 0] : f32 from vector<1x1x1xf32>
    %sub3A_534 = arith.subf %add3A_451, %add3A_478 : vector<128x128xf32>
    %mul3A_535 = arith.mulf %add3A_505, %add3A_478 : vector<128x128xf32>
    %max3A_536 = arith.constant 1.000000e+00 : f32
    %max3A_537 = vector.broadcast %max3A_536 : f32 to vector<128x128xf32>
    %max3A_538 = arith.maximumf %add3A_451, %max3A_537 : vector<128x128xf32>
    %div3A_539 = arith.divf %mul3A_535, %max3A_538 : vector<128x128xf32>
    %sub3A_540 = arith.subf %add3A_505, %div3A_539 : vector<128x128xf32>
    %add3A_541 = vector.broadcast %get3A_528 : f32 to vector<128x128xf32>
    %add3A_542 = arith.addf %add3A_541, %sub3A_522 : vector<128x128xf32>
    %sub3A_543 = arith.subf %add3A_542, %sub3A_523 : vector<128x128xf32>
    %sub3A_544 = vector.broadcast %get3A_528 : f32 to vector<128x128xf32>
    %sub3A_545 = arith.subf %sub3A_544, %sub3A_523 : vector<128x128xf32>
    %sub3A_546 = arith.subf %sub3A_545, %add3A_478 : vector<128x128xf32>
    %mul3A_547 = arith.mulf %sub3A_540, %sub3A_546 : vector<128x128xf32>
    %add3A_548 = arith.addf %sub3A_543, %sub3A_534 : vector<128x128xf32>
    %max3A_549 = arith.constant 1.000000e+00 : f32
    %max3A_550 = vector.broadcast %max3A_549 : f32 to vector<128x128xf32>
    %max3A_551 = arith.maximumf %add3A_548, %max3A_550 : vector<128x128xf32>
    %div3A_552 = arith.divf %mul3A_547, %max3A_551 : vector<128x128xf32>
    %add3A_553 = arith.addf %div3A_539, %div3A_552 : vector<128x128xf32>
    %max3A_554 = arith.constant 1.000000e+00 : f32
    %max3A_555 = vector.broadcast %max3A_554 : f32 to vector<128x128xf32>
    %max3A_556 = arith.maximumf %sub3A_543, %max3A_555 : vector<128x128xf32>
    %div3A_557 = arith.divf %add3A_553, %max3A_556 : vector<128x128xf32>
    %reduce_sum3A_558 = vector.shape_cast %div3A_557 : vector<128x128xf32> to vector<1x128x128xf32>
    %reduce_sum3A_559 = arith.constant dense<0.000000e+00> : vector<1xf32>
    %reduce_sum3A_560 = vector.multi_reduction <add>, %reduce_sum3A_558, %reduce_sum3A_559 [1, 2] : vector<1x128x128xf32> to vector<1xf32>
    %reduce_sum3A_561 = vector.shape_cast %reduce_sum3A_560 : vector<1xf32> to vector<1x1x1xf32>
    %reduce_sum3A_562 = vector.extract %reduce_sum3A_561[0, 0, 0] : f32 from vector<1x1x1xf32>
    %eq3A_563 = arith.constant 0.000000e+00 : f32
    %eq3A_564 = arith.cmpf oeq, %get3A_528, %eq3A_563 : f32
    %max3A_565 = arith.constant 0.000000e+00 : f32
    %max3A_566 = arith.maximumf %get3A_533, %max3A_565 : f32
    %select_n3A_567 = arith.select %eq3A_564, %max3A_566, %reduce_sum3A_562 : f32
    %add3A_568 = arith.addf %add3A_424, %select_n3A_567 : f32
    %get3A_569 = arith.constant 16 : index
    %get3A_570 = arith.constant 0 : index
    %get3A_571 = arith.constant 0 : index
    %get3A_572 = arith.constant 0 : index
    %get3A_573 = vector.load %arg0[%get3A_569, %get3A_570, %get3A_571, %get3A_572] : memref<32x3x128x128xf32, #tpu.memory_space<vmem>>, vector<1x1x128x128xf32>
    %get3A_574 = vector.shape_cast %get3A_573 : vector<1x1x128x128xf32> to vector<128x128xf32>
    %get3A_575 = arith.constant 17 : index
    %get3A_576 = arith.constant 0 : index
    %get3A_577 = arith.constant 0 : index
    %get3A_578 = arith.constant 0 : index
    %get3A_579 = vector.load %arg0[%get3A_575, %get3A_576, %get3A_577, %get3A_578] : memref<32x3x128x128xf32, #tpu.memory_space<vmem>>, vector<1x1x128x128xf32>
    %get3A_580 = vector.shape_cast %get3A_579 : vector<1x1x128x128xf32> to vector<128x128xf32>
    %add3A_581 = arith.addf %get3A_574, %get3A_580 : vector<128x128xf32>
    %get3A_582 = arith.constant 18 : index
    %get3A_583 = arith.constant 0 : index
    %get3A_584 = arith.constant 0 : index
    %get3A_585 = arith.constant 0 : index
    %get3A_586 = vector.load %arg0[%get3A_582, %get3A_583, %get3A_584, %get3A_585] : memref<32x3x128x128xf32, #tpu.memory_space<vmem>>, vector<1x1x128x128xf32>
    %get3A_587 = vector.shape_cast %get3A_586 : vector<1x1x128x128xf32> to vector<128x128xf32>
    %get3A_588 = arith.constant 19 : index
    %get3A_589 = arith.constant 0 : index
    %get3A_590 = arith.constant 0 : index
    %get3A_591 = arith.constant 0 : index
    %get3A_592 = vector.load %arg0[%get3A_588, %get3A_589, %get3A_590, %get3A_591] : memref<32x3x128x128xf32, #tpu.memory_space<vmem>>, vector<1x1x128x128xf32>
    %get3A_593 = vector.shape_cast %get3A_592 : vector<1x1x128x128xf32> to vector<128x128xf32>
    %add3A_594 = arith.addf %get3A_587, %get3A_593 : vector<128x128xf32>
    %add3A_595 = arith.addf %add3A_581, %add3A_594 : vector<128x128xf32>
    %get3A_596 = arith.constant 16 : index
    %get3A_597 = arith.constant 1 : index
    %get3A_598 = arith.constant 0 : index
    %get3A_599 = arith.constant 0 : index
    %get3A_600 = vector.load %arg0[%get3A_596, %get3A_597, %get3A_598, %get3A_599] : memref<32x3x128x128xf32, #tpu.memory_space<vmem>>, vector<1x1x128x128xf32>
    %get3A_601 = vector.shape_cast %get3A_600 : vector<1x1x128x128xf32> to vector<128x128xf32>
    %get3A_602 = arith.constant 17 : index
    %get3A_603 = arith.constant 1 : index
    %get3A_604 = arith.constant 0 : index
    %get3A_605 = arith.constant 0 : index
    %get3A_606 = vector.load %arg0[%get3A_602, %get3A_603, %get3A_604, %get3A_605] : memref<32x3x128x128xf32, #tpu.memory_space<vmem>>, vector<1x1x128x128xf32>
    %get3A_607 = vector.shape_cast %get3A_606 : vector<1x1x128x128xf32> to vector<128x128xf32>
    %add3A_608 = arith.addf %get3A_601, %get3A_607 : vector<128x128xf32>
    %get3A_609 = arith.constant 18 : index
    %get3A_610 = arith.constant 1 : index
    %get3A_611 = arith.constant 0 : index
    %get3A_612 = arith.constant 0 : index
    %get3A_613 = vector.load %arg0[%get3A_609, %get3A_610, %get3A_611, %get3A_612] : memref<32x3x128x128xf32, #tpu.memory_space<vmem>>, vector<1x1x128x128xf32>
    %get3A_614 = vector.shape_cast %get3A_613 : vector<1x1x128x128xf32> to vector<128x128xf32>
    %get3A_615 = arith.constant 19 : index
    %get3A_616 = arith.constant 1 : index
    %get3A_617 = arith.constant 0 : index
    %get3A_618 = arith.constant 0 : index
    %get3A_619 = vector.load %arg0[%get3A_615, %get3A_616, %get3A_617, %get3A_618] : memref<32x3x128x128xf32, #tpu.memory_space<vmem>>, vector<1x1x128x128xf32>
    %get3A_620 = vector.shape_cast %get3A_619 : vector<1x1x128x128xf32> to vector<128x128xf32>
    %add3A_621 = arith.addf %get3A_614, %get3A_620 : vector<128x128xf32>
    %add3A_622 = arith.addf %add3A_608, %add3A_621 : vector<128x128xf32>
    %get3A_623 = arith.constant 16 : index
    %get3A_624 = arith.constant 2 : index
    %get3A_625 = arith.constant 0 : index
    %get3A_626 = arith.constant 0 : index
    %get3A_627 = vector.load %arg0[%get3A_623, %get3A_624, %get3A_625, %get3A_626] : memref<32x3x128x128xf32, #tpu.memory_space<vmem>>, vector<1x1x128x128xf32>
    %get3A_628 = vector.shape_cast %get3A_627 : vector<1x1x128x128xf32> to vector<128x128xf32>
    %get3A_629 = arith.constant 17 : index
    %get3A_630 = arith.constant 2 : index
    %get3A_631 = arith.constant 0 : index
    %get3A_632 = arith.constant 0 : index
    %get3A_633 = vector.load %arg0[%get3A_629, %get3A_630, %get3A_631, %get3A_632] : memref<32x3x128x128xf32, #tpu.memory_space<vmem>>, vector<1x1x128x128xf32>
    %get3A_634 = vector.shape_cast %get3A_633 : vector<1x1x128x128xf32> to vector<128x128xf32>
    %add3A_635 = arith.addf %get3A_628, %get3A_634 : vector<128x128xf32>
    %get3A_636 = arith.constant 18 : index
    %get3A_637 = arith.constant 2 : index
    %get3A_638 = arith.constant 0 : index
    %get3A_639 = arith.constant 0 : index
    %get3A_640 = vector.load %arg0[%get3A_636, %get3A_637, %get3A_638, %get3A_639] : memref<32x3x128x128xf32, #tpu.memory_space<vmem>>, vector<1x1x128x128xf32>
    %get3A_641 = vector.shape_cast %get3A_640 : vector<1x1x128x128xf32> to vector<128x128xf32>
    %get3A_642 = arith.constant 19 : index
    %get3A_643 = arith.constant 2 : index
    %get3A_644 = arith.constant 0 : index
    %get3A_645 = arith.constant 0 : index
    %get3A_646 = vector.load %arg0[%get3A_642, %get3A_643, %get3A_644, %get3A_645] : memref<32x3x128x128xf32, #tpu.memory_space<vmem>>, vector<1x1x128x128xf32>
    %get3A_647 = vector.shape_cast %get3A_646 : vector<1x1x128x128xf32> to vector<128x128xf32>
    %add3A_648 = arith.addf %get3A_641, %get3A_647 : vector<128x128xf32>
    %add3A_649 = arith.addf %add3A_635, %add3A_648 : vector<128x128xf32>
    %dot_general3A_650 = arith.constant dense<0.000000e+00> : vector<128x128xf32>
    %dot_general3A_651 = tpu.matmul %add3A_595, %convert_element_type3A_1, %dot_general3A_650 {dimension_numbers = #tpu.dot_dimension_numbers<[1], [0], [0], [1], [0, 0, 1, 1], [], []>, transpose_lhs_hint = false} : vector<128x128xf32>, vector<128x128xf32>, vector<128x128xf32> -> vector<128x128xf32>
    %slice3A_652 = vector.extract_strided_slice %dot_general3A_651 {offsets = [0, 0], sizes = [128, 1], strides = [1, 1]} : vector<128x128xf32> to vector<128x1xf32>
    %transpose3A_653 = tpu.transpose %convert_element_type3A_3, [1, 0] : vector<128x128xf32> -> vector<128x128xf32>
    %dot_general3A_654 = arith.constant dense<0.000000e+00> : vector<128x1xf32>
    %dot_general3A_655 = tpu.matmul %transpose3A_653, %slice3A_652, %dot_general3A_654 {dimension_numbers = #tpu.dot_dimension_numbers<[1], [0], [0], [1], [0, 0, 1, 1], [], []>, transpose_lhs_hint = false} : vector<128x128xf32>, vector<128x1xf32>, vector<128x1xf32> -> vector<128x1xf32>
    %add3A_656 = vector.broadcast %dot_general3A_655 : vector<128x1xf32> to vector<128x128xf32>
    %add3A_657 = arith.addf %dot_general3A_651, %add3A_656 : vector<128x128xf32>
    %dot_general3A_658 = arith.constant dense<0.000000e+00> : vector<128x128xf32>
    %dot_general3A_659 = tpu.matmul %add3A_622, %convert_element_type3A_1, %dot_general3A_658 {dimension_numbers = #tpu.dot_dimension_numbers<[1], [0], [0], [1], [0, 0, 1, 1], [], []>, transpose_lhs_hint = false} : vector<128x128xf32>, vector<128x128xf32>, vector<128x128xf32> -> vector<128x128xf32>
    %slice3A_660 = vector.extract_strided_slice %dot_general3A_659 {offsets = [0, 0], sizes = [128, 1], strides = [1, 1]} : vector<128x128xf32> to vector<128x1xf32>
    %transpose3A_661 = tpu.transpose %convert_element_type3A_3, [1, 0] : vector<128x128xf32> -> vector<128x128xf32>
    %dot_general3A_662 = arith.constant dense<0.000000e+00> : vector<128x1xf32>
    %dot_general3A_663 = tpu.matmul %transpose3A_661, %slice3A_660, %dot_general3A_662 {dimension_numbers = #tpu.dot_dimension_numbers<[1], [0], [0], [1], [0, 0, 1, 1], [], []>, transpose_lhs_hint = false} : vector<128x128xf32>, vector<128x1xf32>, vector<128x1xf32> -> vector<128x1xf32>
    %add3A_664 = vector.broadcast %dot_general3A_663 : vector<128x1xf32> to vector<128x128xf32>
    %add3A_665 = arith.addf %dot_general3A_659, %add3A_664 : vector<128x128xf32>
    %sub3A_666 = arith.subf %add3A_657, %add3A_595 : vector<128x128xf32>
    %sub3A_667 = arith.subf %add3A_665, %add3A_622 : vector<128x128xf32>
    %get3A_668 = arith.constant 4 : index
    %get3A_669 = arith.constant 0 : index
    %get3A_670 = arith.constant 0 : index
    %get3A_671 = vector.load %arg1[%get3A_668, %get3A_669, %get3A_670] : memref<8x1x128xf32, #tpu.memory_space<vmem>>, vector<1x1x1xf32>
    %get3A_672 = vector.extract %get3A_671[0, 0, 0] : f32 from vector<1x1x1xf32>
    %get3A_673 = arith.constant 4 : index
    %get3A_674 = arith.constant 0 : index
    %get3A_675 = arith.constant 0 : index
    %get3A_676 = vector.load %arg2[%get3A_673, %get3A_674, %get3A_675] : memref<8x1x128xf32, #tpu.memory_space<vmem>>, vector<1x1x1xf32>
    %get3A_677 = vector.extract %get3A_676[0, 0, 0] : f32 from vector<1x1x1xf32>
    %sub3A_678 = arith.subf %add3A_595, %add3A_622 : vector<128x128xf32>
    %mul3A_679 = arith.mulf %add3A_649, %add3A_622 : vector<128x128xf32>
    %max3A_680 = arith.constant 1.000000e+00 : f32
    %max3A_681 = vector.broadcast %max3A_680 : f32 to vector<128x128xf32>
    %max3A_682 = arith.maximumf %add3A_595, %max3A_681 : vector<128x128xf32>
    %div3A_683 = arith.divf %mul3A_679, %max3A_682 : vector<128x128xf32>
    %sub3A_684 = arith.subf %add3A_649, %div3A_683 : vector<128x128xf32>
    %add3A_685 = vector.broadcast %get3A_672 : f32 to vector<128x128xf32>
    %add3A_686 = arith.addf %add3A_685, %sub3A_666 : vector<128x128xf32>
    %sub3A_687 = arith.subf %add3A_686, %sub3A_667 : vector<128x128xf32>
    %sub3A_688 = vector.broadcast %get3A_672 : f32 to vector<128x128xf32>
    %sub3A_689 = arith.subf %sub3A_688, %sub3A_667 : vector<128x128xf32>
    %sub3A_690 = arith.subf %sub3A_689, %add3A_622 : vector<128x128xf32>
    %mul3A_691 = arith.mulf %sub3A_684, %sub3A_690 : vector<128x128xf32>
    %add3A_692 = arith.addf %sub3A_687, %sub3A_678 : vector<128x128xf32>
    %max3A_693 = arith.constant 1.000000e+00 : f32
    %max3A_694 = vector.broadcast %max3A_693 : f32 to vector<128x128xf32>
    %max3A_695 = arith.maximumf %add3A_692, %max3A_694 : vector<128x128xf32>
    %div3A_696 = arith.divf %mul3A_691, %max3A_695 : vector<128x128xf32>
    %add3A_697 = arith.addf %div3A_683, %div3A_696 : vector<128x128xf32>
    %max3A_698 = arith.constant 1.000000e+00 : f32
    %max3A_699 = vector.broadcast %max3A_698 : f32 to vector<128x128xf32>
    %max3A_700 = arith.maximumf %sub3A_687, %max3A_699 : vector<128x128xf32>
    %div3A_701 = arith.divf %add3A_697, %max3A_700 : vector<128x128xf32>
    %reduce_sum3A_702 = vector.shape_cast %div3A_701 : vector<128x128xf32> to vector<1x128x128xf32>
    %reduce_sum3A_703 = arith.constant dense<0.000000e+00> : vector<1xf32>
    %reduce_sum3A_704 = vector.multi_reduction <add>, %reduce_sum3A_702, %reduce_sum3A_703 [1, 2] : vector<1x128x128xf32> to vector<1xf32>
    %reduce_sum3A_705 = vector.shape_cast %reduce_sum3A_704 : vector<1xf32> to vector<1x1x1xf32>
    %reduce_sum3A_706 = vector.extract %reduce_sum3A_705[0, 0, 0] : f32 from vector<1x1x1xf32>
    %eq3A_707 = arith.constant 0.000000e+00 : f32
    %eq3A_708 = arith.cmpf oeq, %get3A_672, %eq3A_707 : f32
    %max3A_709 = arith.constant 0.000000e+00 : f32
    %max3A_710 = arith.maximumf %get3A_677, %max3A_709 : f32
    %select_n3A_711 = arith.select %eq3A_708, %max3A_710, %reduce_sum3A_706 : f32
    %add3A_712 = arith.addf %add3A_568, %select_n3A_711 : f32
    %get3A_713 = arith.constant 20 : index
    %get3A_714 = arith.constant 0 : index
    %get3A_715 = arith.constant 0 : index
    %get3A_716 = arith.constant 0 : index
    %get3A_717 = vector.load %arg0[%get3A_713, %get3A_714, %get3A_715, %get3A_716] : memref<32x3x128x128xf32, #tpu.memory_space<vmem>>, vector<1x1x128x128xf32>
    %get3A_718 = vector.shape_cast %get3A_717 : vector<1x1x128x128xf32> to vector<128x128xf32>
    %get3A_719 = arith.constant 21 : index
    %get3A_720 = arith.constant 0 : index
    %get3A_721 = arith.constant 0 : index
    %get3A_722 = arith.constant 0 : index
    %get3A_723 = vector.load %arg0[%get3A_719, %get3A_720, %get3A_721, %get3A_722] : memref<32x3x128x128xf32, #tpu.memory_space<vmem>>, vector<1x1x128x128xf32>
    %get3A_724 = vector.shape_cast %get3A_723 : vector<1x1x128x128xf32> to vector<128x128xf32>
    %add3A_725 = arith.addf %get3A_718, %get3A_724 : vector<128x128xf32>
    %get3A_726 = arith.constant 22 : index
    %get3A_727 = arith.constant 0 : index
    %get3A_728 = arith.constant 0 : index
    %get3A_729 = arith.constant 0 : index
    %get3A_730 = vector.load %arg0[%get3A_726, %get3A_727, %get3A_728, %get3A_729] : memref<32x3x128x128xf32, #tpu.memory_space<vmem>>, vector<1x1x128x128xf32>
    %get3A_731 = vector.shape_cast %get3A_730 : vector<1x1x128x128xf32> to vector<128x128xf32>
    %get3A_732 = arith.constant 23 : index
    %get3A_733 = arith.constant 0 : index
    %get3A_734 = arith.constant 0 : index
    %get3A_735 = arith.constant 0 : index
    %get3A_736 = vector.load %arg0[%get3A_732, %get3A_733, %get3A_734, %get3A_735] : memref<32x3x128x128xf32, #tpu.memory_space<vmem>>, vector<1x1x128x128xf32>
    %get3A_737 = vector.shape_cast %get3A_736 : vector<1x1x128x128xf32> to vector<128x128xf32>
    %add3A_738 = arith.addf %get3A_731, %get3A_737 : vector<128x128xf32>
    %add3A_739 = arith.addf %add3A_725, %add3A_738 : vector<128x128xf32>
    %get3A_740 = arith.constant 20 : index
    %get3A_741 = arith.constant 1 : index
    %get3A_742 = arith.constant 0 : index
    %get3A_743 = arith.constant 0 : index
    %get3A_744 = vector.load %arg0[%get3A_740, %get3A_741, %get3A_742, %get3A_743] : memref<32x3x128x128xf32, #tpu.memory_space<vmem>>, vector<1x1x128x128xf32>
    %get3A_745 = vector.shape_cast %get3A_744 : vector<1x1x128x128xf32> to vector<128x128xf32>
    %get3A_746 = arith.constant 21 : index
    %get3A_747 = arith.constant 1 : index
    %get3A_748 = arith.constant 0 : index
    %get3A_749 = arith.constant 0 : index
    %get3A_750 = vector.load %arg0[%get3A_746, %get3A_747, %get3A_748, %get3A_749] : memref<32x3x128x128xf32, #tpu.memory_space<vmem>>, vector<1x1x128x128xf32>
    %get3A_751 = vector.shape_cast %get3A_750 : vector<1x1x128x128xf32> to vector<128x128xf32>
    %add3A_752 = arith.addf %get3A_745, %get3A_751 : vector<128x128xf32>
    %get3A_753 = arith.constant 22 : index
    %get3A_754 = arith.constant 1 : index
    %get3A_755 = arith.constant 0 : index
    %get3A_756 = arith.constant 0 : index
    %get3A_757 = vector.load %arg0[%get3A_753, %get3A_754, %get3A_755, %get3A_756] : memref<32x3x128x128xf32, #tpu.memory_space<vmem>>, vector<1x1x128x128xf32>
    %get3A_758 = vector.shape_cast %get3A_757 : vector<1x1x128x128xf32> to vector<128x128xf32>
    %get3A_759 = arith.constant 23 : index
    %get3A_760 = arith.constant 1 : index
    %get3A_761 = arith.constant 0 : index
    %get3A_762 = arith.constant 0 : index
    %get3A_763 = vector.load %arg0[%get3A_759, %get3A_760, %get3A_761, %get3A_762] : memref<32x3x128x128xf32, #tpu.memory_space<vmem>>, vector<1x1x128x128xf32>
    %get3A_764 = vector.shape_cast %get3A_763 : vector<1x1x128x128xf32> to vector<128x128xf32>
    %add3A_765 = arith.addf %get3A_758, %get3A_764 : vector<128x128xf32>
    %add3A_766 = arith.addf %add3A_752, %add3A_765 : vector<128x128xf32>
    %get3A_767 = arith.constant 20 : index
    %get3A_768 = arith.constant 2 : index
    %get3A_769 = arith.constant 0 : index
    %get3A_770 = arith.constant 0 : index
    %get3A_771 = vector.load %arg0[%get3A_767, %get3A_768, %get3A_769, %get3A_770] : memref<32x3x128x128xf32, #tpu.memory_space<vmem>>, vector<1x1x128x128xf32>
    %get3A_772 = vector.shape_cast %get3A_771 : vector<1x1x128x128xf32> to vector<128x128xf32>
    %get3A_773 = arith.constant 21 : index
    %get3A_774 = arith.constant 2 : index
    %get3A_775 = arith.constant 0 : index
    %get3A_776 = arith.constant 0 : index
    %get3A_777 = vector.load %arg0[%get3A_773, %get3A_774, %get3A_775, %get3A_776] : memref<32x3x128x128xf32, #tpu.memory_space<vmem>>, vector<1x1x128x128xf32>
    %get3A_778 = vector.shape_cast %get3A_777 : vector<1x1x128x128xf32> to vector<128x128xf32>
    %add3A_779 = arith.addf %get3A_772, %get3A_778 : vector<128x128xf32>
    %get3A_780 = arith.constant 22 : index
    %get3A_781 = arith.constant 2 : index
    %get3A_782 = arith.constant 0 : index
    %get3A_783 = arith.constant 0 : index
    %get3A_784 = vector.load %arg0[%get3A_780, %get3A_781, %get3A_782, %get3A_783] : memref<32x3x128x128xf32, #tpu.memory_space<vmem>>, vector<1x1x128x128xf32>
    %get3A_785 = vector.shape_cast %get3A_784 : vector<1x1x128x128xf32> to vector<128x128xf32>
    %get3A_786 = arith.constant 23 : index
    %get3A_787 = arith.constant 2 : index
    %get3A_788 = arith.constant 0 : index
    %get3A_789 = arith.constant 0 : index
    %get3A_790 = vector.load %arg0[%get3A_786, %get3A_787, %get3A_788, %get3A_789] : memref<32x3x128x128xf32, #tpu.memory_space<vmem>>, vector<1x1x128x128xf32>
    %get3A_791 = vector.shape_cast %get3A_790 : vector<1x1x128x128xf32> to vector<128x128xf32>
    %add3A_792 = arith.addf %get3A_785, %get3A_791 : vector<128x128xf32>
    %add3A_793 = arith.addf %add3A_779, %add3A_792 : vector<128x128xf32>
    %dot_general3A_794 = arith.constant dense<0.000000e+00> : vector<128x128xf32>
    %dot_general3A_795 = tpu.matmul %add3A_739, %convert_element_type3A_1, %dot_general3A_794 {dimension_numbers = #tpu.dot_dimension_numbers<[1], [0], [0], [1], [0, 0, 1, 1], [], []>, transpose_lhs_hint = false} : vector<128x128xf32>, vector<128x128xf32>, vector<128x128xf32> -> vector<128x128xf32>
    %slice3A_796 = vector.extract_strided_slice %dot_general3A_795 {offsets = [0, 0], sizes = [128, 1], strides = [1, 1]} : vector<128x128xf32> to vector<128x1xf32>
    %transpose3A_797 = tpu.transpose %convert_element_type3A_3, [1, 0] : vector<128x128xf32> -> vector<128x128xf32>
    %dot_general3A_798 = arith.constant dense<0.000000e+00> : vector<128x1xf32>
    %dot_general3A_799 = tpu.matmul %transpose3A_797, %slice3A_796, %dot_general3A_798 {dimension_numbers = #tpu.dot_dimension_numbers<[1], [0], [0], [1], [0, 0, 1, 1], [], []>, transpose_lhs_hint = false} : vector<128x128xf32>, vector<128x1xf32>, vector<128x1xf32> -> vector<128x1xf32>
    %add3A_800 = vector.broadcast %dot_general3A_799 : vector<128x1xf32> to vector<128x128xf32>
    %add3A_801 = arith.addf %dot_general3A_795, %add3A_800 : vector<128x128xf32>
    %dot_general3A_802 = arith.constant dense<0.000000e+00> : vector<128x128xf32>
    %dot_general3A_803 = tpu.matmul %add3A_766, %convert_element_type3A_1, %dot_general3A_802 {dimension_numbers = #tpu.dot_dimension_numbers<[1], [0], [0], [1], [0, 0, 1, 1], [], []>, transpose_lhs_hint = false} : vector<128x128xf32>, vector<128x128xf32>, vector<128x128xf32> -> vector<128x128xf32>
    %slice3A_804 = vector.extract_strided_slice %dot_general3A_803 {offsets = [0, 0], sizes = [128, 1], strides = [1, 1]} : vector<128x128xf32> to vector<128x1xf32>
    %transpose3A_805 = tpu.transpose %convert_element_type3A_3, [1, 0] : vector<128x128xf32> -> vector<128x128xf32>
    %dot_general3A_806 = arith.constant dense<0.000000e+00> : vector<128x1xf32>
    %dot_general3A_807 = tpu.matmul %transpose3A_805, %slice3A_804, %dot_general3A_806 {dimension_numbers = #tpu.dot_dimension_numbers<[1], [0], [0], [1], [0, 0, 1, 1], [], []>, transpose_lhs_hint = false} : vector<128x128xf32>, vector<128x1xf32>, vector<128x1xf32> -> vector<128x1xf32>
    %add3A_808 = vector.broadcast %dot_general3A_807 : vector<128x1xf32> to vector<128x128xf32>
    %add3A_809 = arith.addf %dot_general3A_803, %add3A_808 : vector<128x128xf32>
    %sub3A_810 = arith.subf %add3A_801, %add3A_739 : vector<128x128xf32>
    %sub3A_811 = arith.subf %add3A_809, %add3A_766 : vector<128x128xf32>
    %get3A_812 = arith.constant 5 : index
    %get3A_813 = arith.constant 0 : index
    %get3A_814 = arith.constant 0 : index
    %get3A_815 = vector.load %arg1[%get3A_812, %get3A_813, %get3A_814] : memref<8x1x128xf32, #tpu.memory_space<vmem>>, vector<1x1x1xf32>
    %get3A_816 = vector.extract %get3A_815[0, 0, 0] : f32 from vector<1x1x1xf32>
    %get3A_817 = arith.constant 5 : index
    %get3A_818 = arith.constant 0 : index
    %get3A_819 = arith.constant 0 : index
    %get3A_820 = vector.load %arg2[%get3A_817, %get3A_818, %get3A_819] : memref<8x1x128xf32, #tpu.memory_space<vmem>>, vector<1x1x1xf32>
    %get3A_821 = vector.extract %get3A_820[0, 0, 0] : f32 from vector<1x1x1xf32>
    %sub3A_822 = arith.subf %add3A_739, %add3A_766 : vector<128x128xf32>
    %mul3A_823 = arith.mulf %add3A_793, %add3A_766 : vector<128x128xf32>
    %max3A_824 = arith.constant 1.000000e+00 : f32
    %max3A_825 = vector.broadcast %max3A_824 : f32 to vector<128x128xf32>
    %max3A_826 = arith.maximumf %add3A_739, %max3A_825 : vector<128x128xf32>
    %div3A_827 = arith.divf %mul3A_823, %max3A_826 : vector<128x128xf32>
    %sub3A_828 = arith.subf %add3A_793, %div3A_827 : vector<128x128xf32>
    %add3A_829 = vector.broadcast %get3A_816 : f32 to vector<128x128xf32>
    %add3A_830 = arith.addf %add3A_829, %sub3A_810 : vector<128x128xf32>
    %sub3A_831 = arith.subf %add3A_830, %sub3A_811 : vector<128x128xf32>
    %sub3A_832 = vector.broadcast %get3A_816 : f32 to vector<128x128xf32>
    %sub3A_833 = arith.subf %sub3A_832, %sub3A_811 : vector<128x128xf32>
    %sub3A_834 = arith.subf %sub3A_833, %add3A_766 : vector<128x128xf32>
    %mul3A_835 = arith.mulf %sub3A_828, %sub3A_834 : vector<128x128xf32>
    %add3A_836 = arith.addf %sub3A_831, %sub3A_822 : vector<128x128xf32>
    %max3A_837 = arith.constant 1.000000e+00 : f32
    %max3A_838 = vector.broadcast %max3A_837 : f32 to vector<128x128xf32>
    %max3A_839 = arith.maximumf %add3A_836, %max3A_838 : vector<128x128xf32>
    %div3A_840 = arith.divf %mul3A_835, %max3A_839 : vector<128x128xf32>
    %add3A_841 = arith.addf %div3A_827, %div3A_840 : vector<128x128xf32>
    %max3A_842 = arith.constant 1.000000e+00 : f32
    %max3A_843 = vector.broadcast %max3A_842 : f32 to vector<128x128xf32>
    %max3A_844 = arith.maximumf %sub3A_831, %max3A_843 : vector<128x128xf32>
    %div3A_845 = arith.divf %add3A_841, %max3A_844 : vector<128x128xf32>
    %reduce_sum3A_846 = vector.shape_cast %div3A_845 : vector<128x128xf32> to vector<1x128x128xf32>
    %reduce_sum3A_847 = arith.constant dense<0.000000e+00> : vector<1xf32>
    %reduce_sum3A_848 = vector.multi_reduction <add>, %reduce_sum3A_846, %reduce_sum3A_847 [1, 2] : vector<1x128x128xf32> to vector<1xf32>
    %reduce_sum3A_849 = vector.shape_cast %reduce_sum3A_848 : vector<1xf32> to vector<1x1x1xf32>
    %reduce_sum3A_850 = vector.extract %reduce_sum3A_849[0, 0, 0] : f32 from vector<1x1x1xf32>
    %eq3A_851 = arith.constant 0.000000e+00 : f32
    %eq3A_852 = arith.cmpf oeq, %get3A_816, %eq3A_851 : f32
    %max3A_853 = arith.constant 0.000000e+00 : f32
    %max3A_854 = arith.maximumf %get3A_821, %max3A_853 : f32
    %select_n3A_855 = arith.select %eq3A_852, %max3A_854, %reduce_sum3A_850 : f32
    %add3A_856 = arith.addf %add3A_712, %select_n3A_855 : f32
    %get3A_857 = arith.constant 24 : index
    %get3A_858 = arith.constant 0 : index
    %get3A_859 = arith.constant 0 : index
    %get3A_860 = arith.constant 0 : index
    %get3A_861 = vector.load %arg0[%get3A_857, %get3A_858, %get3A_859, %get3A_860] : memref<32x3x128x128xf32, #tpu.memory_space<vmem>>, vector<1x1x128x128xf32>
    %get3A_862 = vector.shape_cast %get3A_861 : vector<1x1x128x128xf32> to vector<128x128xf32>
    %get3A_863 = arith.constant 25 : index
    %get3A_864 = arith.constant 0 : index
    %get3A_865 = arith.constant 0 : index
    %get3A_866 = arith.constant 0 : index
    %get3A_867 = vector.load %arg0[%get3A_863, %get3A_864, %get3A_865, %get3A_866] : memref<32x3x128x128xf32, #tpu.memory_space<vmem>>, vector<1x1x128x128xf32>
    %get3A_868 = vector.shape_cast %get3A_867 : vector<1x1x128x128xf32> to vector<128x128xf32>
    %add3A_869 = arith.addf %get3A_862, %get3A_868 : vector<128x128xf32>
    %get3A_870 = arith.constant 26 : index
    %get3A_871 = arith.constant 0 : index
    %get3A_872 = arith.constant 0 : index
    %get3A_873 = arith.constant 0 : index
    %get3A_874 = vector.load %arg0[%get3A_870, %get3A_871, %get3A_872, %get3A_873] : memref<32x3x128x128xf32, #tpu.memory_space<vmem>>, vector<1x1x128x128xf32>
    %get3A_875 = vector.shape_cast %get3A_874 : vector<1x1x128x128xf32> to vector<128x128xf32>
    %get3A_876 = arith.constant 27 : index
    %get3A_877 = arith.constant 0 : index
    %get3A_878 = arith.constant 0 : index
    %get3A_879 = arith.constant 0 : index
    %get3A_880 = vector.load %arg0[%get3A_876, %get3A_877, %get3A_878, %get3A_879] : memref<32x3x128x128xf32, #tpu.memory_space<vmem>>, vector<1x1x128x128xf32>
    %get3A_881 = vector.shape_cast %get3A_880 : vector<1x1x128x128xf32> to vector<128x128xf32>
    %add3A_882 = arith.addf %get3A_875, %get3A_881 : vector<128x128xf32>
    %add3A_883 = arith.addf %add3A_869, %add3A_882 : vector<128x128xf32>
    %get3A_884 = arith.constant 24 : index
    %get3A_885 = arith.constant 1 : index
    %get3A_886 = arith.constant 0 : index
    %get3A_887 = arith.constant 0 : index
    %get3A_888 = vector.load %arg0[%get3A_884, %get3A_885, %get3A_886, %get3A_887] : memref<32x3x128x128xf32, #tpu.memory_space<vmem>>, vector<1x1x128x128xf32>
    %get3A_889 = vector.shape_cast %get3A_888 : vector<1x1x128x128xf32> to vector<128x128xf32>
    %get3A_890 = arith.constant 25 : index
    %get3A_891 = arith.constant 1 : index
    %get3A_892 = arith.constant 0 : index
    %get3A_893 = arith.constant 0 : index
    %get3A_894 = vector.load %arg0[%get3A_890, %get3A_891, %get3A_892, %get3A_893] : memref<32x3x128x128xf32, #tpu.memory_space<vmem>>, vector<1x1x128x128xf32>
    %get3A_895 = vector.shape_cast %get3A_894 : vector<1x1x128x128xf32> to vector<128x128xf32>
    %add3A_896 = arith.addf %get3A_889, %get3A_895 : vector<128x128xf32>
    %get3A_897 = arith.constant 26 : index
    %get3A_898 = arith.constant 1 : index
    %get3A_899 = arith.constant 0 : index
    %get3A_900 = arith.constant 0 : index
    %get3A_901 = vector.load %arg0[%get3A_897, %get3A_898, %get3A_899, %get3A_900] : memref<32x3x128x128xf32, #tpu.memory_space<vmem>>, vector<1x1x128x128xf32>
    %get3A_902 = vector.shape_cast %get3A_901 : vector<1x1x128x128xf32> to vector<128x128xf32>
    %get3A_903 = arith.constant 27 : index
    %get3A_904 = arith.constant 1 : index
    %get3A_905 = arith.constant 0 : index
    %get3A_906 = arith.constant 0 : index
    %get3A_907 = vector.load %arg0[%get3A_903, %get3A_904, %get3A_905, %get3A_906] : memref<32x3x128x128xf32, #tpu.memory_space<vmem>>, vector<1x1x128x128xf32>
    %get3A_908 = vector.shape_cast %get3A_907 : vector<1x1x128x128xf32> to vector<128x128xf32>
    %add3A_909 = arith.addf %get3A_902, %get3A_908 : vector<128x128xf32>
    %add3A_910 = arith.addf %add3A_896, %add3A_909 : vector<128x128xf32>
    %get3A_911 = arith.constant 24 : index
    %get3A_912 = arith.constant 2 : index
    %get3A_913 = arith.constant 0 : index
    %get3A_914 = arith.constant 0 : index
    %get3A_915 = vector.load %arg0[%get3A_911, %get3A_912, %get3A_913, %get3A_914] : memref<32x3x128x128xf32, #tpu.memory_space<vmem>>, vector<1x1x128x128xf32>
    %get3A_916 = vector.shape_cast %get3A_915 : vector<1x1x128x128xf32> to vector<128x128xf32>
    %get3A_917 = arith.constant 25 : index
    %get3A_918 = arith.constant 2 : index
    %get3A_919 = arith.constant 0 : index
    %get3A_920 = arith.constant 0 : index
    %get3A_921 = vector.load %arg0[%get3A_917, %get3A_918, %get3A_919, %get3A_920] : memref<32x3x128x128xf32, #tpu.memory_space<vmem>>, vector<1x1x128x128xf32>
    %get3A_922 = vector.shape_cast %get3A_921 : vector<1x1x128x128xf32> to vector<128x128xf32>
    %add3A_923 = arith.addf %get3A_916, %get3A_922 : vector<128x128xf32>
    %get3A_924 = arith.constant 26 : index
    %get3A_925 = arith.constant 2 : index
    %get3A_926 = arith.constant 0 : index
    %get3A_927 = arith.constant 0 : index
    %get3A_928 = vector.load %arg0[%get3A_924, %get3A_925, %get3A_926, %get3A_927] : memref<32x3x128x128xf32, #tpu.memory_space<vmem>>, vector<1x1x128x128xf32>
    %get3A_929 = vector.shape_cast %get3A_928 : vector<1x1x128x128xf32> to vector<128x128xf32>
    %get3A_930 = arith.constant 27 : index
    %get3A_931 = arith.constant 2 : index
    %get3A_932 = arith.constant 0 : index
    %get3A_933 = arith.constant 0 : index
    %get3A_934 = vector.load %arg0[%get3A_930, %get3A_931, %get3A_932, %get3A_933] : memref<32x3x128x128xf32, #tpu.memory_space<vmem>>, vector<1x1x128x128xf32>
    %get3A_935 = vector.shape_cast %get3A_934 : vector<1x1x128x128xf32> to vector<128x128xf32>
    %add3A_936 = arith.addf %get3A_929, %get3A_935 : vector<128x128xf32>
    %add3A_937 = arith.addf %add3A_923, %add3A_936 : vector<128x128xf32>
    %dot_general3A_938 = arith.constant dense<0.000000e+00> : vector<128x128xf32>
    %dot_general3A_939 = tpu.matmul %add3A_883, %convert_element_type3A_1, %dot_general3A_938 {dimension_numbers = #tpu.dot_dimension_numbers<[1], [0], [0], [1], [0, 0, 1, 1], [], []>, transpose_lhs_hint = false} : vector<128x128xf32>, vector<128x128xf32>, vector<128x128xf32> -> vector<128x128xf32>
    %slice3A_940 = vector.extract_strided_slice %dot_general3A_939 {offsets = [0, 0], sizes = [128, 1], strides = [1, 1]} : vector<128x128xf32> to vector<128x1xf32>
    %transpose3A_941 = tpu.transpose %convert_element_type3A_3, [1, 0] : vector<128x128xf32> -> vector<128x128xf32>
    %dot_general3A_942 = arith.constant dense<0.000000e+00> : vector<128x1xf32>
    %dot_general3A_943 = tpu.matmul %transpose3A_941, %slice3A_940, %dot_general3A_942 {dimension_numbers = #tpu.dot_dimension_numbers<[1], [0], [0], [1], [0, 0, 1, 1], [], []>, transpose_lhs_hint = false} : vector<128x128xf32>, vector<128x1xf32>, vector<128x1xf32> -> vector<128x1xf32>
    %add3A_944 = vector.broadcast %dot_general3A_943 : vector<128x1xf32> to vector<128x128xf32>
    %add3A_945 = arith.addf %dot_general3A_939, %add3A_944 : vector<128x128xf32>
    %dot_general3A_946 = arith.constant dense<0.000000e+00> : vector<128x128xf32>
    %dot_general3A_947 = tpu.matmul %add3A_910, %convert_element_type3A_1, %dot_general3A_946 {dimension_numbers = #tpu.dot_dimension_numbers<[1], [0], [0], [1], [0, 0, 1, 1], [], []>, transpose_lhs_hint = false} : vector<128x128xf32>, vector<128x128xf32>, vector<128x128xf32> -> vector<128x128xf32>
    %slice3A_948 = vector.extract_strided_slice %dot_general3A_947 {offsets = [0, 0], sizes = [128, 1], strides = [1, 1]} : vector<128x128xf32> to vector<128x1xf32>
    %transpose3A_949 = tpu.transpose %convert_element_type3A_3, [1, 0] : vector<128x128xf32> -> vector<128x128xf32>
    %dot_general3A_950 = arith.constant dense<0.000000e+00> : vector<128x1xf32>
    %dot_general3A_951 = tpu.matmul %transpose3A_949, %slice3A_948, %dot_general3A_950 {dimension_numbers = #tpu.dot_dimension_numbers<[1], [0], [0], [1], [0, 0, 1, 1], [], []>, transpose_lhs_hint = false} : vector<128x128xf32>, vector<128x1xf32>, vector<128x1xf32> -> vector<128x1xf32>
    %add3A_952 = vector.broadcast %dot_general3A_951 : vector<128x1xf32> to vector<128x128xf32>
    %add3A_953 = arith.addf %dot_general3A_947, %add3A_952 : vector<128x128xf32>
    %sub3A_954 = arith.subf %add3A_945, %add3A_883 : vector<128x128xf32>
    %sub3A_955 = arith.subf %add3A_953, %add3A_910 : vector<128x128xf32>
    %get3A_956 = arith.constant 6 : index
    %get3A_957 = arith.constant 0 : index
    %get3A_958 = arith.constant 0 : index
    %get3A_959 = vector.load %arg1[%get3A_956, %get3A_957, %get3A_958] : memref<8x1x128xf32, #tpu.memory_space<vmem>>, vector<1x1x1xf32>
    %get3A_960 = vector.extract %get3A_959[0, 0, 0] : f32 from vector<1x1x1xf32>
    %get3A_961 = arith.constant 6 : index
    %get3A_962 = arith.constant 0 : index
    %get3A_963 = arith.constant 0 : index
    %get3A_964 = vector.load %arg2[%get3A_961, %get3A_962, %get3A_963] : memref<8x1x128xf32, #tpu.memory_space<vmem>>, vector<1x1x1xf32>
    %get3A_965 = vector.extract %get3A_964[0, 0, 0] : f32 from vector<1x1x1xf32>
    %sub3A_966 = arith.subf %add3A_883, %add3A_910 : vector<128x128xf32>
    %mul3A_967 = arith.mulf %add3A_937, %add3A_910 : vector<128x128xf32>
    %max3A_968 = arith.constant 1.000000e+00 : f32
    %max3A_969 = vector.broadcast %max3A_968 : f32 to vector<128x128xf32>
    %max3A_970 = arith.maximumf %add3A_883, %max3A_969 : vector<128x128xf32>
    %div3A_971 = arith.divf %mul3A_967, %max3A_970 : vector<128x128xf32>
    %sub3A_972 = arith.subf %add3A_937, %div3A_971 : vector<128x128xf32>
    %add3A_973 = vector.broadcast %get3A_960 : f32 to vector<128x128xf32>
    %add3A_974 = arith.addf %add3A_973, %sub3A_954 : vector<128x128xf32>
    %sub3A_975 = arith.subf %add3A_974, %sub3A_955 : vector<128x128xf32>
    %sub3A_976 = vector.broadcast %get3A_960 : f32 to vector<128x128xf32>
    %sub3A_977 = arith.subf %sub3A_976, %sub3A_955 : vector<128x128xf32>
    %sub3A_978 = arith.subf %sub3A_977, %add3A_910 : vector<128x128xf32>
    %mul3A_979 = arith.mulf %sub3A_972, %sub3A_978 : vector<128x128xf32>
    %add3A_980 = arith.addf %sub3A_975, %sub3A_966 : vector<128x128xf32>
    %max3A_981 = arith.constant 1.000000e+00 : f32
    %max3A_982 = vector.broadcast %max3A_981 : f32 to vector<128x128xf32>
    %max3A_983 = arith.maximumf %add3A_980, %max3A_982 : vector<128x128xf32>
    %div3A_984 = arith.divf %mul3A_979, %max3A_983 : vector<128x128xf32>
    %add3A_985 = arith.addf %div3A_971, %div3A_984 : vector<128x128xf32>
    %max3A_986 = arith.constant 1.000000e+00 : f32
    %max3A_987 = vector.broadcast %max3A_986 : f32 to vector<128x128xf32>
    %max3A_988 = arith.maximumf %sub3A_975, %max3A_987 : vector<128x128xf32>
    %div3A_989 = arith.divf %add3A_985, %max3A_988 : vector<128x128xf32>
    %reduce_sum3A_990 = vector.shape_cast %div3A_989 : vector<128x128xf32> to vector<1x128x128xf32>
    %reduce_sum3A_991 = arith.constant dense<0.000000e+00> : vector<1xf32>
    %reduce_sum3A_992 = vector.multi_reduction <add>, %reduce_sum3A_990, %reduce_sum3A_991 [1, 2] : vector<1x128x128xf32> to vector<1xf32>
    %reduce_sum3A_993 = vector.shape_cast %reduce_sum3A_992 : vector<1xf32> to vector<1x1x1xf32>
    %reduce_sum3A_994 = vector.extract %reduce_sum3A_993[0, 0, 0] : f32 from vector<1x1x1xf32>
    %eq3A_995 = arith.constant 0.000000e+00 : f32
    %eq3A_996 = arith.cmpf oeq, %get3A_960, %eq3A_995 : f32
    %max3A_997 = arith.constant 0.000000e+00 : f32
    %max3A_998 = arith.maximumf %get3A_965, %max3A_997 : f32
    %select_n3A_999 = arith.select %eq3A_996, %max3A_998, %reduce_sum3A_994 : f32
    %add3A_1000 = arith.addf %add3A_856, %select_n3A_999 : f32
    %get3A_1001 = arith.constant 28 : index
    %get3A_1002 = arith.constant 0 : index
    %get3A_1003 = arith.constant 0 : index
    %get3A_1004 = arith.constant 0 : index
    %get3A_1005 = vector.load %arg0[%get3A_1001, %get3A_1002, %get3A_1003, %get3A_1004] : memref<32x3x128x128xf32, #tpu.memory_space<vmem>>, vector<1x1x128x128xf32>
    %get3A_1006 = vector.shape_cast %get3A_1005 : vector<1x1x128x128xf32> to vector<128x128xf32>
    %get3A_1007 = arith.constant 29 : index
    %get3A_1008 = arith.constant 0 : index
    %get3A_1009 = arith.constant 0 : index
    %get3A_1010 = arith.constant 0 : index
    %get3A_1011 = vector.load %arg0[%get3A_1007, %get3A_1008, %get3A_1009, %get3A_1010] : memref<32x3x128x128xf32, #tpu.memory_space<vmem>>, vector<1x1x128x128xf32>
    %get3A_1012 = vector.shape_cast %get3A_1011 : vector<1x1x128x128xf32> to vector<128x128xf32>
    %add3A_1013 = arith.addf %get3A_1006, %get3A_1012 : vector<128x128xf32>
    %get3A_1014 = arith.constant 30 : index
    %get3A_1015 = arith.constant 0 : index
    %get3A_1016 = arith.constant 0 : index
    %get3A_1017 = arith.constant 0 : index
    %get3A_1018 = vector.load %arg0[%get3A_1014, %get3A_1015, %get3A_1016, %get3A_1017] : memref<32x3x128x128xf32, #tpu.memory_space<vmem>>, vector<1x1x128x128xf32>
    %get3A_1019 = vector.shape_cast %get3A_1018 : vector<1x1x128x128xf32> to vector<128x128xf32>
    %get3A_1020 = arith.constant 31 : index
    %get3A_1021 = arith.constant 0 : index
    %get3A_1022 = arith.constant 0 : index
    %get3A_1023 = arith.constant 0 : index
    %get3A_1024 = vector.load %arg0[%get3A_1020, %get3A_1021, %get3A_1022, %get3A_1023] : memref<32x3x128x128xf32, #tpu.memory_space<vmem>>, vector<1x1x128x128xf32>
    %get3A_1025 = vector.shape_cast %get3A_1024 : vector<1x1x128x128xf32> to vector<128x128xf32>
    %add3A_1026 = arith.addf %get3A_1019, %get3A_1025 : vector<128x128xf32>
    %add3A_1027 = arith.addf %add3A_1013, %add3A_1026 : vector<128x128xf32>
    %get3A_1028 = arith.constant 28 : index
    %get3A_1029 = arith.constant 1 : index
    %get3A_1030 = arith.constant 0 : index
    %get3A_1031 = arith.constant 0 : index
    %get3A_1032 = vector.load %arg0[%get3A_1028, %get3A_1029, %get3A_1030, %get3A_1031] : memref<32x3x128x128xf32, #tpu.memory_space<vmem>>, vector<1x1x128x128xf32>
    %get3A_1033 = vector.shape_cast %get3A_1032 : vector<1x1x128x128xf32> to vector<128x128xf32>
    %get3A_1034 = arith.constant 29 : index
    %get3A_1035 = arith.constant 1 : index
    %get3A_1036 = arith.constant 0 : index
    %get3A_1037 = arith.constant 0 : index
    %get3A_1038 = vector.load %arg0[%get3A_1034, %get3A_1035, %get3A_1036, %get3A_1037] : memref<32x3x128x128xf32, #tpu.memory_space<vmem>>, vector<1x1x128x128xf32>
    %get3A_1039 = vector.shape_cast %get3A_1038 : vector<1x1x128x128xf32> to vector<128x128xf32>
    %add3A_1040 = arith.addf %get3A_1033, %get3A_1039 : vector<128x128xf32>
    %get3A_1041 = arith.constant 30 : index
    %get3A_1042 = arith.constant 1 : index
    %get3A_1043 = arith.constant 0 : index
    %get3A_1044 = arith.constant 0 : index
    %get3A_1045 = vector.load %arg0[%get3A_1041, %get3A_1042, %get3A_1043, %get3A_1044] : memref<32x3x128x128xf32, #tpu.memory_space<vmem>>, vector<1x1x128x128xf32>
    %get3A_1046 = vector.shape_cast %get3A_1045 : vector<1x1x128x128xf32> to vector<128x128xf32>
    %get3A_1047 = arith.constant 31 : index
    %get3A_1048 = arith.constant 1 : index
    %get3A_1049 = arith.constant 0 : index
    %get3A_1050 = arith.constant 0 : index
    %get3A_1051 = vector.load %arg0[%get3A_1047, %get3A_1048, %get3A_1049, %get3A_1050] : memref<32x3x128x128xf32, #tpu.memory_space<vmem>>, vector<1x1x128x128xf32>
    %get3A_1052 = vector.shape_cast %get3A_1051 : vector<1x1x128x128xf32> to vector<128x128xf32>
    %add3A_1053 = arith.addf %get3A_1046, %get3A_1052 : vector<128x128xf32>
    %add3A_1054 = arith.addf %add3A_1040, %add3A_1053 : vector<128x128xf32>
    %get3A_1055 = arith.constant 28 : index
    %get3A_1056 = arith.constant 2 : index
    %get3A_1057 = arith.constant 0 : index
    %get3A_1058 = arith.constant 0 : index
    %get3A_1059 = vector.load %arg0[%get3A_1055, %get3A_1056, %get3A_1057, %get3A_1058] : memref<32x3x128x128xf32, #tpu.memory_space<vmem>>, vector<1x1x128x128xf32>
    %get3A_1060 = vector.shape_cast %get3A_1059 : vector<1x1x128x128xf32> to vector<128x128xf32>
    %get3A_1061 = arith.constant 29 : index
    %get3A_1062 = arith.constant 2 : index
    %get3A_1063 = arith.constant 0 : index
    %get3A_1064 = arith.constant 0 : index
    %get3A_1065 = vector.load %arg0[%get3A_1061, %get3A_1062, %get3A_1063, %get3A_1064] : memref<32x3x128x128xf32, #tpu.memory_space<vmem>>, vector<1x1x128x128xf32>
    %get3A_1066 = vector.shape_cast %get3A_1065 : vector<1x1x128x128xf32> to vector<128x128xf32>
    %add3A_1067 = arith.addf %get3A_1060, %get3A_1066 : vector<128x128xf32>
    %get3A_1068 = arith.constant 30 : index
    %get3A_1069 = arith.constant 2 : index
    %get3A_1070 = arith.constant 0 : index
    %get3A_1071 = arith.constant 0 : index
    %get3A_1072 = vector.load %arg0[%get3A_1068, %get3A_1069, %get3A_1070, %get3A_1071] : memref<32x3x128x128xf32, #tpu.memory_space<vmem>>, vector<1x1x128x128xf32>
    %get3A_1073 = vector.shape_cast %get3A_1072 : vector<1x1x128x128xf32> to vector<128x128xf32>
    %get3A_1074 = arith.constant 31 : index
    %get3A_1075 = arith.constant 2 : index
    %get3A_1076 = arith.constant 0 : index
    %get3A_1077 = arith.constant 0 : index
    %get3A_1078 = vector.load %arg0[%get3A_1074, %get3A_1075, %get3A_1076, %get3A_1077] : memref<32x3x128x128xf32, #tpu.memory_space<vmem>>, vector<1x1x128x128xf32>
    %get3A_1079 = vector.shape_cast %get3A_1078 : vector<1x1x128x128xf32> to vector<128x128xf32>
    %add3A_1080 = arith.addf %get3A_1073, %get3A_1079 : vector<128x128xf32>
    %add3A_1081 = arith.addf %add3A_1067, %add3A_1080 : vector<128x128xf32>
    %dot_general3A_1082 = arith.constant dense<0.000000e+00> : vector<128x128xf32>
    %dot_general3A_1083 = tpu.matmul %add3A_1027, %convert_element_type3A_1, %dot_general3A_1082 {dimension_numbers = #tpu.dot_dimension_numbers<[1], [0], [0], [1], [0, 0, 1, 1], [], []>, transpose_lhs_hint = false} : vector<128x128xf32>, vector<128x128xf32>, vector<128x128xf32> -> vector<128x128xf32>
    %slice3A_1084 = vector.extract_strided_slice %dot_general3A_1083 {offsets = [0, 0], sizes = [128, 1], strides = [1, 1]} : vector<128x128xf32> to vector<128x1xf32>
    %transpose3A_1085 = tpu.transpose %convert_element_type3A_3, [1, 0] : vector<128x128xf32> -> vector<128x128xf32>
    %dot_general3A_1086 = arith.constant dense<0.000000e+00> : vector<128x1xf32>
    %dot_general3A_1087 = tpu.matmul %transpose3A_1085, %slice3A_1084, %dot_general3A_1086 {dimension_numbers = #tpu.dot_dimension_numbers<[1], [0], [0], [1], [0, 0, 1, 1], [], []>, transpose_lhs_hint = false} : vector<128x128xf32>, vector<128x1xf32>, vector<128x1xf32> -> vector<128x1xf32>
    %add3A_1088 = vector.broadcast %dot_general3A_1087 : vector<128x1xf32> to vector<128x128xf32>
    %add3A_1089 = arith.addf %dot_general3A_1083, %add3A_1088 : vector<128x128xf32>
    %dot_general3A_1090 = arith.constant dense<0.000000e+00> : vector<128x128xf32>
    %dot_general3A_1091 = tpu.matmul %add3A_1054, %convert_element_type3A_1, %dot_general3A_1090 {dimension_numbers = #tpu.dot_dimension_numbers<[1], [0], [0], [1], [0, 0, 1, 1], [], []>, transpose_lhs_hint = false} : vector<128x128xf32>, vector<128x128xf32>, vector<128x128xf32> -> vector<128x128xf32>
    %slice3A_1092 = vector.extract_strided_slice %dot_general3A_1091 {offsets = [0, 0], sizes = [128, 1], strides = [1, 1]} : vector<128x128xf32> to vector<128x1xf32>
    %transpose3A_1093 = tpu.transpose %convert_element_type3A_3, [1, 0] : vector<128x128xf32> -> vector<128x128xf32>
    %dot_general3A_1094 = arith.constant dense<0.000000e+00> : vector<128x1xf32>
    %dot_general3A_1095 = tpu.matmul %transpose3A_1093, %slice3A_1092, %dot_general3A_1094 {dimension_numbers = #tpu.dot_dimension_numbers<[1], [0], [0], [1], [0, 0, 1, 1], [], []>, transpose_lhs_hint = false} : vector<128x128xf32>, vector<128x1xf32>, vector<128x1xf32> -> vector<128x1xf32>
    %add3A_1096 = vector.broadcast %dot_general3A_1095 : vector<128x1xf32> to vector<128x128xf32>
    %add3A_1097 = arith.addf %dot_general3A_1091, %add3A_1096 : vector<128x128xf32>
    %sub3A_1098 = arith.subf %add3A_1089, %add3A_1027 : vector<128x128xf32>
    %sub3A_1099 = arith.subf %add3A_1097, %add3A_1054 : vector<128x128xf32>
    %get3A_1100 = arith.constant 7 : index
    %get3A_1101 = arith.constant 0 : index
    %get3A_1102 = arith.constant 0 : index
    %get3A_1103 = vector.load %arg1[%get3A_1100, %get3A_1101, %get3A_1102] : memref<8x1x128xf32, #tpu.memory_space<vmem>>, vector<1x1x1xf32>
    %get3A_1104 = vector.extract %get3A_1103[0, 0, 0] : f32 from vector<1x1x1xf32>
    %get3A_1105 = arith.constant 7 : index
    %get3A_1106 = arith.constant 0 : index
    %get3A_1107 = arith.constant 0 : index
    %get3A_1108 = vector.load %arg2[%get3A_1105, %get3A_1106, %get3A_1107] : memref<8x1x128xf32, #tpu.memory_space<vmem>>, vector<1x1x1xf32>
    %get3A_1109 = vector.extract %get3A_1108[0, 0, 0] : f32 from vector<1x1x1xf32>
    %sub3A_1110 = arith.subf %add3A_1027, %add3A_1054 : vector<128x128xf32>
    %mul3A_1111 = arith.mulf %add3A_1081, %add3A_1054 : vector<128x128xf32>
    %max3A_1112 = arith.constant 1.000000e+00 : f32
    %max3A_1113 = vector.broadcast %max3A_1112 : f32 to vector<128x128xf32>
    %max3A_1114 = arith.maximumf %add3A_1027, %max3A_1113 : vector<128x128xf32>
    %div3A_1115 = arith.divf %mul3A_1111, %max3A_1114 : vector<128x128xf32>
    %sub3A_1116 = arith.subf %add3A_1081, %div3A_1115 : vector<128x128xf32>
    %add3A_1117 = vector.broadcast %get3A_1104 : f32 to vector<128x128xf32>
    %add3A_1118 = arith.addf %add3A_1117, %sub3A_1098 : vector<128x128xf32>
    %sub3A_1119 = arith.subf %add3A_1118, %sub3A_1099 : vector<128x128xf32>
    %sub3A_1120 = vector.broadcast %get3A_1104 : f32 to vector<128x128xf32>
    %sub3A_1121 = arith.subf %sub3A_1120, %sub3A_1099 : vector<128x128xf32>
    %sub3A_1122 = arith.subf %sub3A_1121, %add3A_1054 : vector<128x128xf32>
    %mul3A_1123 = arith.mulf %sub3A_1116, %sub3A_1122 : vector<128x128xf32>
    %add3A_1124 = arith.addf %sub3A_1119, %sub3A_1110 : vector<128x128xf32>
    %max3A_1125 = arith.constant 1.000000e+00 : f32
    %max3A_1126 = vector.broadcast %max3A_1125 : f32 to vector<128x128xf32>
    %max3A_1127 = arith.maximumf %add3A_1124, %max3A_1126 : vector<128x128xf32>
    %div3A_1128 = arith.divf %mul3A_1123, %max3A_1127 : vector<128x128xf32>
    %add3A_1129 = arith.addf %div3A_1115, %div3A_1128 : vector<128x128xf32>
    %max3A_1130 = arith.constant 1.000000e+00 : f32
    %max3A_1131 = vector.broadcast %max3A_1130 : f32 to vector<128x128xf32>
    %max3A_1132 = arith.maximumf %sub3A_1119, %max3A_1131 : vector<128x128xf32>
    %div3A_1133 = arith.divf %add3A_1129, %max3A_1132 : vector<128x128xf32>
    %reduce_sum3A_1134 = vector.shape_cast %div3A_1133 : vector<128x128xf32> to vector<1x128x128xf32>
    %reduce_sum3A_1135 = arith.constant dense<0.000000e+00> : vector<1xf32>
    %reduce_sum3A_1136 = vector.multi_reduction <add>, %reduce_sum3A_1134, %reduce_sum3A_1135 [1, 2] : vector<1x128x128xf32> to vector<1xf32>
    %reduce_sum3A_1137 = vector.shape_cast %reduce_sum3A_1136 : vector<1xf32> to vector<1x1x1xf32>
    %reduce_sum3A_1138 = vector.extract %reduce_sum3A_1137[0, 0, 0] : f32 from vector<1x1x1xf32>
    %eq3A_1139 = arith.constant 0.000000e+00 : f32
    %eq3A_1140 = arith.cmpf oeq, %get3A_1104, %eq3A_1139 : f32
    %max3A_1141 = arith.constant 0.000000e+00 : f32
    %max3A_1142 = arith.maximumf %get3A_1109, %max3A_1141 : f32
    %select_n3A_1143 = arith.select %eq3A_1140, %max3A_1142, %reduce_sum3A_1138 : f32
    %add3A_1144 = arith.addf %add3A_1000, %select_n3A_1143 : f32
    %mul3A_1145 = arith.constant 1.250000e-01 : f32
    %mul3A_1146 = arith.mulf %add3A_1144, %mul3A_1145 : f32
    %broadcast_in_dim3A = vector.broadcast %mul3A_1146 : f32 to vector<1x1xf32>
    %swap3A = arith.constant 0 : index
    %swap3A_1147 = arith.constant 0 : index
    %swap3A_1148 = vector.load %arg3[%swap3A, %swap3A_1147] : memref<1x1xf32, #tpu.memory_space<vmem>>, vector<1x1xf32>
    tpu.vector_store %arg3[%swap3A, %swap3A_1147], %broadcast_in_dim3A {strides = array<i32>} : memref<1x1xf32, #tpu.memory_space<vmem>>, vector<1x1xf32>,
    return
  }
}

module attributes {stable_mosaic.version = 14 : i64} {
  func.func @_prep_body(%arg0: i32, %arg1: memref<2x1x512x512xf32, #tpu.memory_space<vmem>>, %arg2: memref<2x1x512x512xf32, #tpu.memory_space<vmem>>, %arg3: memref<2x1x128xf32, #tpu.memory_space<vmem>>, %arg4: memref<2x1x128xf32, #tpu.memory_space<vmem>>, %arg5: memref<2x1x128xi32, #tpu.memory_space<vmem>>) attributes {dimension_semantics = [#tpu.dimension_semantics<arbitrary>], iteration_bounds = array<i64: 4>, scalar_prefetch = 0 : i64, scratch_operands = 0 : i64, tpu.core_type = #tpu.core_type<tc>, window_params = [{transform_indices = @transform_0, window_bounds = array<i64: 2, 1, 512, 512>}, {transform_indices = @transform_1, window_bounds = array<i64: 2, 1, 512, 512>}, {transform_indices = @transform_2, window_bounds = array<i64: 2, 1, 128>}, {transform_indices = @transform_3, window_bounds = array<i64: 2, 1, 128>}, {transform_indices = @transform_4, window_bounds = array<i64: 2, 1, 128>}]} {
    %get3A = arith.constant 0 : index
    %get3A_0 = arith.constant 0 : index
    %get3A_1 = arith.constant 0 : index
    %get3A_2 = arith.constant 0 : index
    %get3A_3 = vector.load %arg1[%get3A, %get3A_0, %get3A_1, %get3A_2] : memref<2x1x512x512xf32, #tpu.memory_space<vmem>>, vector<1x1x512x512xf32>
    %get3A_4 = vector.shape_cast %get3A_3 : vector<1x1x512x512xf32> to vector<512x512xf32>
    %get3A_5 = arith.constant 0 : index
    %get3A_6 = arith.constant 0 : index
    %get3A_7 = arith.constant 0 : index
    %get3A_8 = arith.constant 0 : index
    %get3A_9 = vector.load %arg2[%get3A_5, %get3A_6, %get3A_7, %get3A_8] : memref<2x1x512x512xf32, #tpu.memory_space<vmem>>, vector<1x1x512x512xf32>
    %get3A_10 = vector.shape_cast %get3A_9 : vector<1x1x512x512xf32> to vector<512x512xf32>
    %gt3A = arith.constant 5.000000e-01 : f32
    %gt3A_11 = vector.broadcast %gt3A : f32 to vector<512x512xf32>
    %gt3A_12 = arith.cmpf ogt, %get3A_10, %gt3A_11 : vector<512x512xf32>
    %jit3A = arith.constant 1.000000e+00 : f32
    %jit3A_13 = arith.constant 0.000000e+00 : f32
    %broadcast_in_dim3A = vector.broadcast %jit3A : f32 to vector<512x512xf32>
    %broadcast_in_dim3A_14 = vector.broadcast %jit3A_13 : f32 to vector<512x512xf32>
    %select_n3A = arith.select %gt3A_12, %broadcast_in_dim3A, %broadcast_in_dim3A_14 : vector<512x512xi1>, vector<512x512xf32>
    %mul3A = arith.constant 2.000000e+00 : f32
    %mul3A_15 = vector.broadcast %mul3A : f32 to vector<512x512xf32>
    %mul3A_16 = arith.mulf %mul3A_15, %select_n3A : vector<512x512xf32>
    %sub3A = arith.constant 1.000000e+00 : f32
    %sub3A_17 = vector.broadcast %sub3A : f32 to vector<512x512xf32>
    %sub3A_18 = arith.subf %mul3A_16, %sub3A_17 : vector<512x512xf32>
    %mul3A_19 = arith.mulf %get3A_4, %sub3A_18 : vector<512x512xf32>
    %sub3A_20 = arith.constant 1.000000e+00 : f32
    %sub3A_21 = vector.broadcast %sub3A_20 : f32 to vector<512x512xf32>
    %sub3A_22 = arith.subf %sub3A_21, %mul3A_19 : vector<512x512xf32>
    %reduce_max3A = vector.shape_cast %sub3A_22 : vector<512x512xf32> to vector<1x512x512xf32>
    %reduce_max3A_23 = arith.constant dense<0xFF800000> : vector<1xf32>
    %reduce_max3A_24 = vector.multi_reduction <maximumf>, %reduce_max3A, %reduce_max3A_23 [1, 2] : vector<1x512x512xf32> to vector<1xf32>
    %reduce_max3A_25 = vector.shape_cast %reduce_max3A_24 : vector<1xf32> to vector<1x1x1xf32>
    %reduce_max3A_26 = vector.extract %reduce_max3A_25[0, 0, 0] : f32 from vector<1x1x1xf32>
    %broadcast_in_dim3A_27 = vector.broadcast %reduce_max3A_26 : f32 to vector<128xf32>
    %swap3A = arith.constant 0 : index
    %swap3A_28 = arith.constant 0 : index
    %swap3A_29 = arith.constant 0 : index
    %swap3A_30 = vector.load %arg3[%swap3A, %swap3A_28, %swap3A_29] : memref<2x1x128xf32, #tpu.memory_space<vmem>>, vector<1x1x128xf32>
    %swap3A_31 = vector.shape_cast %swap3A_30 : vector<1x1x128xf32> to vector<128xf32>
    %swap3A_32 = vector.shape_cast %broadcast_in_dim3A_27 : vector<128xf32> to vector<1x1x128xf32>
    tpu.vector_store %arg3[%swap3A, %swap3A_28, %swap3A_29], %swap3A_32 {strides = array<i32>} : memref<2x1x128xf32, #tpu.memory_space<vmem>>, vector<1x1x128xf32>,
    %reduce_sum3A = vector.shape_cast %select_n3A : vector<512x512xf32> to vector<1x512x512xf32>
    %reduce_sum3A_33 = arith.constant dense<0.000000e+00> : vector<1xf32>
    %reduce_sum3A_34 = vector.multi_reduction <add>, %reduce_sum3A, %reduce_sum3A_33 [1, 2] : vector<1x512x512xf32> to vector<1xf32>
    %reduce_sum3A_35 = vector.shape_cast %reduce_sum3A_34 : vector<1xf32> to vector<1x1x1xf32>
    %reduce_sum3A_36 = vector.extract %reduce_sum3A_35[0, 0, 0] : f32 from vector<1x1x1xf32>
    %broadcast_in_dim3A_37 = vector.broadcast %reduce_sum3A_36 : f32 to vector<128xf32>
    %swap3A_38 = arith.constant 0 : index
    %swap3A_39 = arith.constant 0 : index
    %swap3A_40 = arith.constant 0 : index
    %swap3A_41 = vector.load %arg4[%swap3A_38, %swap3A_39, %swap3A_40] : memref<2x1x128xf32, #tpu.memory_space<vmem>>, vector<1x1x128xf32>
    %swap3A_42 = vector.shape_cast %swap3A_41 : vector<1x1x128xf32> to vector<128xf32>
    %swap3A_43 = vector.shape_cast %broadcast_in_dim3A_37 : vector<128xf32> to vector<1x1x128xf32>
    tpu.vector_store %arg4[%swap3A_38, %swap3A_39, %swap3A_40], %swap3A_43 {strides = array<i32>} : memref<2x1x128xf32, #tpu.memory_space<vmem>>, vector<1x1x128xf32>,
    %bitcast_convert_type3A = arith.bitcast %reduce_max3A_26 : f32 to i32
    %broadcast_in_dim3A_44 = vector.broadcast %bitcast_convert_type3A : i32 to vector<128xi32>
    %swap3A_45 = arith.constant 0 : index
    %swap3A_46 = arith.constant 0 : index
    %swap3A_47 = arith.constant 0 : index
    %swap3A_48 = vector.load %arg5[%swap3A_45, %swap3A_46, %swap3A_47] : memref<2x1x128xi32, #tpu.memory_space<vmem>>, vector<1x1x128xi32>
    %swap3A_49 = vector.shape_cast %swap3A_48 : vector<1x1x128xi32> to vector<128xi32>
    %swap3A_50 = vector.shape_cast %broadcast_in_dim3A_44 : vector<128xi32> to vector<1x1x128xi32>
    tpu.vector_store %arg5[%swap3A_45, %swap3A_46, %swap3A_47], %swap3A_50 {strides = array<i32>} : memref<2x1x128xi32, #tpu.memory_space<vmem>>, vector<1x1x128xi32>,
    %get3A_51 = arith.constant 1 : index
    %get3A_52 = arith.constant 0 : index
    %get3A_53 = arith.constant 0 : index
    %get3A_54 = arith.constant 0 : index
    %get3A_55 = vector.load %arg1[%get3A_51, %get3A_52, %get3A_53, %get3A_54] : memref<2x1x512x512xf32, #tpu.memory_space<vmem>>, vector<1x1x512x512xf32>
    %get3A_56 = vector.shape_cast %get3A_55 : vector<1x1x512x512xf32> to vector<512x512xf32>
    %get3A_57 = arith.constant 1 : index
    %get3A_58 = arith.constant 0 : index
    %get3A_59 = arith.constant 0 : index
    %get3A_60 = arith.constant 0 : index
    %get3A_61 = vector.load %arg2[%get3A_57, %get3A_58, %get3A_59, %get3A_60] : memref<2x1x512x512xf32, #tpu.memory_space<vmem>>, vector<1x1x512x512xf32>
    %get3A_62 = vector.shape_cast %get3A_61 : vector<1x1x512x512xf32> to vector<512x512xf32>
    %gt3A_63 = arith.constant 5.000000e-01 : f32
    %gt3A_64 = vector.broadcast %gt3A_63 : f32 to vector<512x512xf32>
    %gt3A_65 = arith.cmpf ogt, %get3A_62, %gt3A_64 : vector<512x512xf32>
    %jit3A_66 = arith.constant 1.000000e+00 : f32
    %jit3A_67 = arith.constant 0.000000e+00 : f32
    %broadcast_in_dim3A_68 = vector.broadcast %jit3A_66 : f32 to vector<512x512xf32>
    %broadcast_in_dim3A_69 = vector.broadcast %jit3A_67 : f32 to vector<512x512xf32>
    %select_n3A_70 = arith.select %gt3A_65, %broadcast_in_dim3A_68, %broadcast_in_dim3A_69 : vector<512x512xi1>, vector<512x512xf32>
    %mul3A_71 = arith.constant 2.000000e+00 : f32
    %mul3A_72 = vector.broadcast %mul3A_71 : f32 to vector<512x512xf32>
    %mul3A_73 = arith.mulf %mul3A_72, %select_n3A_70 : vector<512x512xf32>
    %sub3A_74 = arith.constant 1.000000e+00 : f32
    %sub3A_75 = vector.broadcast %sub3A_74 : f32 to vector<512x512xf32>
    %sub3A_76 = arith.subf %mul3A_73, %sub3A_75 : vector<512x512xf32>
    %mul3A_77 = arith.mulf %get3A_56, %sub3A_76 : vector<512x512xf32>
    %sub3A_78 = arith.constant 1.000000e+00 : f32
    %sub3A_79 = vector.broadcast %sub3A_78 : f32 to vector<512x512xf32>
    %sub3A_80 = arith.subf %sub3A_79, %mul3A_77 : vector<512x512xf32>
    %reduce_max3A_81 = vector.shape_cast %sub3A_80 : vector<512x512xf32> to vector<1x512x512xf32>
    %reduce_max3A_82 = arith.constant dense<0xFF800000> : vector<1xf32>
    %reduce_max3A_83 = vector.multi_reduction <maximumf>, %reduce_max3A_81, %reduce_max3A_82 [1, 2] : vector<1x512x512xf32> to vector<1xf32>
    %reduce_max3A_84 = vector.shape_cast %reduce_max3A_83 : vector<1xf32> to vector<1x1x1xf32>
    %reduce_max3A_85 = vector.extract %reduce_max3A_84[0, 0, 0] : f32 from vector<1x1x1xf32>
    %broadcast_in_dim3A_86 = vector.broadcast %reduce_max3A_85 : f32 to vector<128xf32>
    %swap3A_87 = arith.constant 1 : index
    %swap3A_88 = arith.constant 0 : index
    %swap3A_89 = arith.constant 0 : index
    %swap3A_90 = vector.load %arg3[%swap3A_87, %swap3A_88, %swap3A_89] : memref<2x1x128xf32, #tpu.memory_space<vmem>>, vector<1x1x128xf32>
    %swap3A_91 = vector.shape_cast %swap3A_90 : vector<1x1x128xf32> to vector<128xf32>
    %swap3A_92 = vector.shape_cast %broadcast_in_dim3A_86 : vector<128xf32> to vector<1x1x128xf32>
    tpu.vector_store %arg3[%swap3A_87, %swap3A_88, %swap3A_89], %swap3A_92 {strides = array<i32>} : memref<2x1x128xf32, #tpu.memory_space<vmem>>, vector<1x1x128xf32>,
    %reduce_sum3A_93 = vector.shape_cast %select_n3A_70 : vector<512x512xf32> to vector<1x512x512xf32>
    %reduce_sum3A_94 = arith.constant dense<0.000000e+00> : vector<1xf32>
    %reduce_sum3A_95 = vector.multi_reduction <add>, %reduce_sum3A_93, %reduce_sum3A_94 [1, 2] : vector<1x512x512xf32> to vector<1xf32>
    %reduce_sum3A_96 = vector.shape_cast %reduce_sum3A_95 : vector<1xf32> to vector<1x1x1xf32>
    %reduce_sum3A_97 = vector.extract %reduce_sum3A_96[0, 0, 0] : f32 from vector<1x1x1xf32>
    %broadcast_in_dim3A_98 = vector.broadcast %reduce_sum3A_97 : f32 to vector<128xf32>
    %swap3A_99 = arith.constant 1 : index
    %swap3A_100 = arith.constant 0 : index
    %swap3A_101 = arith.constant 0 : index
    %swap3A_102 = vector.load %arg4[%swap3A_99, %swap3A_100, %swap3A_101] : memref<2x1x128xf32, #tpu.memory_space<vmem>>, vector<1x1x128xf32>
    %swap3A_103 = vector.shape_cast %swap3A_102 : vector<1x1x128xf32> to vector<128xf32>
    %swap3A_104 = vector.shape_cast %broadcast_in_dim3A_98 : vector<128xf32> to vector<1x1x128xf32>
    tpu.vector_store %arg4[%swap3A_99, %swap3A_100, %swap3A_101], %swap3A_104 {strides = array<i32>} : memref<2x1x128xf32, #tpu.memory_space<vmem>>, vector<1x1x128xf32>,
    %bitcast_convert_type3A_105 = arith.bitcast %reduce_max3A_85 : f32 to i32
    %broadcast_in_dim3A_106 = vector.broadcast %bitcast_convert_type3A_105 : i32 to vector<128xi32>
    %swap3A_107 = arith.constant 1 : index
    %swap3A_108 = arith.constant 0 : index
    %swap3A_109 = arith.constant 0 : index
    %swap3A_110 = vector.load %arg5[%swap3A_107, %swap3A_108, %swap3A_109] : memref<2x1x128xi32, #tpu.memory_space<vmem>>, vector<1x1x128xi32>
    %swap3A_111 = vector.shape_cast %swap3A_110 : vector<1x1x128xi32> to vector<128xi32>
    %swap3A_112 = vector.shape_cast %broadcast_in_dim3A_106 : vector<128xi32> to vector<1x1x128xi32>
    tpu.vector_store %arg5[%swap3A_107, %swap3A_108, %swap3A_109], %swap3A_112 {strides = array<i32>} : memref<2x1x128xi32, #tpu.memory_space<vmem>>, vector<1x1x128xi32>,
    return
  }
  func.func @transform_0(%arg0: i32) -> (i32, i32, i32, i32) {
    %c0_i32 = arith.constant 0 : i32
    %c0_i32_0 = arith.constant 0 : i32
    %c0_i32_1 = arith.constant 0 : i32
    %c0_i32_2 = arith.constant 0 : i32
    return %arg0, %c0_i32, %c0_i32_0, %c0_i32_1 : i32, i32, i32, i32
  }
  func.func @transform_1(%arg0: i32) -> (i32, i32, i32, i32) {
    %c0_i32 = arith.constant 0 : i32
    %c0_i32_0 = arith.constant 0 : i32
    %c0_i32_1 = arith.constant 0 : i32
    %c0_i32_2 = arith.constant 0 : i32
    return %arg0, %c0_i32, %c0_i32_0, %c0_i32_1 : i32, i32, i32, i32
  }
  func.func @transform_2(%arg0: i32) -> (i32, i32, i32) {
    %c0_i32 = arith.constant 0 : i32
    %c0_i32_0 = arith.constant 0 : i32
    %c0_i32_1 = arith.constant 0 : i32
    return %arg0, %c0_i32, %c0_i32_0 : i32, i32, i32
  }
  func.func @transform_3(%arg0: i32) -> (i32, i32, i32) {
    %c0_i32 = arith.constant 0 : i32
    %c0_i32_0 = arith.constant 0 : i32
    %c0_i32_1 = arith.constant 0 : i32
    return %arg0, %c0_i32, %c0_i32_0 : i32, i32, i32
  }
  func.func @transform_4(%arg0: i32) -> (i32, i32, i32) {
    %c0_i32 = arith.constant 0 : i32
    %c0_i32_0 = arith.constant 0 : i32
    %c0_i32_1 = arith.constant 0 : i32
    return %arg0, %c0_i32, %c0_i32_0 : i32, i32, i32
  }
}

</mosaic_0001>

<sc_bundles>
// kernel: kernel.5.cloned.1.call-start
scs
__scs_entry_jumppad:
0x0: {  	(pc) =	sbr.rel $0x88, $3  }
0x1: {  	(tag) =	ssettag $0x0;
	lr =	simm.s32 $0x1  }
0x2: {  	[smem:$0x3F9F] =	sst lr;
	_ =	strace $0xD0000000  }
0x3: {  	_ = 	snop  }
0x4: {  	_ = 	snop  }
0x5: {  	_ = 	snop  }
0x6: {  	_ = 	snop  }
0x7: {  	_ = 	snop  }
__scs_overlays_trampoline_lowered:
0x8: {  	[smem:$0x3FAE] =	sst s0  }
0x9: {  	[smem:$0x3FAF] =	sst s1  }
0xa: {  	[smem:$0x3FB0] =	sst s2  }
0xb: {  	[smem:$0x3FB1] =	sst s3  }
0xc: {  	[smem:$0x3FB2] =	sst s4  }
0xd: {  	[smem:$0x3FB3] =	sst s5  }
0xe: {  	[smem:$0x3FB4] =	sst s6  }
0xf: {  	[smem:$0x3FB5] =	sst s7  }
0x10: {  	[smem:$0x3FB6] =	sst s8  }
0x11: {  	[smem:$0x3FB7] =	sst s9;
	s0 =	simm.s32 @!p0 $0x0  }
0x12: {  	s1 =	sld [smem:$0x3F9D];
	s0 =	simm.s32 @p0 $0x1  }
0x13: {  	[smem:$0x3FB8] =	sst s0;
	s0 =	simm.s32 @!p1 $0x0  }
0x14: {  	s2 =	sld [smem:$0x3F9C];
	s0 =	simm.s32 @p1 $0x1  }
0x15: {  	[smem:$0x3FB9] =	sst s0;
	s0 =	simm.s32 @!p2 $0x0  }
0x16: {  	s3 =	sld [smem:$0x3FDB];
	s0 =	simm.s32 @p2 $0x1  }
0x17: {  	s4 =	simm.s32 $0x1BF5;
	[smem:$0x3FBB] =	sst s0  }
0x18: {  	s0 =	sld [smem:$0x3F9E];
	_ =	swait.ge [sflag:s4], $0x0  }
0x19: {  	s7 =	sld [smem:$0x3F9F]  }
0x1a: {  	s8 =	sadd.s32 $0xFFFFE003, lr  }
0x1b: {  	s9 =	sadd.s32 $0xFFFFFEF7, lr;
	s5 =	simm.s32 $0xFFFFFFFF;
	p2 =	slt.u32 s8, $0xFFFFF086  }
0x1c: {  	p1 =	slt.u32 s9, $0xF7A;
	s5 =	simm.s32 @!p2 $0x0  }
0x1d: {  	s5 =	simm.s32 @p1 $0x1;
	p0 =	seq.s32 s7, s2  }
0x1e: {  	s7 =	smul.u32 @!p0 $0xF7A, s2;
	p2 =	seq.s32 @!p0 s5, $0x0  }
0x1f: {  	s9 =	smul.u32 $0xF7A, s1;
	s8 =	simm.s32 @!p0 $0x1BF5;
	p2 =	por !p2, p0  }
0x20: {  	[sflag:s8] =	ssyncset.s32 @!p0 $0xFFFFF086;
	s6 =	sadd.s32 @!p0 s3, s7;
	s7 =	simm.s32 @!p0 $0x108  }
0x21: {  	s3 =	sadd.s32 s3, s9;
	s6 =	sadd.s32 @!p0 $0x88, s6;
	s7 =	simm.s32 @p2 $0x1082  }
0x22: {  	[simem:s7], [sflag:s8] =	dma.local @!p0 [hbm:s6], $0xF7A  }
0x23: {  	s9 =	sor.u32 $0xD0000000, s2;
	s6 =	simm.s32 $0x108;
	_ =	swait.ge @!p0 [sflag:s8], $0x0  }
0x24: {  	s3 =	sadd.s32 $0x88, s3;
	s6 =	simm.s32 @!p1 $0x1082;
	[sflag:s4] =	ssyncset.s32 $0xFFFFF086  }
0x25: {  	[simem:s6], [sflag:s4] =	dma.local [hbm:s3], $0xF7A  }
0x26: {  	[smem:$0x3F9F] =	sst s1;
	(tag) =	ssettag s2;
	_ =	strace s9  }
0x27: {  	s1 =	sld [smem:$0x3FAF]  }
0x28: {  	s2 =	sld [smem:$0x3FB0]  }
0x29: {  	s4 =	sld [smem:$0x3FB2]  }
0x2a: {  	p0 =	seq.s32 s5, $0x0;
	s5 =	sld [smem:$0x3FB3]  }
0x2b: {  	s6 =	sld [smem:$0x3FB4]  }
0x2c: {  	s7 =	sld [smem:$0x3FB5]  }
0x2d: {  	s3 =	simm.s32 $0x108;
	s8 =	sld [smem:$0x3FB6]  }
0x2e: {  	s3 =	simm.s32 @!p0 $0x1082;
	s9 =	sld [smem:$0x3FB7]  }
0x2f: {  	lr =	sadd.s32 s0, s3;
	s0 =	sld [smem:$0x3FAE]  }
0x30: {  	s3 =	sld [smem:$0x3FB1]  }
0x31: {  	[smem:$0x3FBA] =	sst s10  }
0x32: {  	s10 =	sld [smem:$0x3FB8];
	_ =	sdelay $0x3  }
0x33: {  	p0 =	seq.s32 s10, $0x1;
	s10 =	sld [smem:$0x3FBA];
	_ =	sdelay $0x3  }
0x34: {  	[smem:$0x3FBA] =	sst s10  }
0x35: {  	s10 =	sld [smem:$0x3FB9];
	_ =	sdelay $0x3  }
0x36: {  	p1 =	seq.s32 s10, $0x1;
	s10 =	sld [smem:$0x3FBA];
	_ =	sdelay $0x3  }
0x37: {  	[smem:$0x3FBA] =	sst s10  }
0x38: {  	s10 =	sld [smem:$0x3FBB]  }
0x39: {  	_ = 	snop;
	(pc) =	sbr.ind lr, $3  }
0x3a: {  	_ = 	snop  }
0x3b: {  	_ = 	snop  }
0x3c: {  	p2 =	seq.s32 s10, $0x1;
	s10 =	sld [smem:$0x3FBA]  }
0x3d: {  	_ =	shalt  }
0x3e: {  	_ =	shalt  }
0x3f: {  	_ =	shalt  }
0x40: {  	_ =	shalt  }
0x41: {  	_ =	shalt  }
0x42: {  	_ =	shalt  }
0x43: {  	_ =	shalt  }
0x44: {  	_ =	shalt  }
0x45: {  	_ =	shalt  }
0x46: {  	_ =	shalt  }
0x47: {  	_ =	shalt  }
0x48: {  	_ =	shalt  }
0x49: {  	_ =	shalt  }
0x4a: {  	_ =	shalt  }
0x4b: {  	_ =	shalt  }
0x4c: {  	_ =	shalt  }
0x4d: {  	_ =	shalt  }
0x4e: {  	_ =	shalt  }
0x4f: {  	_ =	shalt  }
0x50: {  	_ =	shalt  }
0x51: {  	_ =	shalt  }
0x52: {  	_ =	shalt  }
0x53: {  	_ =	shalt  }
0x54: {  	_ =	shalt  }
0x55: {  	_ =	shalt  }
0x56: {  	_ =	shalt  }
0x57: {  	_ =	shalt  }
0x58: {  	_ =	shalt  }
0x59: {  	_ =	shalt  }
0x5a: {  	_ =	shalt  }
0x5b: {  	_ =	shalt  }
0x5c: {  	_ =	shalt  }
0x5d: {  	_ =	shalt  }
0x5e: {  	_ =	shalt  }
0x5f: {  	_ =	shalt  }
0x60: {  	_ =	shalt  }
0x61: {  	_ =	shalt  }
0x62: {  	_ =	shalt  }
0x63: {  	_ =	shalt  }
0x64: {  	_ =	shalt  }
0x65: {  	_ =	shalt  }
0x66: {  	_ =	shalt  }
0x67: {  	_ =	shalt  }
0x68: {  	_ =	shalt  }
0x69: {  	_ =	shalt  }
0x6a: {  	_ =	shalt  }
0x6b: {  	_ =	shalt  }
0x6c: {  	_ =	shalt  }
0x6d: {  	_ =	shalt  }
0x6e: {  	_ =	shalt  }
0x6f: {  	_ =	shalt  }
0x70: {  	_ =	shalt  }
0x71: {  	_ =	shalt  }
0x72: {  	_ =	shalt  }
0x73: {  	_ =	shalt  }
0x74: {  	_ =	shalt  }
0x75: {  	_ =	shalt  }
0x76: {  	_ =	shalt  }
0x77: {  	_ =	shalt  }
0x78: {  	_ =	shalt  }
0x79: {  	_ =	shalt  }
0x7a: {  	_ =	shalt  }
0x7b: {  	_ =	shalt  }
0x7c: {  	_ =	shalt  }
0x7d: {  	_ =	shalt  }
0x7e: {  	_ =	shalt  }
0x7f: {  	_ =	shalt  }
0x80: {  	_ =	shalt  }
0x81: {  	_ =	shalt  }
0x82: {  	_ =	shalt  }
0x83: {  	_ =	shalt  }
0x84: {  	_ =	shalt  }
0x85: {  	_ =	shalt  }
0x86: {  	_ =	shalt  }
0x87: {  	_ =	shalt  }
.Lfunc_end0:
.L_simem_size_0:
called_computation_lowered:
.L_overlay_start_0:
0x88: {  	s2 =	sld [smem:$0x3FD9]  }
0x89: {  	s3 =	sld [smem:$0x3FFE];
	_ =	sdelay $0x1  }
0x8a: {  	s1 =	srdreg.scid  }
0x8b: {  	s0 =	sand.u32 $0x1, s1  }
0x8c: {  	s17 =	sshll.u32 s0, $0xA;
	s2 =	sadd.s32 s3, s2  }
0x8d: {  	s2 =	sadd.s32 s2, s17  }
0x8e: {  	[smem:$0x3FC6] =	sst s2  }
0x8f: {  	_ = 	snop  }
0x90: {  	s2 =	sld [smem:$0x3FC9]  }
0x91: {  	s18 =	sld [smem:$0x3FC8];
	(tm) =	ssettm $0x1  }
0x92: {  	s4 =	sld [smem:$0x3FFB];
	_ =	sdelay $0x3  }
0x93: {  	_ =	strace s4  }
0x94: {  	s4 =	sld [smem:$0x3FFC];
	_ =	sdelay $0x3  }
0x95: {  	_ =	strace s4  }
0x96: {  	s4 =	sld [smem:$0x3FFD];
	_ =	sdelay $0x3  }
0x97: {  	_ =	strace s4  }
0x98: {  	_ =	strace $0x8FFFFFFF  }
0x99: {  	s19 =	sld [smem:$0x3FDB];
	_ =	sdelay $0x1  }
0x9a: {  	s5 =	simm.s32 $_scs_section_size  }
0x9b: {  	s6 =	simm.s32 $_size__tile_overlayer_lowered;
	s7 =	simm.s32 $_tile_overlayer_lowered  }
0x9c: {  	s22 =	simm.s32 $0x1BFF;
	s21 =	sshll.u32 s7, $0x1;
	s4 =	sadd.s32 s5, s19  }
0x9d: {  	s8 =	simm.s32 $0x0;
	s20 =	sshll.u32 s6, $0x1;
	s6 =	sadd.s32 s21, s4  }
0x9e: {  	[timem:s8], [sflag:s22] =	dma.local [hbm:s6], s20  }
0x9f: {  	_ =	swait.ge [sflag:s22], s20  }
0xa0: {  	s5 =	ssub.s32 $0x0, s20;
	[sflag:s22] =	ssyncset.done $0x0  }
0xa1: {  	[sflag:s22] =	ssyncadd.s32 s5;
	_ =	sdelay $0x1  }
0xa2: {  	s23 =	simm.s32 $0x1B8B  }
0xa3: {  	_ =	swait.ge [sflag:s23], $0x1  }
0xa4: {  	[sflag:s23] =	ssyncset.done $0x0  }
0xa5: {  	s25 =	simm.s32 $0x1B8E;
	s24 =	sld [smem:$0x3FFE];
	[sflag:s23] =	ssyncadd.s32 $0xFFFFFFFF  }
0xa6: {  	s26 =	simm.s32 $execute0_lowered;
	[smem:$0x3FD2] =	sst s25  }
0xa7: {  	s6 =	sshll.u32 s26, $0x1;
	_ =	strace $0x80000046;
	[dreg:$0x1] =	wrdreg $0xFFFFFFFF  }
0xa8: {  	s28 =	simm.s32 $_size_execute0_lowered;
	s4 =	sadd.s32 s4, s6;
	[dreg:$0x0] =	wrdreg $0x0  }
0xa9: {  	s6 =	sshll.u32 s28, $0x1;
	[dreg:$0x2] =	wrdreg s4  }
0xaa: {  	[dreg:$0x3] =	wrdreg s6  }
0xab: {  	[dreg:$0x4] =	wrdreg $0xC0  }
0xac: {  	_ =	task [dreg:s8], $0x5FFFF  }
0xad: {  	[dreg:$0x1] =	wrdreg $0xFFFFFFFF  }
0xae: {  	[dreg:$0x0] =	wrdreg $0x60  }
0xaf: {  	[dreg:$0x2] =	wrdreg s2  }
0xb0: {  	[dreg:$0x3] =	wrdreg s18  }
0xb1: {  	[dreg:$0x4] =	wrdreg s24  }
0xb2: {  	[dreg:$0x5] =	wrdreg $0x9  }
0xb3: {  	_ =	task.clear_ibuf [dreg:s8], $0x6FFFF;
	_ =	strace $0x90000046  }
0xb4: {  	s29 =	simm.s32 $0x9;
	_ =	strace $0x80000048  }
0xb5: {  	_ =	swait.ge [sflag:s29], $0x1  }
0xb6: {  	[sflag:s29] =	ssyncadd.s32 $0xFFFFFFFF  }
0xb7: {  	_ =	strace $0x90000048  }
0xb8: {  	_ =	sfence  }
0xb9: {  	s30 =	sld [smem:$0x0];
	_ =	sdelay $0x2  }
0xba: {  	s31 =	sshll.u32 s1, $0xD;
	s1 =	sshrl.u32 s1, $0x2  }
0xbb: {  	s3 =	sand.u32 $0x4000, s31;
	s1 =	sadd.s32 s1, s30  }
0xbc: {  	s0 =	sor.u32 s3, s0;
	s1 =	sshll.u32 s1, $0x11  }
0xbd: {  	s0 =	sor.u32 s1, s0  }
0xbe: {  	s0 =	sadd.s32 $0x8F2B, s0  }
0xbf: {  	[sflag:s0] =	ssyncadd.remote.s32 $0x1  }
0xc0: {  	_ =	sfence.sel $0xFFFF  }
0xc1: {  	[dreg:$0x0] =	wrdreg $0xFFFFFFFF;
	(pc) =	sbr.abs _section_cstart, $3  }
0xc2: {  	[dreg:$0x1] =	wrdreg $0xFFFFFFFF  }
0xc3: {  	_ =	task.clear_ibuf [dreg:s8], $0x2FFFF;
	_ =	strace $0x9FFFFFFF  }
0xc4: {  	(tm) =	ssettm $0x7FFFFFFF  }
0xc5: {  	_ =	shalt  }
tec
execute0_lowered:
.L_overlay_start_1:
0x0: {  	(tag) =	ssettag $0x1  }
0x1: {  	v0 =	vimm.s32 $0xFFEDCBA9  }
0x2: {  	v1 =	vimm.s32 $0x87654321;
	v2 =	vimm.f32 $1.600000000e+01;
	vm1 =	vcmask $0x300  }
0x3: {  	s10 =	rddreg [dreg:$0x0];
	v3 =	vimm.f32 $-1.600000000e+01;
	v0 =	vunpack.c.l.s4.s8 v0;
	v1 =	vunpack.c.l.s4.s8 v1  }
0x4: {  	s1 =	srdreg.scid;
	s11 =	rddreg [dreg:$0x1];
	v2 =	vsel vm1, $0x3F800000, v2;
	v3 =	vsel vm1, $0xBF800000, v3;
	vm1 =	vcmask $0x704  }
0x5: {  	s0 =	stileid.u32;
	s4 =	rddreg [dreg:$0x2];
	v2 =	vsel vm1, $0x40000000, v2;
	v3 =	vsel vm1, $0xC0000000, v3  }
0x6: {  	s16 =	simm.s32 $0x8000;
	s17 =	simm.s32 $0x10000;
	s18 =	simm.s32 $0x3;
	vm1 =	vcmask $0xB08;
	v0 =	vunpack.c.0.s8.s32 v0;
	v1 =	vunpack.c.0.s8.s32 v1  }
0x7: {  	s19 =	simm.s32 $0x4000;
	s20 =	simm.s32 $0xC000;
	s21 =	simm.s32 $0x1;
	v2 =	vsel vm1, $0x40400000, v2;
	v3 =	vsel vm1, $0xC0400000, v3;
	vm1 =	vcmask $0xF0C  }
0x8: {  	s22 =	simm.s32 $0x10080;
	s23 =	simm.s32 $0x14080;
	s24 =	simm.s32 $0x18080;
	v2 =	vsel vm1, $0x40800000, v2  }
0x9: {  	s25 =	simm.s32 $0x2;
	s26 =	simm.s32 $0x0;
	s1 =	sand.u32 $0x1, s1;
	v3 =	vsel vm1, $0xC0800000, v3;
	vm1 =	vcmask $0x1310;
	v1 =	vcombine.low v1, v0  }
0xa: {  	s3 =	sshrl.u32 s0, $0x2;
	s5 =	sand.u32 $0x3, s0;
	s2 =	sshll.u32 s1, $0x2;
	v2 =	vsel vm1, $0x40A00000, v2;
	v3 =	vsel vm1, $0xC0A00000, v3;
	vm1 =	vcmask $0x1714  }
0xb: {  	vm0 =	vcmask $0x3F3C;
	s1 =	ssub.s32 $0x2, s1;
	s3 =	sor.u32 s3, s2;
	s2 =	simm.s32 $0x0;
	v0 =	vimm.f32 $0.0e+00;
	v2 =	vsel vm1, $0x40C00000, v2  }
0xc: {  	s8 =	sshrl.u32 s1, $0x1;
	s6 =	sshll.u32 s3, $0x2;
	[smem:$0x7FF] =	sst s2;
	v3 =	vsel vm1, $0xC0C00000, v3;
	vm1 =	vcmask $0x1B18;
	v1 =	vand.u32 $0xF, v1  }
0xd: {  	s7 =	sshll.u32 s3, $0x4;
	s3 =	sshll.u32 s3, $0xF;
	s1 =	ssub.s32 s1, s8;
	v2 =	vsel vm1, $0x40E00000, v2;
	v3 =	vsel vm1, $0xC0E00000, v3;
	vm1 =	vcmask $0x1F1C  }
0xe: {  	s6 =	sor.u32 s5, s6;
	_ =	strace $0x80000047;
	s5 =	sshll.u32 s5, $0xD;
	v2 =	vsel vm1, $0x41000000, v2;
	v3 =	vsel vm1, $0xC1000000, v3;
	vm1 =	vcmask $0x2320  }
0xf: {  	s7 =	sadd.s32 s7, s4;
	s15 =	smax.u32 s1, $0x1;
	s9 =	sor.u32 s5, s3;
	v2 =	vsel vm1, $0x41100000, v2;
	v3 =	vsel vm1, $0xC1100000, v3;
	vm1 =	vcmask $0x2724  }
0x10: {  	s6 =	smul.u32 $0xC000, s6;
	s5 =	sadd.s32 $0xE00, s7;
	s3 =	sadd.s32 s10, s9;
	v2 =	vsel vm1, $0x41200000, v2;
	v3 =	vsel vm1, $0xC1200000, v3;
	vm1 =	vcmask $0x2B28  }
0x11: {  	s31 =	sor.u32 $0x800, s9;
	s12 =	sor.u32 $0x1000, s9;
	s13 =	sor.u32 $0x1800, s9;
	v2 =	vsel vm1, $0x41300000, v2;
	v3 =	vsel vm1, $0xC1300000, v3;
	vm1 =	vcmask $0x2F2C  }
0x12: {  	s6 =	sshrl.u32 s6, $0x3;
	s7 =	sadd.s32 s11, s31;
	s8 =	sadd.s32 s10, s12;
	v2 =	vsel vm1, $0x41400000, v2;
	v3 =	vsel vm1, $0xC1400000, v3;
	vm1 =	vcmask $0x3330  }
0x13: {  	s14 =	sadd.s32 s6, s4;
	s4 =	sadd.s32 s11, s9;
	s6 =	sadd.s32 s10, s31;
	v2 =	vsel vm1, $0x41500000, v2;
	v3 =	vsel vm1, $0xC1500000, v3;
	vm1 =	vcmask $0x3734  }
0x14: {  	s9 =	sadd.s32 s11, s12;
	s10 =	sadd.s32 s10, s13;
	s11 =	sadd.s32 s11, s13;
	v2 =	vsel vm1, $0x41600000, v2;
	v3 =	vsel vm1, $0xC1600000, v3;
	vm1 =	vcmask $0x3B38  }
0x15: {  	s12 =	sadd.s32 $0x1000, s14;
	s13 =	sadd.s32 $0x1800, s14;
	s14 =	sadd.s32 $0x2000, s14;
	v2 =	vsel vm1, $0x41700000, v2;
	v3 =	vsel vm1, $0xC1700000, v3;
	vm1 =	vmmov $0x7fff  }
.LBB2_1:
0x16: {  	[tilespmem:s2], [sflag:$0x1] =	stream.linear.gather [hbm4b:s3+s2], $0x4000, $0x38;
	[tilespmem:$0x1C080] =	vst v63  }
0x17: {  	s28 =	simm.s32 $0x100C0  }
0x18: {  	[tilespmem:s16], [sflag:$0x1] =	stream.linear.gather [hbm4b:s4+s2], $0x4000, $0x38;
	[tilespmem:$0x1C080] =	vst v63  }
0x19: {  	[tilespmem:s28+$0xFFFFFFD0] =	vst v0  }
0x1a: {  	[tilespmem:s28+$0x0] =	vst v0  }
0x1b: {  	[tilespmem:s28+$0xFFFFFFC0] =	vst v0  }
0x1c: {  	[tilespmem:s28+$0x30] =	vst v0  }
0x1d: {  	[tilespmem:s28+$0xFFFFFFF0] =	vst v0  }
0x1e: {  	[tilespmem:s28+$0xFFFFFFE0] =	vst v0  }
0x1f: {  	[tilespmem:s28+$0x10] =	vst v0  }
0x20: {  	s30 =	simm.s32 $0x140C0;
	[tilespmem:s28+$0x20] =	vst v0  }
0x21: {  	[tilespmem:s30+$0xFFFFFFC0] =	vst v0  }
0x22: {  	[tilespmem:s30+$0x30] =	vst v0  }
0x23: {  	[tilespmem:s30+$0x0] =	vst v0  }
0x24: {  	[tilespmem:s30+$0x20] =	vst v0  }
0x25: {  	[tilespmem:s30+$0x10] =	vst v0  }
0x26: {  	[tilespmem:s30+$0xFFFFFFD0] =	vst v0  }
0x27: {  	[tilespmem:s30+$0xFFFFFFE0] =	vst v0  }
0x28: {  	s29 =	simm.s32 $0x180C0;
	[tilespmem:s30+$0xFFFFFFF0] =	vst v0  }
0x29: {  	[tilespmem:s29+$0xFFFFFFC0] =	vst v0  }
0x2a: {  	[tilespmem:s29+$0x30] =	vst v0  }
0x2b: {  	[tilespmem:s29+$0x20] =	vst v0  }
0x2c: {  	[tilespmem:s29+$0x10] =	vst v0  }
0x2d: {  	s31 =	simm.s32 $0x0;
	s1 =	simm.s32 $0x18140;
	[tilespmem:s29+$0xFFFFFFD0] =	vst v0  }
.LBB2_2:
0x2e: {  	s31 =	sadd.s32 $0x8, s31;
	[tilespmem:s29+$0xFFFFFFE0] =	vst v0;
	s28 =	sadd.s32 $0x80, s28;
	s30 =	sadd.s32 $0x80, s30  }
0x2f: {  	p0 =	slt.u32 s31, $0x3F8;
	[tilespmem:s29+$0x0] =	vst v0  }
0x30: {  	[tilespmem:s29+$0xFFFFFFF0] =	vst v0;
	s29 =	smov.u32 s1  }
0x31: {  	[tilespmem:s28+$0xFFFFFFD0] =	vst v0  }
0x32: {  	[tilespmem:s28+$0x0] =	vst v0  }
0x33: {  	[tilespmem:s28+$0xFFFFFFC0] =	vst v0  }
0x34: {  	[tilespmem:s30+$0xFFFFFFC0] =	vst v0  }
0x35: {  	[tilespmem:s1+$0xFFFFFFC0] =	vst v0  }
0x36: {  	[tilespmem:s28+$0x30] =	vst v0  }
0x37: {  	[tilespmem:s30+$0x30] =	vst v0  }
0x38: {  	[tilespmem:s1+$0x30] =	vst v0  }
0x39: {  	[tilespmem:s30+$0x0] =	vst v0  }
0x3a: {  	[tilespmem:s28+$0xFFFFFFF0] =	vst v0  }
0x3b: {  	[tilespmem:s28+$0xFFFFFFE0] =	vst v0  }
0x3c: {  	[tilespmem:s28+$0x10] =	vst v0  }
0x3d: {  	[tilespmem:s28+$0x20] =	vst v0  }
0x3e: {  	[tilespmem:s30+$0x20] =	vst v0  }
0x3f: {  	[tilespmem:s1+$0x20] =	vst v0  }
0x40: {  	[tilespmem:s30+$0x10] =	vst v0  }
.Ltmp0:
0x41: {  	[tilespmem:s1+$0x10] =	vst v0;
	(pc) =	sbr.rel @p0 .LBB2_2-.Ltmp0, $4  }
0x42: {  	[tilespmem:s30+$0xFFFFFFD0] =	vst v0  }
0x43: {  	[tilespmem:s30+$0xFFFFFFE0] =	vst v0  }
0x44: {  	[tilespmem:s1+$0xFFFFFFD0] =	vst v0  }
0x45: {  	s1 =	sadd.s32 $0x80, s1;
	[tilespmem:s30+$0xFFFFFFF0] =	vst v0  }
0x46: {  	[tilespmem:s29+$0xFFFFFFE0] =	vst v0  }
0x47: {  	[tilespmem:s29+$0x0] =	vst v0  }
0x48: {  	[tilespmem:s29+$0xFFFFFFF0] =	vst v0;
	s1 =	simm.s32 $0x0  }
0x49: {  	[tilespmem:s17], [sflag:$0x3] =	stream.linear.gather [hbm4b:s5+s1], $0x10, $0x38;
	[tilespmem:$0x1C080] =	vst v63  }
0x4a: {  	_ =	swait.ge [sflag:s18], $0x10  }
0x4b: {  	[sflag:s18] =	ssyncset.done $0x0  }
0x4c: {  	[sflag:s18] =	ssyncadd.s32 $0xFFFFFFF0  }
0x4d: {  	v4 =	vld [tilespmem:$0x10000];
	[tilespmem:s19], [sflag:$0x2] =	stream.linear.gather [hbm4b:s6+s1], $0x4000, $0x38  }
0x4e: {  	_ = 	snop  }
0x4f: {  	[tilespmem:s20], [sflag:$0x2] =	stream.linear.gather [hbm4b:s7+s1], $0x4000, $0x38;
	[tilespmem:$0x1C080] =	vst v63  }
0x50: {  	_ =	swait.ge [sflag:s21], $0x4000  }
0x51: {  	s28 =	simm.s32 $0x0;
	s29 =	simm.s32 $0x0;
	[sflag:s21] =	ssyncset.done $0x0  }
0x52: {  	s28 =	sand.u32 $0x3000, s28;
	s30 =	sand.u32 $0xC00, s1;
	[sflag:s21] =	ssyncadd.s32 $0xFFFFC000  }
0x53: {  	s29 =	sand.u32 $0x380, s29;
	s28 =	sor.u32 s30, s28;
	_ =	swait.ge [sflag:s21], $0x4000  }
0x54: {  	s28 =	sor.u32 s29, s28;
	s1 =	sand.u32 $0x40, s1;
	[sflag:s21] =	ssyncset.done $0x0  }
0x55: {  	s1 =	sor.u32 s1, s28;
	[sflag:s21] =	ssyncadd.s32 $0xFFFFC000  }
0x56: {  	v5 =	vld [tilespmem:s1+$0x8020]  }
0x57: {  	v6 =	vld [tilespmem:s1+$0x20]  }
0x58: {  	v7 =	vld [tilespmem:s1+$0x10]  }
0x59: {  	v8 =	vld [tilespmem:s1+$0x8010];
	_ =	sdelay $0x2  }
0x5a: {  	v10 =	vld [tilespmem:s1+$0x30];
	v9 =	vmul.f32 v5, v6  }
0x5b: {  	v11 =	vld [tilespmem:s1+$0x8030]  }
0x5c: {  	v6 =	vadd.f32 $1.000000000e+00, v6;
	v12 =	vmul.f32 v8, v7;
	v9 =	vadd.f32 v9, v9  }
0x5d: {  	v7 =	vadd.f32 $1.000000000e+00, v7  }
0x5e: {  	v6 =	vsub.f32 v6, v9;
	v9 =	vadd.f32 v12, v12;
	_ =	sdelay $0x1  }
0x5f: {  	v12 =	vmul.f32 v11, v10;
	v6 =	vmax.f32 v6, $0.0e+00;
	v7 =	vsub.f32 v7, v9  }
0x60: {  	v9 =	vadd.f32 $1.000000000e+00, v10;
	v10 =	vsub.s32 v4, v6  }
0x61: {  	v12 =	vadd.f32 v12, v12;
	v10 =	vshra.s32 v10, $0xE;
	v7 =	vmax.f32 v7, $0.0e+00  }
0x62: {  	v10 =	vsub.s32 $0x3FFF, v10;
	v13 =	vsub.s32 v4, v7  }
0x63: {  	v9 =	vsub.f32 v9, v12;
	vm2 =	vgt.s32 v10, $0x0;
	v12 =	vshra.s32 v13, $0xE  }
0x64: {  	v10 =	vnsel vm2, $0x0, v10;
	v12 =	vsub.s32 $0x3FFF, v12  }
0x65: {  	v10 =	vmin.u32 v10, $0x3FFF;
	vm2 =	vgt.s32 v12, $0x0  }
0x66: {  	v9 =	vmax.f32 v9, $0.0e+00;
	v10 =	vor.u32 $0x80000000, v10;
	v12 =	vnsel vm2, $0x0, v12  }
0x67: {  	v13 =	vsub.s32 v4, v9;
	(xrf1) =	vsort.ascd.msk.u32 $0xffff, v10, v6;
	v6 =	vmin.u32 v12, $0x3FFF  }
0x68: {  	v13 =	vshra.s32 v13, $0xE;
	v6 =	vor.u32 $0x80000000, v6;
	(xrf1) =	vsort.ascd.msk.u32 $0xffff, v10, v5  }
0x69: {  	v12 =	vsub.s32 $0x3FFF, v13;
	(xrf1) =	vsort.ascd.msk.u32 $0xffff, v6, v8;
	v8 =	vld [tilespmem:s1+$0x8000]  }
0x6a: {  	s31 =	simm.s32 $0x40;
	s28 =	simm.s32 $0x200;
	vm2 =	vgt.s32 v12, $0x0;
	(xrf1) =	vsort.ascd.msk.u32 $0xffff, v6, v7;
	v6 =	vld [tilespmem:s1+$0x0]  }
0x6b: {  	s29 =	simm.s32 $0x10;
	s28 =	sand.u32 $0xC00, s28;
	v5 =	vnsel vm2, $0x0, v12;
	s1 =	sand.u32 $0x3000, s31  }
0x6c: {  	v5 =	vmin.u32 v5, $0x3FFF;
	s1 =	sor.u32 s28, s1;
	s28 =	sand.u32 $0x380, s29;
	s29 =	simm.s32 $0x40  }
0x6d: {  	v5 =	vor.u32 $0x80000000, v5;
	s29 =	sand.u32 $0x40, s29;
	s1 =	sor.u32 s28, s1  }
0x6e: {  	(xrf1) =	vsort.ascd.msk.u32 $0xffff, v5, v11;
	s1 =	sor.u32 s29, s1  }
0x6f: {  	(xrf1) =	vsort.ascd.msk.u32 $0xffff, v5, v9;
	v7 =	vld [tilespmem:s1+$0x8020];
	v5 =	vmul.f32 v8, v6  }
0x70: {  	v9 =	vld [tilespmem:s1+$0x20]  }
0x71: {  	v6 =	vadd.f32 $1.000000000e+00, v6;
	v5 =	vadd.f32 v5, v5;
	_ =	sdelay $0x1  }
0x72: {  	v10 =	vld [tilespmem:s1+$0x10];
	v5 =	vsub.f32 v6, v5  }
0x73: {  	v12 =	vld [tilespmem:s1+$0x8010]  }
0x74: {  	v15 =	vld [tilespmem:s1+$0x8030];
	v11 =	vmax.f32 v5, $0.0e+00;
	v5 =	vmul.f32 v7, v9  }
0x75: {  	v6 =	vld [tilespmem:s1+$0x30];
	v13, v14, _ =	vpop (xrf1)  }
0x76: {  	v9 =	vadd.f32 $1.000000000e+00, v9;
	_, v16, _ =	vpop (xrf1);
	v5 =	vadd.f32 v5, v5  }
0x77: {  	v17 =	vsub.s32 v4, v11;
	_, v18, _ =	vpop (xrf1)  }
0x78: {  	v21 =	vmul.f32 v12, v10;
	v17 =	vshra.s32 v17, $0xE;
	v19, v20, _ =	vpop (xrf1);
	v5 =	vsub.f32 v9, v5  }
0x79: {  	v10 =	vadd.f32 $1.000000000e+00, v10;
	v17 =	vsub.s32 $0x3FFF, v17;
	v22 =	vxor.u32 $0x80000000, v19  }
0x7a: {  	(xrf2) =	vadd.scan.msk.f32 $0xffff, v18;
	vm2 =	vgt.s32 v17, $0x0;
	v9 =	vmul.f32 v15, v6;
	v19 =	vperm.xlane v22, v1  }
0x7b: {  	s28 =	simm.s32 $0x400;
	s29 =	simm.s32 $0x80;
	v21 =	vadd.f32 v21, v21;
	v6 =	vadd.f32 $1.000000000e+00, v6;
	v17 =	vnsel vm2, $0x0, v17;
	_, v18, _ =	vpop (xrf1)  }
0x7c: {  	s30 =	simm.s32 $0x20;
	s31 =	sand.u32 $0xC00, s28;
	s29 =	sand.u32 $0x3000, s29;
	v23 =	vmax.f32 v5, $0.0e+00;
	v9 =	vadd.f32 v9, v9;
	vm3 =	vne.s32 v22, v19;
	v5, v24, _ =	vpop (xrf1)  }
0x7d: {  	s30 =	sand.u32 $0x380, s30;
	s31 =	sor.u32 s31, s29;
	s29 =	simm.s32 $0x80;
	(xrf2) =	vadd.scan.msk.f32 $0xffff, v20;
	vm2 =	vmor vm3, vm0;
	v20 =	vxor.u32 $0x80000000, v5;
	v5 =	vmin.u32 v17, $0x3FFF  }
0x7e: {  	v26 =	vld [tilespmem:s1+$0x0];
	s0 =	sand.u32 $0x40, s29;
	s30 =	sor.u32 s30, s31;
	(xrf2) =	vadd.scan.msk.f32 $0xffff, v18;
	v18 =	vsub.s32 v4, v23;
	vm4 =	vmand vm3, vm1;
	v17 =	vor.u32 $0x80000000, v5  }
0x7f: {  	s30 =	sor.u32 s0, s30;
	v10 =	vsub.f32 v10, v21;
	v5 =	vld [tilespmem:s1+$0x8000];
	v25 =	vperm.xlane v20, v1;
	(xrf1) =	vsort.ascd.msk.u32 $0xffff, v17, v11;
	v11 =	vshra.s32 v18, $0xE  }
0x80: {  	v31 =	vld [tilespmem:s30+$0x0];
	v13 =	vxor.u32 $0x80000000, v13;
	v9 =	vsub.f32 v6, v9;
	v18 =	vsub.s32 $0x3FFF, v11  }
0x81: {  	v21 =	vld [tilespmem:s30+$0x30];
	vm3 =	vne.s32 v20, v25;
	(xrf1) =	vsort.ascd.msk.u32 $0xffff, v17, v8;
	v8 =	vmax.f32 v10, $0.0e+00;
	vm5 =	vgt.s32 v18, $0x0  }
0x82: {  	v11 =	vld [tilespmem:s30+$0x10];
	vm6 =	vmor vm3, vm0;
	v10 =	vsub.s32 v4, v8;
	v17 =	vnsel vm5, $0x0, v18  }
0x83: {  	[tilespmem:v22+s22+$0x0] =	vst.idx.add.f32.msk vm2, v2;
	vm5 =	vmand vm3, vm1;
	v6 =	vshra.s32 v10, $0xE;
	v10 =	vmin.u32 v17, $0x3FFF  }
0x84: {  	v18, _, _ =	vpop (xrf2);
	[tilespmem:v19+s22+$0x0] =	vst.idx.add.f32.msk vm4, v3;
	(xrf2) =	vadd.scan.msk.f32 $0xffff, v16;
	v16 =	vsub.s32 $0x3FFF, v6;
	v17 =	vmul.f32 v5, v26  }
0x85: {  	v10 =	vor.u32 $0x80000000, v10;
	[tilespmem:v22+s23+$0x0] =	vst.idx.add.f32.msk vm2, v18;
	vm3 =	vgt.s32 v16, $0x0;
	(xrf2) =	vadd.scan.msk.f32 $0xffff, v24  }
0x86: {  	v6 =	vld [tilespmem:s30+$0x8010];
	(xrf1) =	vsort.ascd.msk.u32 $0xffff, v10, v23;
	v23 =	vadd.f32 $1.000000000e+00, v26;
	v26 =	vmax.f32 v9, $0.0e+00;
	v16 =	vnsel vm3, $0x0, v16  }
0x87: {  	v27, _, _ =	vpop (xrf2);
	v9 =	vld [tilespmem:s30+$0x8020];
	v17 =	vadd.f32 v17, v17;
	v24 =	vsub.s32 v4, v26;
	v16 =	vmin.u32 v16, $0x3FFF;
	(xrf1) =	vsort.ascd.msk.u32 $0xffff, v10, v7  }
0x88: {  	v28, _, _ =	vpop (xrf2);
	[tilespmem:v20+s22+$0x0] =	vst.idx.add.f32.msk vm6, v2;
	v16 =	vor.u32 $0x80000000, v16;
	v10 =	vshra.s32 v24, $0xE;
	v24 =	vperm.xlane v13, v1  }
0x89: {  	v7 =	vsub.f32 $0.0e+00, v28;
	[tilespmem:v25+s22+$0x0] =	vst.idx.add.f32.msk vm5, v3;
	(xrf1) =	vsort.ascd.msk.u32 $0xffff, v16, v12;
	v12 =	vsub.f32 v23, v17  }
0x8a: {  	[tilespmem:v20+s23+$0x0] =	vst.idx.add.f32.msk vm6, v28;
	(xrf1) =	vsort.ascd.msk.u32 $0xffff, v16, v8;
	v8 =	vsub.f32 $0.0e+00, v18;
	vm7 =	vne.s32 v13, v24  }
0x8b: {  	v10 =	vsub.s32 $0x3FFF, v10;
	v28 =	vld [tilespmem:s30+$0x20];
	v12 =	vmax.f32 v12, $0.0e+00;
	vm8 =	vmor vm7, vm0  }
0x8c: {  	(xrf2) =	vadd.scan.msk.f32 $0xffff, v14;
	vm3 =	vgt.s32 v10, $0x0;
	[tilespmem:v19+s23+$0x0] =	vst.idx.add.f32.msk vm4, v8;
	v8 =	vsub.s32 v4, v12  }
0x8d: {  	[tilespmem:v25+s23+$0x0] =	vst.idx.add.f32.msk vm5, v7;
	v14 =	vnsel vm3, $0x0, v10;
	vm7 =	vmand vm7, vm1  }
0x8e: {  	v10 =	vld [tilespmem:s30+$0x8030];
	v14 =	vmin.u32 v14, $0x3FFF;
	v16, v23, _ =	vpop (xrf1)  }
0x8f: {  	v7 =	vld [tilespmem:s30+$0x8000];
	v29 =	vor.u32 $0x80000000, v14;
	v17 =	vxor.u32 $0x80000000, v16;
	v16, _, _ =	vpop (xrf2)  }
0x90: {  	v30 =	vshra.s32 v8, $0xE;
	[tilespmem:v22+s24+$0x0] =	vst.idx.add.f32.msk vm2, v27;
	_, v8, _ =	vpop (xrf1);
	(xrf1) =	vsort.ascd.msk.u32 $0xffff, v29, v15  }
0x91: {  	v18 =	vperm.xlane v17, v1;
	(xrf2) =	vadd.scan.msk.f32 $0xffff, v8;
	v8, _, _ =	vpop (xrf2);
	[tilespmem:v13+s22+$0x0] =	vst.idx.add.f32.msk vm8, v2  }
0x92: {  	v32 =	vsub.f32 $0.0e+00, v27;
	v15 =	vsub.f32 $0.0e+00, v16;
	(xrf1) =	vsort.ascd.msk.u32 $0xffff, v29, v26;
	[tilespmem:v20+s24+$0x0] =	vst.idx.add.f32.msk vm6, v8  }
0x93: {  	vm9 =	vne.s32 v17, v18;
	(xrf2) =	vadd.scan.msk.f32 $0xffff, v23;
	v20 =	vmul.f32 v10, v21;
	[tilespmem:v24+s22+$0x0] =	vst.idx.add.f32.msk vm7, v3  }
0x94: {  	v23 =	vadd.f32 $1.000000000e+00, v21;
	v27 =	vsub.f32 $0.0e+00, v8;
	[tilespmem:v13+s23+$0x0] =	vst.idx.add.f32.msk vm8, v16;
	v16 =	vmul.f32 v7, v31  }
0x95: {  	v8 =	vmul.f32 v9, v28;
	v28 =	vadd.f32 $1.000000000e+00, v28;
	v21, v14, _ =	vpop (xrf1);
	v20 =	vadd.f32 v20, v20  }
0x96: {  	v29, _, _ =	vpop (xrf2);
	vm3 =	vmor vm9, vm0;
	v31 =	vadd.f32 $1.000000000e+00, v31;
	[tilespmem:v24+s23+$0x0] =	vst.idx.add.f32.msk vm7, v15;
	v15 =	vadd.f32 v16, v16  }
0x97: {  	vm2 =	vmand vm9, vm1;
	v26 =	vadd.f32 v8, v8;
	v8 =	vxor.u32 $0x80000000, v21;
	_, v21, _ =	vpop (xrf1)  }
0x98: {  	[tilespmem:v13+s24+$0x0] =	vst.idx.add.f32.msk vm8, v29;
	v16 =	vsub.f32 v23, v20;
	v23 =	vsub.s32 $0x3FFF, v30;
	_, v13, _ =	vpop (xrf1);
	v30 =	vsub.f32 v31, v15  }
0x99: {  	v22 =	vmul.f32 v6, v11;
	[tilespmem:v19+s24+$0x0] =	vst.idx.add.f32.msk vm4, v32;
	v26 =	vsub.f32 v28, v26;
	v28 =	vsub.f32 $0.0e+00, v29;
	v20, v29, _ =	vpop (xrf1)  }
0x9a: {  	v16 =	vmax.f32 v16, $0.0e+00;
	(xrf2) =	vadd.scan.msk.f32 $0xffff, v13;
	v15 =	vxor.u32 $0x80000000, v20;
	v20 =	vmax.f32 v30, $0.0e+00  }
0x9b: {  	[tilespmem:v25+s24+$0x0] =	vst.idx.add.f32.msk vm5, v27;
	vm15 =	vgt.s32 v23, $0x0;
	v13 =	vsub.s32 v4, v16;
	v30 =	vsub.s32 v4, v20  }
0x9c: {  	v27 =	vnsel vm15, $0x0, v23;
	[tilespmem:v24+s24+$0x0] =	vst.idx.add.f32.msk vm7, v28;
	v13 =	vshra.s32 v13, $0xE  }
0x9d: {  	v28 =	vadd.f32 v22, v22;
	[tilespmem:v17+s22+$0x0] =	vst.idx.add.f32.msk vm3, v2;
	(xrf2) =	vadd.scan.msk.f32 $0xffff, v29;
	v31, _, _ =	vpop (xrf2);
	v33 =	vsub.s32 $0x3FFF, v13  }
0x9e: {  	[tilespmem:v18+s22+$0x0] =	vst.idx.add.f32.msk vm2, v3;
	v23 =	vperm.xlane v15, v1;
	v13 =	vshra.s32 v30, $0xE;
	v25, _, _ =	vpop (xrf2);
	vm5 =	vgt.s32 v33, $0x0  }
0x9f: {  	s30 =	simm.s32 $0x8;
	[tilespmem:v17+s23+$0x0] =	vst.idx.add.f32.msk vm3, v31;
	v29 =	vsub.f32 $0.0e+00, v31;
	v24 =	vsub.f32 $0.0e+00, v25;
	v22 =	vnsel vm5, $0x0, v33;
	_, v30, _ =	vpop (xrf1)  }
.LBB2_4:
0xa0: {  	s30 =	sadd.s32 $0x4, s30;
	v26 =	vmax.f32 v26, $0.0e+00;
	v31, v32, _ =	vpop (xrf1);
	v19 =	vmov v23  }
0xa1: {  	s28 =	sadd.s32 $0x200, s28;
	s0 =	sshll.u32 s30, $0x4;
	s1 =	sshll.u32 s30, $0x2;
	vm4 =	vne.s32 v15, v19;
	v31 =	vxor.u32 $0x80000000, v31;
	(xrf2) =	vadd.scan.msk.f32 $0xffff, v30;
	[tilespmem:v18+s23+$0x0] =	vst.idx.add.f32.msk vm2, v29  }
0xa2: {  	v11 =	vadd.f32 $1.000000000e+00, v11;
	v23 =	vmin.u32 v27, $0x3FFF;
	s31 =	sand.u32 $0xC00, s28;
	p0 =	slt.u32 s30, $0x3FC;
	s0 =	sand.u32 $0x3000, s0;
	vm6 =	vmor vm4, vm0;
	[tilespmem:v17+s24+$0x0] =	vst.idx.add.f32.msk vm3, v25  }
0xa3: {  	s29 =	sadd.s32 $0x40, s29;
	s1 =	sand.u32 $0x380, s1;
	v17 =	vsub.s32 v4, v26;
	v25 =	vor.u32 $0x80000000, v23;
	vm4 =	vmand vm4, vm1;
	s0 =	sor.u32 s31, s0;
	[tilespmem:v18+s24+$0x0] =	vst.idx.add.f32.msk vm2, v24  }
0xa4: {  	v11 =	vsub.f32 v11, v28;
	v23 =	vperm.xlane v31, v1;
	s31 =	sand.u32 $0x40, s29;
	v17 =	vshra.s32 v17, $0xE;
	s0 =	sor.u32 s1, s0;
	(xrf1) =	vsort.ascd.msk.u32 $0xffff, v25, v12;
	v18, _, _ =	vpop (xrf2)  }
0xa5: {  	v17 =	vsub.s32 $0x3FFF, v17;
	v12 =	vmovc v20;
	s31 =	sor.u32 s31, s0;
	(xrf1) =	vsort.ascd.msk.u32 $0xffff, v25, v5;
	v5 =	vmov v7  }
0xa6: {  	vm3 =	vne.s32 v31, v23;
	v7 =	vmax.f32 v11, $0.0e+00;
	vm2 =	vgt.s32 v17, $0x0;
	v20 =	vld [tilespmem:s31+$0x30];
	(xrf2) =	vadd.scan.msk.f32 $0xffff, v21  }
0xa7: {  	v21 =	vsub.s32 v4, v7;
	v17 =	vnsel vm2, $0x0, v17;
	vm2 =	vmor vm3, vm0;
	v11 =	vld [tilespmem:s31+$0x10]  }
0xa8: {  	v24 =	vsub.f32 $0.0e+00, v18;
	vm5 =	vmand vm3, vm1;
	v21 =	vshra.s32 v21, $0xE;
	[tilespmem:v15+s22+$0x0] =	vst.idx.add.f32.msk vm6, v2;
	v25, _, _ =	vpop (xrf2)  }
0xa9: {  	v17 =	vmin.u32 v17, $0x3FFF;
	v21 =	vsub.s32 $0x3FFF, v21;
	[tilespmem:v19+s22+$0x0] =	vst.idx.add.f32.msk vm4, v3  }
0xaa: {  	v17 =	vor.u32 $0x80000000, v17;
	vm3 =	vgt.s32 v21, $0x0;
	[tilespmem:v15+s23+$0x0] =	vst.idx.add.f32.msk vm6, v18  }
0xab: {  	v21 =	vnsel vm3, $0x0, v21;
	v18 =	vld [tilespmem:s31+$0x8010];
	(xrf1) =	vsort.ascd.msk.u32 $0xffff, v17, v26;
	v26, _, _ =	vpop (xrf2)  }
0xac: {  	v21 =	vmin.u32 v21, $0x3FFF;
	v27 =	vld [tilespmem:s31+$0x8020];
	(xrf2) =	vadd.scan.msk.f32 $0xffff, v32  }
0xad: {  	v21 =	vor.u32 $0x80000000, v21;
	(xrf1) =	vsort.ascd.msk.u32 $0xffff, v17, v9;
	[tilespmem:v31+s22+$0x0] =	vst.idx.add.f32.msk vm2, v2;
	v9 =	vsub.f32 $0.0e+00, v26  }
0xae: {  	v28 =	vperm.xlane v8, v1;
	(xrf1) =	vsort.ascd.msk.u32 $0xffff, v21, v6;
	[tilespmem:v23+s22+$0x0] =	vst.idx.add.f32.msk vm5, v3  }
0xaf: {  	(xrf1) =	vsort.ascd.msk.u32 $0xffff, v21, v7;
	[tilespmem:v31+s23+$0x0] =	vst.idx.add.f32.msk vm2, v26  }
0xb0: {  	vm3 =	vne.s32 v8, v28;
	v32 =	vsub.f32 $0.0e+00, v25;
	[tilespmem:v23+s23+$0x0] =	vst.idx.add.f32.msk vm5, v9;
	(xrf2) =	vadd.scan.msk.f32 $0xffff, v14;
	v21, _, _ =	vpop (xrf2)  }
0xb1: {  	vm8 =	vmor vm3, vm0;
	v6 =	vmov v18;
	v7 =	vld [tilespmem:s31+$0x8000];
	v9 =	vmov v27  }
0xb2: {  	vm7 =	vmand vm3, vm1;
	v14 =	vld [tilespmem:s31+$0x8030];
	v17, v26, _ =	vpop (xrf1)  }
0xb3: {  	v18 =	vmin.u32 v22, $0x3FFF;
	v17 =	vxor.u32 $0x80000000, v17;
	[tilespmem:v19+s23+$0x0] =	vst.idx.add.f32.msk vm4, v24;
	_, v22, _ =	vpop (xrf1)  }
0xb4: {  	v29 =	vor.u32 $0x80000000, v18;
	v24 =	vmul.f32 v6, v11;
	v27 =	vld [tilespmem:s31+$0x20];
	v18 =	vperm.xlane v17, v1;
	(xrf2) =	vadd.scan.msk.f32 $0xffff, v22  }
0xb5: {  	v22 =	vld [tilespmem:s31+$0x0]  }
0xb6: {  	(xrf1) =	vsort.ascd.msk.u32 $0xffff, v29, v10  }
0xb7: {  	(xrf1) =	vsort.ascd.msk.u32 $0xffff, v29, v16  }
0xb8: {  	vm9 =	vne.s32 v17, v18;
	[tilespmem:v15+s24+$0x0] =	vst.idx.add.f32.msk vm6, v25;
	v15 =	vsub.f32 $0.0e+00, v21;
	v16, _, _ =	vpop (xrf2);
	v25 =	vmul.f32 v14, v20  }
0xb9: {  	vm3 =	vmor vm9, vm0;
	[tilespmem:v31+s24+$0x0] =	vst.idx.add.f32.msk vm2, v16;
	(xrf2) =	vadd.scan.msk.f32 $0xffff, v26;
	v10 =	vmovc v14;
	v20 =	vadd.f32 $1.000000000e+00, v20  }
0xba: {  	vm2 =	vmand vm9, vm1;
	v29 =	vsub.f32 $0.0e+00, v16;
	[tilespmem:v8+s22+$0x0] =	vst.idx.add.f32.msk vm8, v2;
	v30 =	vmul.f32 v7, v22  }
0xbb: {  	v16 =	vmul.f32 v9, v27;
	v26 =	vadd.f32 $1.000000000e+00, v27;
	v27, v14, _ =	vpop (xrf1);
	[tilespmem:v28+s22+$0x0] =	vst.idx.add.f32.msk vm7, v3  }
0xbc: {  	v33 =	vadd.f32 v25, v25;
	v27 =	vxor.u32 $0x80000000, v27;
	[tilespmem:v8+s23+$0x0] =	vst.idx.add.f32.msk vm8, v21;
	v31, _, _ =	vpop (xrf2)  }
0xbd: {  	v22 =	vadd.f32 $1.000000000e+00, v22;
	v16 =	vadd.f32 v16, v16;
	_, v21, _ =	vpop (xrf1);
	[tilespmem:v28+s23+$0x0] =	vst.idx.add.f32.msk vm7, v15  }
0xbe: {  	v20 =	vsub.f32 v20, v33;
	v15 =	vadd.f32 v30, v30;
	_, v25, _ =	vpop (xrf1);
	[tilespmem:v8+s24+$0x0] =	vst.idx.add.f32.msk vm8, v31;
	v8 =	vmov v27  }
0xbf: {  	v13 =	vsub.s32 $0x3FFF, v13;
	v31 =	vsub.f32 $0.0e+00, v31;
	v26 =	vsub.f32 v26, v16;
	[tilespmem:v17+s22+$0x0] =	vst.idx.add.f32.msk vm3, v2;
	v27, v30, _ =	vpop (xrf1)  }
0xc0: {  	v16 =	vmax.f32 v20, $0.0e+00;
	v22 =	vsub.f32 v22, v15;
	(xrf2) =	vadd.scan.msk.f32 $0xffff, v25;
	[tilespmem:v18+s22+$0x0] =	vst.idx.add.f32.msk vm2, v3;
	v33, _, _ =	vpop (xrf2)  }
.Ltmp1:
0xc1: {  	vm6 =	vgt.s32 v13, $0x0;
	v34 =	vsub.s32 v4, v16;
	v15 =	vxor.u32 $0x80000000, v27;
	[tilespmem:v23+s24+$0x0] =	vst.idx.add.f32.msk vm5, v29;
	(pc) =	sbr.rel @p0 .LBB2_4-.Ltmp1, $4  }
0xc2: {  	v20 =	vmax.f32 v22, $0.0e+00;
	v22 =	vshra.s32 v34, $0xE;
	v27 =	vnsel vm6, $0x0, v13;
	[tilespmem:v28+s24+$0x0] =	vst.idx.add.f32.msk vm7, v31  }
0xc3: {  	v13 =	vsub.s32 v4, v20;
	v22 =	vsub.s32 $0x3FFF, v22;
	v23 =	vperm.xlane v15, v1;
	[tilespmem:v17+s23+$0x0] =	vst.idx.add.f32.msk vm3, v33;
	v25, _, _ =	vpop (xrf2)  }
0xc4: {  	v28 =	vadd.f32 v24, v24;
	vm5 =	vgt.s32 v22, $0x0;
	(xrf2) =	vadd.scan.msk.f32 $0xffff, v30;
	v24 =	vsub.f32 $0.0e+00, v25  }
0xc5: {  	v29 =	vsub.f32 $0.0e+00, v33;
	v13 =	vshra.s32 v13, $0xE;
	v22 =	vnsel vm5, $0x0, v22;
	_, v30, _ =	vpop (xrf1);
	[tilespmem:v19+s24+$0x0] =	vst.idx.add.f32.msk vm4, v32  }
0xc6: {  	v11 =	vadd.f32 $1.000000000e+00, v11  }
0xc7: {  	v19 =	vmax.f32 v26, $0.0e+00  }
0xc8: {  	v26 =	vmin.u32 v27, $0x3FFF;
	v27 =	vsub.s32 v4, v19;
	v11 =	vsub.f32 v11, v28  }
0xc9: {  	v26 =	vor.u32 $0x80000000, v26;
	v27 =	vshra.s32 v27, $0xE  }
0xca: {  	(xrf1) =	vsort.ascd.msk.u32 $0xffff, v26, v12;
	v12 =	vsub.s32 $0x3FFF, v27;
	v11 =	vmax.f32 v11, $0.0e+00  }
0xcb: {  	(xrf2) =	vadd.scan.msk.f32 $0xffff, v30;
	vm5 =	vgt.s32 v12, $0x0;
	v31 =	vsub.s32 v4, v11  }
0xcc: {  	vm4 =	vne.s32 v15, v23;
	v27, v28, _ =	vpop (xrf1);
	(xrf1) =	vsort.ascd.msk.u32 $0xffff, v26, v5;
	v5 =	vnsel vm5, $0x0, v12;
	v12 =	vshra.s32 v31, $0xE  }
0xcd: {  	(xrf2) =	vadd.scan.msk.f32 $0xffff, v21;
	vm5 =	vmor vm4, vm0;
	vm4 =	vmand vm4, vm1;
	v12 =	vsub.s32 $0x3FFF, v12  }
0xce: {  	v27 =	vxor.u32 $0x80000000, v27;
	v5 =	vmin.u32 v5, $0x3FFF;
	(xrf2) =	vadd.scan.msk.f32 $0xffff, v28;
	vm6 =	vgt.s32 v12, $0x0  }
0xcf: {  	v26 =	vperm.xlane v27, v1;
	v5 =	vor.u32 $0x80000000, v5;
	(xrf2) =	vadd.scan.msk.f32 $0xffff, v14;
	v12 =	vnsel vm6, $0x0, v12  }
0xd0: {  	(xrf1) =	vsort.ascd.msk.u32 $0xffff, v5, v19;
	v12 =	vmin.u32 v12, $0x3FFF  }
0xd1: {  	[tilespmem:v18+s23+$0x0] =	vst.idx.add.f32.msk vm2, v29;
	vm7 =	vne.s32 v27, v26;
	(xrf1) =	vsort.ascd.msk.u32 $0xffff, v5, v9;
	v12 =	vor.u32 $0x80000000, v12  }
0xd2: {  	[tilespmem:v17+s24+$0x0] =	vst.idx.add.f32.msk vm3, v25;
	vm13 =	vmor vm7, vm0;
	(xrf1) =	vsort.ascd.msk.u32 $0xffff, v12, v6  }
0xd3: {  	v5 =	vmin.u32 v22, $0x3FFF;
	[tilespmem:v15+s22+$0x0] =	vst.idx.add.f32.msk vm5, v2;
	(xrf1) =	vsort.ascd.msk.u32 $0xffff, v12, v11  }
0xd4: {  	v9 =	vperm.xlane v8, v1;
	vm3 =	vmand vm7, vm1;
	v5 =	vor.u32 $0x80000000, v5;
	v6, _, _ =	vpop (xrf2);
	[tilespmem:v23+s22+$0x0] =	vst.idx.add.f32.msk vm4, v3  }
0xd5: {  	[tilespmem:v15+s23+$0x0] =	vst.idx.add.f32.msk vm5, v6;
	v6 =	vsub.f32 $0.0e+00, v6;
	(xrf1) =	vsort.ascd.msk.u32 $0xffff, v5, v10  }
0xd6: {  	[tilespmem:v18+s24+$0x0] =	vst.idx.add.f32.msk vm2, v24;
	vm2 =	vne.s32 v8, v9;
	(xrf1) =	vsort.ascd.msk.u32 $0xffff, v5, v16  }
0xd7: {  	vm14 =	vmor vm2, vm0;
	v10, _, _ =	vpop (xrf2);
	[tilespmem:v23+s23+$0x0] =	vst.idx.add.f32.msk vm4, v6  }
0xd8: {  	vm2 =	vmand vm2, vm1;
	v5, _, _ =	vpop (xrf2);
	[tilespmem:v27+s22+$0x0] =	vst.idx.add.f32.msk vm13, v2  }
0xd9: {  	v11, v12, _ =	vpop (xrf1);
	[tilespmem:v15+s24+$0x0] =	vst.idx.add.f32.msk vm5, v10  }
0xda: {  	v14 =	vsub.f32 $0.0e+00, v5;
	v16, _, _ =	vpop (xrf2);
	[tilespmem:v26+s22+$0x0] =	vst.idx.add.f32.msk vm3, v3  }
0xdb: {  	[tilespmem:v27+s23+$0x0] =	vst.idx.add.f32.msk vm13, v5;
	v5 =	vxor.u32 $0x80000000, v11;
	_, v11, _ =	vpop (xrf1)  }
0xdc: {  	v13 =	vsub.s32 $0x3FFF, v13;
	v6, _, _ =	vpop (xrf2);
	[tilespmem:v26+s23+$0x0] =	vst.idx.add.f32.msk vm3, v14;
	v14 =	vperm.xlane v5, v1;
	(xrf2) =	vadd.scan.msk.f32 $0xffff, v11  }
0xdd: {  	vm12 =	vgt.s32 v13, $0x0;
	v17 =	vsub.f32 $0.0e+00, v16;
	[tilespmem:v8+s22+$0x0] =	vst.idx.add.f32.msk vm14, v2;
	(xrf2) =	vadd.scan.msk.f32 $0xffff, v12;
	v12, _, _ =	vpop (xrf2)  }
0xde: {  	v13 =	vnsel vm12, $0x0, v13;
	[tilespmem:v9+s22+$0x0] =	vst.idx.add.f32.msk vm2, v3;
	vm8 =	vne.s32 v5, v14;
	v11, v15, _ =	vpop (xrf1)  }
0xdf: {  	v13 =	vmin.u32 v13, $0x3FFF;
	[tilespmem:v27+s24+$0x0] =	vst.idx.add.f32.msk vm13, v6;
	vm5 =	vmor vm8, vm0;
	_, v18, _ =	vpop (xrf1)  }
0xe0: {  	v13 =	vor.u32 $0x80000000, v13;
	[tilespmem:v8+s23+$0x0] =	vst.idx.add.f32.msk vm14, v16;
	vm15 =	vmand vm8, vm1;
	_, v16, _ =	vpop (xrf1)  }
0xe1: {  	v6 =	vsub.f32 $0.0e+00, v6;
	[tilespmem:v9+s23+$0x0] =	vst.idx.add.f32.msk vm2, v17;
	(xrf1) =	vsort.ascd.msk.u32 $0xffff, v13, v20;
	v17, v19, _ =	vpop (xrf1)  }
0xe2: {  	[tilespmem:v8+s24+$0x0] =	vst.idx.add.f32.msk vm14, v12;
	v12 =	vsub.f32 $0.0e+00, v12;
	(xrf2) =	vadd.scan.msk.f32 $0xffff, v16;
	v8 =	vxor.u32 $0x80000000, v17  }
0xe3: {  	[tilespmem:v26+s24+$0x0] =	vst.idx.add.f32.msk vm3, v6;
	(xrf1) =	vsort.ascd.msk.u32 $0xffff, v13, v7;
	v16 =	vperm.xlane v8, v1;
	_, v17, _ =	vpop (xrf1)  }
0xe4: {  	[tilespmem:v9+s24+$0x0] =	vst.idx.add.f32.msk vm2, v12;
	(xrf2) =	vadd.scan.msk.f32 $0xffff, v19;
	v19, v20, _ =	vpop (xrf1)  }
0xe5: {  	[tilespmem:v5+s22+$0x0] =	vst.idx.add.f32.msk vm5, v2;
	(xrf2) =	vadd.scan.msk.f32 $0xffff, v17;
	vm3 =	vne.s32 v8, v16;
	v6 =	vxor.u32 $0x80000000, v19  }
0xe6: {  	v7 =	vsub.f32 $0.0e+00, v10;
	[tilespmem:v14+s22+$0x0] =	vst.idx.add.f32.msk vm15, v3;
	v10, _, _ =	vpop (xrf2);
	vm13 =	vmor vm3, vm0;
	v9 =	vperm.xlane v6, v1  }
0xe7: {  	[tilespmem:v5+s23+$0x0] =	vst.idx.add.f32.msk vm5, v10;
	v10 =	vsub.f32 $0.0e+00, v10;
	vm2 =	vmand vm3, vm1  }
0xe8: {  	[tilespmem:v23+s24+$0x0] =	vst.idx.add.f32.msk vm4, v7;
	v12, _, _ =	vpop (xrf2);
	vm3 =	vne.s32 v6, v9  }
0xe9: {  	v7 =	vsub.f32 $0.0e+00, v12;
	[tilespmem:v14+s23+$0x0] =	vst.idx.add.f32.msk vm15, v10;
	vm4 =	vmor vm3, vm0  }
0xea: {  	(xrf2) =	vadd.scan.msk.f32 $0xffff, v18;
	[tilespmem:v5+s24+$0x0] =	vst.idx.add.f32.msk vm5, v12;
	vm3 =	vmand vm3, vm1  }
0xeb: {  	v5 =	vxor.u32 $0x80000000, v11;
	[tilespmem:v14+s24+$0x0] =	vst.idx.add.f32.msk vm15, v7  }
0xec: {  	(xrf2) =	vadd.scan.msk.f32 $0xffff, v20;
	v10 =	vperm.xlane v5, v1;
	[tilespmem:v8+s22+$0x0] =	vst.idx.add.f32.msk vm13, v2  }
0xed: {  	v7, _, _ =	vpop (xrf2);
	[tilespmem:v16+s22+$0x0] =	vst.idx.add.f32.msk vm2, v3  }
0xee: {  	vm5 =	vne.s32 v5, v10;
	(xrf2) =	vadd.scan.msk.f32 $0xffff, v15;
	v11, _, _ =	vpop (xrf2);
	[tilespmem:v8+s23+$0x0] =	vst.idx.add.f32.msk vm13, v7;
	v7 =	vsub.f32 $0.0e+00, v7  }
0xef: {  	vm14 =	vmor vm5, vm0;
	v12, _, _ =	vpop (xrf2);
	[tilespmem:v6+s22+$0x0] =	vst.idx.add.f32.msk vm4, v2  }
0xf0: {  	vm5 =	vmand vm5, vm1;
	v13 =	vsub.f32 $0.0e+00, v12;
	[tilespmem:v9+s22+$0x0] =	vst.idx.add.f32.msk vm3, v3  }
0xf1: {  	[tilespmem:v16+s23+$0x0] =	vst.idx.add.f32.msk vm2, v7  }
0xf2: {  	v14, v15, _ =	vpop (xrf1);
	[tilespmem:v6+s23+$0x0] =	vst.idx.add.f32.msk vm4, v12  }
0xf3: {  	v12 =	vxor.u32 $0x80000000, v14;
	[tilespmem:v8+s24+$0x0] =	vst.idx.add.f32.msk vm13, v11;
	_, v7, _ =	vpop (xrf1)  }
0xf4: {  	[tilespmem:v9+s23+$0x0] =	vst.idx.add.f32.msk vm3, v13;
	v14 =	vperm.xlane v12, v1;
	v13, _, _ =	vpop (xrf2);
	(xrf2) =	vadd.scan.msk.f32 $0xffff, v7  }
0xf5: {  	[tilespmem:v5+s22+$0x0] =	vst.idx.add.f32.msk vm14, v2  }
0xf6: {  	[tilespmem:v10+s22+$0x0] =	vst.idx.add.f32.msk vm5, v3;
	vm15 =	vne.s32 v12, v14;
	v7, _, _ =	vpop (xrf2);
	(xrf2) =	vadd.scan.msk.f32 $0xffff, v15  }
0xf7: {  	vm11 =	vmor vm15, vm0;
	[tilespmem:v6+s24+$0x0] =	vst.idx.add.f32.msk vm4, v7;
	v6 =	vsub.f32 $0.0e+00, v13  }
0xf8: {  	[tilespmem:v5+s23+$0x0] =	vst.idx.add.f32.msk vm14, v13;
	vm4 =	vmand vm15, vm1;
	v8, _, _ =	vpop (xrf2)  }
0xf9: {  	[tilespmem:v10+s23+$0x0] =	vst.idx.add.f32.msk vm5, v6;
	v6 =	vsub.f32 $0.0e+00, v8  }
0xfa: {  	[tilespmem:v5+s24+$0x0] =	vst.idx.add.f32.msk vm14, v8;
	v5 =	vsub.f32 $0.0e+00, v7  }
0xfb: {  	[tilespmem:v10+s24+$0x0] =	vst.idx.add.f32.msk vm5, v6  }
0xfc: {  	[tilespmem:v9+s24+$0x0] =	vst.idx.add.f32.msk vm3, v5  }
0xfd: {  	v5 =	vsub.f32 $0.0e+00, v11;
	[tilespmem:v12+s22+$0x0] =	vst.idx.add.f32.msk vm11, v2  }
0xfe: {  	[tilespmem:v14+s22+$0x0] =	vst.idx.add.f32.msk vm4, v3;
	v7, _, _ =	vpop (xrf2)  }
0xff: {  	[tilespmem:v16+s24+$0x0] =	vst.idx.add.f32.msk vm2, v5;
	v6 =	vsub.f32 $0.0e+00, v7  }
0x100: {  	[tilespmem:v12+s23+$0x0] =	vst.idx.add.f32.msk vm11, v7;
	v7, _, _ =	vpop (xrf2)  }
0x101: {  	v5 =	vsub.f32 $0.0e+00, v7;
	[tilespmem:v14+s23+$0x0] =	vst.idx.add.f32.msk vm4, v6  }
0x102: {  	[tilespmem:v12+s24+$0x0] =	vst.idx.add.f32.msk vm11, v7  }
0x103: {  	s0 =	simm.s32 $0x0;
	[tilespmem:v14+s24+$0x0] =	vst.idx.add.f32.msk vm4, v5  }
0x104: {  	[tilespmem:s0], [sflag:$0x1] =	stream.linear.gather [hbm4b:s8+s0], $0x4000, $0x38;
	[tilespmem:$0x1C080] =	vst v63  }
0x105: {  	_ = 	snop  }
0x106: {  	[tilespmem:s16], [sflag:$0x1] =	stream.linear.gather [hbm4b:s9+s0], $0x4000, $0x38;
	[tilespmem:$0x1C080] =	vst v63  }
0x107: {  	_ =	swait.ge [sflag:s25], $0x4000  }
0x108: {  	s1 =	simm.s32 $0x0;
	s28 =	simm.s32 $0x0;
	[sflag:s25] =	ssyncset.done $0x0  }
0x109: {  	s1 =	sand.u32 $0x3000, s1;
	s29 =	sand.u32 $0xC00, s0;
	[sflag:s25] =	ssyncadd.s32 $0xFFFFC000  }
0x10a: {  	s28 =	sand.u32 $0x380, s28;
	s1 =	sor.u32 s29, s1;
	_ =	swait.ge [sflag:s25], $0x4000  }
0x10b: {  	s1 =	sor.u32 s28, s1;
	s0 =	sand.u32 $0x40, s0;
	[sflag:s25] =	ssyncset.done $0x0  }
0x10c: {  	s0 =	sor.u32 s0, s1;
	[sflag:s25] =	ssyncadd.s32 $0xFFFFC000  }
0x10d: {  	v5 =	vld [tilespmem:s0+$0xC020]  }
0x10e: {  	v6 =	vld [tilespmem:s0+$0x4020]  }
0x10f: {  	v7 =	vld [tilespmem:s0+$0x4010]  }
0x110: {  	v8 =	vld [tilespmem:s0+$0xC010];
	_ =	sdelay $0x2  }
0x111: {  	v10 =	vld [tilespmem:s0+$0x4030];
	v9 =	vmul.f32 v5, v6  }
0x112: {  	v11 =	vld [tilespmem:s0+$0xC030]  }
0x113: {  	v6 =	vadd.f32 $1.000000000e+00, v6;
	v12 =	vmul.f32 v8, v7;
	v9 =	vadd.f32 v9, v9  }
0x114: {  	v7 =	vadd.f32 $1.000000000e+00, v7  }
0x115: {  	v6 =	vsub.f32 v6, v9;
	v9 =	vadd.f32 v12, v12;
	_ =	sdelay $0x1  }
0x116: {  	v12 =	vmul.f32 v11, v10;
	v6 =	vmax.f32 v6, $0.0e+00;
	v7 =	vsub.f32 v7, v9  }
0x117: {  	v9 =	vadd.f32 $1.000000000e+00, v10;
	v10 =	vsub.s32 v4, v6  }
0x118: {  	v12 =	vadd.f32 v12, v12;
	v10 =	vshra.s32 v10, $0xE;
	v7 =	vmax.f32 v7, $0.0e+00  }
0x119: {  	v10 =	vsub.s32 $0x3FFF, v10;
	v13 =	vsub.s32 v4, v7  }
0x11a: {  	v9 =	vsub.f32 v9, v12;
	vm2 =	vgt.s32 v10, $0x0;
	v12 =	vshra.s32 v13, $0xE  }
0x11b: {  	v10 =	vnsel vm2, $0x0, v10;
	v12 =	vsub.s32 $0x3FFF, v12  }
0x11c: {  	v10 =	vmin.u32 v10, $0x3FFF;
	vm2 =	vgt.s32 v12, $0x0  }
0x11d: {  	v9 =	vmax.f32 v9, $0.0e+00;
	v10 =	vor.u32 $0x80000000, v10;
	v12 =	vnsel vm2, $0x0, v12  }
0x11e: {  	v13 =	vsub.s32 v4, v9;
	(xrf1) =	vsort.ascd.msk.u32 $0xffff, v10, v6;
	v6 =	vmin.u32 v12, $0x3FFF  }
0x11f: {  	v13 =	vshra.s32 v13, $0xE;
	v6 =	vor.u32 $0x80000000, v6;
	(xrf1) =	vsort.ascd.msk.u32 $0xffff, v10, v5  }
0x120: {  	s31 =	simm.s32 $0x200;
	s1 =	simm.s32 $0x40;
	v12 =	vsub.s32 $0x3FFF, v13;
	(xrf1) =	vsort.ascd.msk.u32 $0xffff, v6, v8;
	v8 =	vld [tilespmem:s0+$0xC000]  }
0x121: {  	s28 =	simm.s32 $0x10;
	vm2 =	vgt.s32 v12, $0x0;
	(xrf1) =	vsort.ascd.msk.u32 $0xffff, v6, v7;
	v6 =	vld [tilespmem:s0+$0x4000];
	s0 =	sand.u32 $0x3000, s1;
	s1 =	sand.u32 $0xC00, s31  }
0x122: {  	v5 =	vnsel vm2, $0x0, v12;
	s31 =	sand.u32 $0x380, s28;
	s28 =	simm.s32 $0x40;
	s0 =	sor.u32 s1, s0  }
0x123: {  	v5 =	vmin.u32 v5, $0x3FFF;
	s28 =	sand.u32 $0x40, s28;
	s0 =	sor.u32 s31, s0  }
0x124: {  	v5 =	vor.u32 $0x80000000, v5;
	s0 =	sor.u32 s28, s0  }
0x125: {  	(xrf1) =	vsort.ascd.msk.u32 $0xffff, v5, v11;
	v7 =	vld [tilespmem:s0+$0xC020]  }
0x126: {  	(xrf1) =	vsort.ascd.msk.u32 $0xffff, v5, v9;
	v9 =	vld [tilespmem:s0+$0x4020];
	v5 =	vmul.f32 v8, v6  }
0x127: {  	v10 =	vld [tilespmem:s0+$0x4010]  }
0x128: {  	v12 =	vld [tilespmem:s0+$0xC010];
	v6 =	vadd.f32 $1.000000000e+00, v6;
	v5 =	vadd.f32 v5, v5;
	_ =	sdelay $0x1  }
0x129: {  	v5 =	vsub.f32 v6, v5;
	_ =	sdelay $0x1  }
0x12a: {  	v15 =	vld [tilespmem:s0+$0xC030];
	v13, v14, _ =	vpop (xrf1);
	v11 =	vmax.f32 v5, $0.0e+00;
	v5 =	vmul.f32 v7, v9  }
0x12b: {  	v6 =	vld [tilespmem:s0+$0x4030];
	v21 =	vmul.f32 v12, v10;
	_, v16, _ =	vpop (xrf1)  }
0x12c: {  	v9 =	vadd.f32 $1.000000000e+00, v9;
	_, v18, _ =	vpop (xrf1);
	v5 =	vadd.f32 v5, v5  }
0x12d: {  	v10 =	vadd.f32 $1.000000000e+00, v10;
	v21 =	vadd.f32 v21, v21;
	v17 =	vsub.s32 v4, v11;
	v19, v20, _ =	vpop (xrf1)  }
0x12e: {  	v17 =	vshra.s32 v17, $0xE;
	v22 =	vxor.u32 $0x80000000, v19;
	v5 =	vsub.f32 v9, v5  }
0x12f: {  	v17 =	vsub.s32 $0x3FFF, v17;
	(xrf2) =	vadd.scan.msk.f32 $0xffff, v18;
	v19 =	vperm.xlane v22, v1  }
0x130: {  	s31 =	simm.s32 $0x80;
	s28 =	simm.s32 $0x400;
	v10 =	vsub.f32 v10, v21;
	vm2 =	vgt.s32 v17, $0x0;
	v9 =	vmul.f32 v15, v6;
	(xrf2) =	vadd.scan.msk.f32 $0xffff, v20  }
0x131: {  	s29 =	simm.s32 $0x20;
	s1 =	sand.u32 $0x3000, s31;
	s30 =	sand.u32 $0xC00, s28;
	v6 =	vadd.f32 $1.000000000e+00, v6;
	v17 =	vnsel vm2, $0x0, v17;
	_, v18, _ =	vpop (xrf1);
	vm3 =	vne.s32 v22, v19  }
0x132: {  	s1 =	sor.u32 s30, s1;
	s30 =	sand.u32 $0x380, s29;
	s29 =	simm.s32 $0x80;
	v23 =	vmax.f32 v5, $0.0e+00;
	v9 =	vadd.f32 v9, v9;
	v5, v24, _ =	vpop (xrf1);
	vm2 =	vmor vm3, vm0  }
0x133: {  	v26 =	vld [tilespmem:s0+$0x4000];
	s31 =	sand.u32 $0x40, s29;
	s1 =	sor.u32 s30, s1;
	(xrf2) =	vadd.scan.msk.f32 $0xffff, v18;
	vm4 =	vmand vm3, vm1;
	v20 =	vxor.u32 $0x80000000, v5;
	v5 =	vmin.u32 v17, $0x3FFF  }
0x134: {  	s30 =	sor.u32 s31, s1;
	v18 =	vsub.s32 v4, v23;
	v17 =	vor.u32 $0x80000000, v5;
	v5 =	vld [tilespmem:s0+$0xC000];
	v25 =	vperm.xlane v20, v1  }
0x135: {  	v31 =	vld [tilespmem:s30+$0x4000];
	v13 =	vxor.u32 $0x80000000, v13;
	v9 =	vsub.f32 v6, v9;
	(xrf1) =	vsort.ascd.msk.u32 $0xffff, v17, v11;
	v11 =	vshra.s32 v18, $0xE  }
0x136: {  	v21 =	vld [tilespmem:s30+$0x4030];
	v18 =	vsub.s32 $0x3FFF, v11;
	vm3 =	vne.s32 v20, v25;
	(xrf1) =	vsort.ascd.msk.u32 $0xffff, v17, v8;
	v8 =	vmax.f32 v10, $0.0e+00  }
0x137: {  	(xrf2) =	vadd.scan.msk.f32 $0xffff, v16;
	v11 =	vld [tilespmem:s30+$0x4010];
	vm5 =	vgt.s32 v18, $0x0;
	vm12 =	vmor vm3, vm0;
	v10 =	vsub.s32 v4, v8  }
0x138: {  	v17 =	vnsel vm5, $0x0, v18;
	[tilespmem:v22+s22+$0x0] =	vst.idx.add.f32.msk vm2, v2;
	vm5 =	vmand vm3, vm1;
	v6 =	vshra.s32 v10, $0xE  }
0x139: {  	v18, _, _ =	vpop (xrf2);
	v10 =	vmin.u32 v17, $0x3FFF;
	[tilespmem:v19+s22+$0x0] =	vst.idx.add.f32.msk vm4, v3;
	v16 =	vsub.s32 $0x3FFF, v6;
	v17 =	vmul.f32 v5, v26  }
0x13a: {  	v10 =	vor.u32 $0x80000000, v10;
	[tilespmem:v22+s23+$0x0] =	vst.idx.add.f32.msk vm2, v18;
	vm3 =	vgt.s32 v16, $0x0;
	v27, _, _ =	vpop (xrf2);
	(xrf2) =	vadd.scan.msk.f32 $0xffff, v24  }
0x13b: {  	v6 =	vld [tilespmem:s30+$0xC010];
	(xrf1) =	vsort.ascd.msk.u32 $0xffff, v10, v23;
	v23 =	vadd.f32 $1.000000000e+00, v26;
	v26 =	vmax.f32 v9, $0.0e+00;
	v16 =	vnsel vm3, $0x0, v16  }
0x13c: {  	v9 =	vld [tilespmem:s30+$0xC020];
	v17 =	vadd.f32 v17, v17;
	v24 =	vsub.s32 v4, v26;
	v16 =	vmin.u32 v16, $0x3FFF;
	(xrf1) =	vsort.ascd.msk.u32 $0xffff, v10, v7  }
0x13d: {  	v28, _, _ =	vpop (xrf2);
	[tilespmem:v20+s22+$0x0] =	vst.idx.add.f32.msk vm12, v2;
	v16 =	vor.u32 $0x80000000, v16;
	v10 =	vshra.s32 v24, $0xE;
	v24 =	vperm.xlane v13, v1  }
0x13e: {  	v7 =	vsub.f32 $0.0e+00, v28;
	[tilespmem:v25+s22+$0x0] =	vst.idx.add.f32.msk vm5, v3;
	(xrf1) =	vsort.ascd.msk.u32 $0xffff, v16, v12;
	v12 =	vsub.f32 v23, v17  }
0x13f: {  	[tilespmem:v20+s23+$0x0] =	vst.idx.add.f32.msk vm12, v28;
	(xrf1) =	vsort.ascd.msk.u32 $0xffff, v16, v8;
	v8 =	vsub.f32 $0.0e+00, v18;
	vm13 =	vne.s32 v13, v24  }
0x140: {  	v10 =	vsub.s32 $0x3FFF, v10;
	v28 =	vld [tilespmem:s30+$0x4020];
	v12 =	vmax.f32 v12, $0.0e+00;
	vm14 =	vmor vm13, vm0  }
0x141: {  	(xrf2) =	vadd.scan.msk.f32 $0xffff, v14;
	vm3 =	vgt.s32 v10, $0x0;
	[tilespmem:v19+s23+$0x0] =	vst.idx.add.f32.msk vm4, v8;
	v8 =	vsub.s32 v4, v12  }
0x142: {  	[tilespmem:v25+s23+$0x0] =	vst.idx.add.f32.msk vm5, v7;
	v14 =	vnsel vm3, $0x0, v10;
	vm7 =	vmand vm13, vm1  }
0x143: {  	v10 =	vld [tilespmem:s30+$0xC030];
	v14 =	vmin.u32 v14, $0x3FFF;
	v16, v23, _ =	vpop (xrf1)  }
0x144: {  	v7 =	vld [tilespmem:s30+$0xC000];
	v29 =	vor.u32 $0x80000000, v14;
	v17 =	vxor.u32 $0x80000000, v16;
	v16, _, _ =	vpop (xrf2)  }
0x145: {  	v30 =	vshra.s32 v8, $0xE;
	[tilespmem:v22+s24+$0x0] =	vst.idx.add.f32.msk vm2, v27;
	_, v8, _ =	vpop (xrf1);
	(xrf1) =	vsort.ascd.msk.u32 $0xffff, v29, v15  }
0x146: {  	v18 =	vperm.xlane v17, v1;
	(xrf2) =	vadd.scan.msk.f32 $0xffff, v8;
	v8, _, _ =	vpop (xrf2);
	[tilespmem:v13+s22+$0x0] =	vst.idx.add.f32.msk vm14, v2  }
0x147: {  	v32 =	vsub.f32 $0.0e+00, v27;
	v15 =	vsub.f32 $0.0e+00, v16;
	(xrf1) =	vsort.ascd.msk.u32 $0xffff, v29, v26;
	[tilespmem:v20+s24+$0x0] =	vst.idx.add.f32.msk vm12, v8  }
0x148: {  	vm9 =	vne.s32 v17, v18;
	(xrf2) =	vadd.scan.msk.f32 $0xffff, v23;
	v20 =	vmul.f32 v10, v21;
	[tilespmem:v24+s22+$0x0] =	vst.idx.add.f32.msk vm7, v3  }
0x149: {  	v23 =	vadd.f32 $1.000000000e+00, v21;
	v27 =	vsub.f32 $0.0e+00, v8;
	[tilespmem:v13+s23+$0x0] =	vst.idx.add.f32.msk vm14, v16;
	v16 =	vmul.f32 v7, v31  }
0x14a: {  	v8 =	vmul.f32 v9, v28;
	v28 =	vadd.f32 $1.000000000e+00, v28;
	v21, v14, _ =	vpop (xrf1);
	v20 =	vadd.f32 v20, v20  }
0x14b: {  	v29, _, _ =	vpop (xrf2);
	vm3 =	vmor vm9, vm0;
	v31 =	vadd.f32 $1.000000000e+00, v31;
	[tilespmem:v24+s23+$0x0] =	vst.idx.add.f32.msk vm7, v15;
	v15 =	vadd.f32 v16, v16  }
0x14c: {  	vm2 =	vmand vm9, vm1;
	v26 =	vadd.f32 v8, v8;
	v8 =	vxor.u32 $0x80000000, v21;
	_, v21, _ =	vpop (xrf1)  }
0x14d: {  	[tilespmem:v13+s24+$0x0] =	vst.idx.add.f32.msk vm14, v29;
	v16 =	vsub.f32 v23, v20;
	v23 =	vsub.s32 $0x3FFF, v30;
	_, v13, _ =	vpop (xrf1);
	v30 =	vsub.f32 v31, v15  }
0x14e: {  	v22 =	vmul.f32 v6, v11;
	[tilespmem:v19+s24+$0x0] =	vst.idx.add.f32.msk vm4, v32;
	v26 =	vsub.f32 v28, v26;
	v28 =	vsub.f32 $0.0e+00, v29;
	v20, v29, _ =	vpop (xrf1)  }
0x14f: {  	v16 =	vmax.f32 v16, $0.0e+00;
	(xrf2) =	vadd.scan.msk.f32 $0xffff, v13;
	v15 =	vxor.u32 $0x80000000, v20;
	v20 =	vmax.f32 v30, $0.0e+00  }
0x150: {  	[tilespmem:v25+s24+$0x0] =	vst.idx.add.f32.msk vm5, v27;
	vm15 =	vgt.s32 v23, $0x0;
	v13 =	vsub.s32 v4, v16;
	v30 =	vsub.s32 v4, v20  }
0x151: {  	v27 =	vnsel vm15, $0x0, v23;
	[tilespmem:v24+s24+$0x0] =	vst.idx.add.f32.msk vm7, v28;
	v13 =	vshra.s32 v13, $0xE  }
0x152: {  	v28 =	vadd.f32 v22, v22;
	[tilespmem:v17+s22+$0x0] =	vst.idx.add.f32.msk vm3, v2;
	(xrf2) =	vadd.scan.msk.f32 $0xffff, v29;
	v31, _, _ =	vpop (xrf2);
	v33 =	vsub.s32 $0x3FFF, v13  }
0x153: {  	[tilespmem:v18+s22+$0x0] =	vst.idx.add.f32.msk vm2, v3;
	v23 =	vperm.xlane v15, v1;
	v13 =	vshra.s32 v30, $0xE;
	v25, _, _ =	vpop (xrf2);
	vm5 =	vgt.s32 v33, $0x0  }
0x154: {  	s30 =	simm.s32 $0x8;
	[tilespmem:v17+s23+$0x0] =	vst.idx.add.f32.msk vm3, v31;
	v29 =	vsub.f32 $0.0e+00, v31;
	v24 =	vsub.f32 $0.0e+00, v25;
	v22 =	vnsel vm5, $0x0, v33;
	_, v30, _ =	vpop (xrf1)  }
.LBB2_6:
0x155: {  	s30 =	sadd.s32 $0x4, s30;
	v26 =	vmax.f32 v26, $0.0e+00;
	v31, v32, _ =	vpop (xrf1);
	v19 =	vmov v23  }
0x156: {  	s28 =	sadd.s32 $0x200, s28;
	s0 =	sshll.u32 s30, $0x4;
	s1 =	sshll.u32 s30, $0x2;
	vm4 =	vne.s32 v15, v19;
	v31 =	vxor.u32 $0x80000000, v31;
	(xrf2) =	vadd.scan.msk.f32 $0xffff, v30;
	[tilespmem:v18+s23+$0x0] =	vst.idx.add.f32.msk vm2, v29  }
0x157: {  	v11 =	vadd.f32 $1.000000000e+00, v11;
	v23 =	vmin.u32 v27, $0x3FFF;
	s31 =	sand.u32 $0xC00, s28;
	p0 =	slt.u32 s30, $0x3FC;
	s0 =	sand.u32 $0x3000, s0;
	vm6 =	vmor vm4, vm0;
	[tilespmem:v17+s24+$0x0] =	vst.idx.add.f32.msk vm3, v25  }
0x158: {  	s29 =	sadd.s32 $0x40, s29;
	s1 =	sand.u32 $0x380, s1;
	v17 =	vsub.s32 v4, v26;
	v25 =	vor.u32 $0x80000000, v23;
	vm4 =	vmand vm4, vm1;
	s0 =	sor.u32 s31, s0;
	[tilespmem:v18+s24+$0x0] =	vst.idx.add.f32.msk vm2, v24  }
0x159: {  	v11 =	vsub.f32 v11, v28;
	v23 =	vperm.xlane v31, v1;
	s31 =	sand.u32 $0x40, s29;
	v17 =	vshra.s32 v17, $0xE;
	s0 =	sor.u32 s1, s0;
	(xrf1) =	vsort.ascd.msk.u32 $0xffff, v25, v12;
	v18, _, _ =	vpop (xrf2)  }
0x15a: {  	v17 =	vsub.s32 $0x3FFF, v17;
	v12 =	vmovc v20;
	s31 =	sor.u32 s31, s0;
	(xrf1) =	vsort.ascd.msk.u32 $0xffff, v25, v5;
	v5 =	vmov v7  }
0x15b: {  	vm3 =	vne.s32 v31, v23;
	v7 =	vmax.f32 v11, $0.0e+00;
	vm2 =	vgt.s32 v17, $0x0;
	v20 =	vld [tilespmem:s31+$0x4030];
	(xrf2) =	vadd.scan.msk.f32 $0xffff, v21  }
0x15c: {  	v21 =	vsub.s32 v4, v7;
	v17 =	vnsel vm2, $0x0, v17;
	vm2 =	vmor vm3, vm0;
	v11 =	vld [tilespmem:s31+$0x4010]  }
0x15d: {  	v24 =	vsub.f32 $0.0e+00, v18;
	vm5 =	vmand vm3, vm1;
	v21 =	vshra.s32 v21, $0xE;
	[tilespmem:v15+s22+$0x0] =	vst.idx.add.f32.msk vm6, v2;
	v25, _, _ =	vpop (xrf2)  }
0x15e: {  	v17 =	vmin.u32 v17, $0x3FFF;
	v21 =	vsub.s32 $0x3FFF, v21;
	[tilespmem:v19+s22+$0x0] =	vst.idx.add.f32.msk vm4, v3  }
0x15f: {  	v17 =	vor.u32 $0x80000000, v17;
	vm3 =	vgt.s32 v21, $0x0;
	[tilespmem:v15+s23+$0x0] =	vst.idx.add.f32.msk vm6, v18  }
0x160: {  	v21 =	vnsel vm3, $0x0, v21;
	v18 =	vld [tilespmem:s31+$0xC010];
	(xrf1) =	vsort.ascd.msk.u32 $0xffff, v17, v26;
	v26, _, _ =	vpop (xrf2)  }
0x161: {  	v21 =	vmin.u32 v21, $0x3FFF;
	v27 =	vld [tilespmem:s31+$0xC020];
	(xrf2) =	vadd.scan.msk.f32 $0xffff, v32  }
0x162: {  	v21 =	vor.u32 $0x80000000, v21;
	(xrf1) =	vsort.ascd.msk.u32 $0xffff, v17, v9;
	[tilespmem:v31+s22+$0x0] =	vst.idx.add.f32.msk vm2, v2;
	v9 =	vsub.f32 $0.0e+00, v26  }
0x163: {  	v28 =	vperm.xlane v8, v1;
	(xrf1) =	vsort.ascd.msk.u32 $0xffff, v21, v6;
	[tilespmem:v23+s22+$0x0] =	vst.idx.add.f32.msk vm5, v3  }
0x164: {  	(xrf1) =	vsort.ascd.msk.u32 $0xffff, v21, v7;
	[tilespmem:v31+s23+$0x0] =	vst.idx.add.f32.msk vm2, v26  }
0x165: {  	vm3 =	vne.s32 v8, v28;
	v32 =	vsub.f32 $0.0e+00, v25;
	[tilespmem:v23+s23+$0x0] =	vst.idx.add.f32.msk vm5, v9;
	(xrf2) =	vadd.scan.msk.f32 $0xffff, v14;
	v21, _, _ =	vpop (xrf2)  }
0x166: {  	vm8 =	vmor vm3, vm0;
	v6 =	vmov v18;
	v7 =	vld [tilespmem:s31+$0xC000];
	v9 =	vmov v27  }
0x167: {  	vm7 =	vmand vm3, vm1;
	v14 =	vld [tilespmem:s31+$0xC030];
	v17, v26, _ =	vpop (xrf1)  }
0x168: {  	v18 =	vmin.u32 v22, $0x3FFF;
	v17 =	vxor.u32 $0x80000000, v17;
	[tilespmem:v19+s23+$0x0] =	vst.idx.add.f32.msk vm4, v24;
	_, v22, _ =	vpop (xrf1)  }
0x169: {  	v29 =	vor.u32 $0x80000000, v18;
	v24 =	vmul.f32 v6, v11;
	v27 =	vld [tilespmem:s31+$0x4020];
	v18 =	vperm.xlane v17, v1;
	(xrf2) =	vadd.scan.msk.f32 $0xffff, v22  }
0x16a: {  	v22 =	vld [tilespmem:s31+$0x4000]  }
0x16b: {  	(xrf1) =	vsort.ascd.msk.u32 $0xffff, v29, v10  }
0x16c: {  	(xrf1) =	vsort.ascd.msk.u32 $0xffff, v29, v16  }
0x16d: {  	vm9 =	vne.s32 v17, v18;
	[tilespmem:v15+s24+$0x0] =	vst.idx.add.f32.msk vm6, v25;
	v15 =	vsub.f32 $0.0e+00, v21;
	v16, _, _ =	vpop (xrf2);
	v25 =	vmul.f32 v14, v20  }
0x16e: {  	vm3 =	vmor vm9, vm0;
	[tilespmem:v31+s24+$0x0] =	vst.idx.add.f32.msk vm2, v16;
	(xrf2) =	vadd.scan.msk.f32 $0xffff, v26;
	v10 =	vmovc v14;
	v20 =	vadd.f32 $1.000000000e+00, v20  }
0x16f: {  	vm2 =	vmand vm9, vm1;
	v29 =	vsub.f32 $0.0e+00, v16;
	[tilespmem:v8+s22+$0x0] =	vst.idx.add.f32.msk vm8, v2;
	v30 =	vmul.f32 v7, v22  }
0x170: {  	v16 =	vmul.f32 v9, v27;
	v26 =	vadd.f32 $1.000000000e+00, v27;
	v27, v14, _ =	vpop (xrf1);
	[tilespmem:v28+s22+$0x0] =	vst.idx.add.f32.msk vm7, v3  }
0x171: {  	v33 =	vadd.f32 v25, v25;
	v27 =	vxor.u32 $0x80000000, v27;
	[tilespmem:v8+s23+$0x0] =	vst.idx.add.f32.msk vm8, v21;
	v31, _, _ =	vpop (xrf2)  }
0x172: {  	v22 =	vadd.f32 $1.000000000e+00, v22;
	v16 =	vadd.f32 v16, v16;
	_, v21, _ =	vpop (xrf1);
	[tilespmem:v28+s23+$0x0] =	vst.idx.add.f32.msk vm7, v15  }
0x173: {  	v20 =	vsub.f32 v20, v33;
	v15 =	vadd.f32 v30, v30;
	_, v25, _ =	vpop (xrf1);
	[tilespmem:v8+s24+$0x0] =	vst.idx.add.f32.msk vm8, v31;
	v8 =	vmov v27  }
0x174: {  	v13 =	vsub.s32 $0x3FFF, v13;
	v31 =	vsub.f32 $0.0e+00, v31;
	v26 =	vsub.f32 v26, v16;
	[tilespmem:v17+s22+$0x0] =	vst.idx.add.f32.msk vm3, v2;
	v27, v30, _ =	vpop (xrf1)  }
0x175: {  	v16 =	vmax.f32 v20, $0.0e+00;
	v22 =	vsub.f32 v22, v15;
	(xrf2) =	vadd.scan.msk.f32 $0xffff, v25;
	[tilespmem:v18+s22+$0x0] =	vst.idx.add.f32.msk vm2, v3;
	v33, _, _ =	vpop (xrf2)  }
.Ltmp2:
0x176: {  	vm6 =	vgt.s32 v13, $0x0;
	v34 =	vsub.s32 v4, v16;
	v15 =	vxor.u32 $0x80000000, v27;
	[tilespmem:v23+s24+$0x0] =	vst.idx.add.f32.msk vm5, v29;
	(pc) =	sbr.rel @p0 .LBB2_6-.Ltmp2, $4  }
0x177: {  	v20 =	vmax.f32 v22, $0.0e+00;
	v22 =	vshra.s32 v34, $0xE;
	v27 =	vnsel vm6, $0x0, v13;
	[tilespmem:v28+s24+$0x0] =	vst.idx.add.f32.msk vm7, v31  }
0x178: {  	v13 =	vsub.s32 v4, v20;
	v22 =	vsub.s32 $0x3FFF, v22;
	v23 =	vperm.xlane v15, v1;
	[tilespmem:v17+s23+$0x0] =	vst.idx.add.f32.msk vm3, v33;
	v25, _, _ =	vpop (xrf2)  }
0x179: {  	v28 =	vadd.f32 v24, v24;
	vm5 =	vgt.s32 v22, $0x0;
	(xrf2) =	vadd.scan.msk.f32 $0xffff, v30;
	v24 =	vsub.f32 $0.0e+00, v25  }
0x17a: {  	v29 =	vsub.f32 $0.0e+00, v33;
	v13 =	vshra.s32 v13, $0xE;
	v22 =	vnsel vm5, $0x0, v22;
	_, v30, _ =	vpop (xrf1);
	[tilespmem:v19+s24+$0x0] =	vst.idx.add.f32.msk vm4, v32  }
0x17b: {  	v11 =	vadd.f32 $1.000000000e+00, v11  }
0x17c: {  	v19 =	vmax.f32 v26, $0.0e+00  }
0x17d: {  	v26 =	vmin.u32 v27, $0x3FFF;
	v27 =	vsub.s32 v4, v19;
	v11 =	vsub.f32 v11, v28  }
0x17e: {  	v26 =	vor.u32 $0x80000000, v26;
	v27 =	vshra.s32 v27, $0xE  }
0x17f: {  	(xrf1) =	vsort.ascd.msk.u32 $0xffff, v26, v12;
	v12 =	vsub.s32 $0x3FFF, v27;
	v11 =	vmax.f32 v11, $0.0e+00  }
0x180: {  	(xrf2) =	vadd.scan.msk.f32 $0xffff, v30;
	vm5 =	vgt.s32 v12, $0x0;
	v31 =	vsub.s32 v4, v11  }
0x181: {  	vm4 =	vne.s32 v15, v23;
	v27, v28, _ =	vpop (xrf1);
	(xrf1) =	vsort.ascd.msk.u32 $0xffff, v26, v5;
	v5 =	vnsel vm5, $0x0, v12;
	v12 =	vshra.s32 v31, $0xE  }
0x182: {  	(xrf2) =	vadd.scan.msk.f32 $0xffff, v21;
	vm5 =	vmor vm4, vm0;
	vm4 =	vmand vm4, vm1;
	v12 =	vsub.s32 $0x3FFF, v12  }
0x183: {  	v27 =	vxor.u32 $0x80000000, v27;
	v5 =	vmin.u32 v5, $0x3FFF;
	(xrf2) =	vadd.scan.msk.f32 $0xffff, v28;
	vm6 =	vgt.s32 v12, $0x0  }
0x184: {  	v26 =	vperm.xlane v27, v1;
	v5 =	vor.u32 $0x80000000, v5;
	(xrf2) =	vadd.scan.msk.f32 $0xffff, v14;
	v12 =	vnsel vm6, $0x0, v12  }
0x185: {  	(xrf1) =	vsort.ascd.msk.u32 $0xffff, v5, v19;
	v12 =	vmin.u32 v12, $0x3FFF  }
0x186: {  	[tilespmem:v18+s23+$0x0] =	vst.idx.add.f32.msk vm2, v29;
	vm7 =	vne.s32 v27, v26;
	(xrf1) =	vsort.ascd.msk.u32 $0xffff, v5, v9;
	v12 =	vor.u32 $0x80000000, v12  }
0x187: {  	[tilespmem:v17+s24+$0x0] =	vst.idx.add.f32.msk vm3, v25;
	vm13 =	vmor vm7, vm0;
	(xrf1) =	vsort.ascd.msk.u32 $0xffff, v12, v6  }
0x188: {  	v5 =	vmin.u32 v22, $0x3FFF;
	[tilespmem:v15+s22+$0x0] =	vst.idx.add.f32.msk vm5, v2;
	(xrf1) =	vsort.ascd.msk.u32 $0xffff, v12, v11  }
0x189: {  	v9 =	vperm.xlane v8, v1;
	vm3 =	vmand vm7, vm1;
	v5 =	vor.u32 $0x80000000, v5;
	v6, _, _ =	vpop (xrf2);
	[tilespmem:v23+s22+$0x0] =	vst.idx.add.f32.msk vm4, v3  }
0x18a: {  	[tilespmem:v15+s23+$0x0] =	vst.idx.add.f32.msk vm5, v6;
	v6 =	vsub.f32 $0.0e+00, v6;
	(xrf1) =	vsort.ascd.msk.u32 $0xffff, v5, v10  }
0x18b: {  	[tilespmem:v18+s24+$0x0] =	vst.idx.add.f32.msk vm2, v24;
	vm2 =	vne.s32 v8, v9;
	(xrf1) =	vsort.ascd.msk.u32 $0xffff, v5, v16  }
0x18c: {  	vm14 =	vmor vm2, vm0;
	v10, _, _ =	vpop (xrf2);
	[tilespmem:v23+s23+$0x0] =	vst.idx.add.f32.msk vm4, v6  }
0x18d: {  	vm2 =	vmand vm2, vm1;
	v5, _, _ =	vpop (xrf2);
	[tilespmem:v27+s22+$0x0] =	vst.idx.add.f32.msk vm13, v2  }
0x18e: {  	v11, v12, _ =	vpop (xrf1);
	[tilespmem:v15+s24+$0x0] =	vst.idx.add.f32.msk vm5, v10  }
0x18f: {  	v14 =	vsub.f32 $0.0e+00, v5;
	v16, _, _ =	vpop (xrf2);
	[tilespmem:v26+s22+$0x0] =	vst.idx.add.f32.msk vm3, v3  }
0x190: {  	[tilespmem:v27+s23+$0x0] =	vst.idx.add.f32.msk vm13, v5;
	v5 =	vxor.u32 $0x80000000, v11;
	_, v11, _ =	vpop (xrf1)  }
0x191: {  	v13 =	vsub.s32 $0x3FFF, v13;
	v6, _, _ =	vpop (xrf2);
	[tilespmem:v26+s23+$0x0] =	vst.idx.add.f32.msk vm3, v14;
	v14 =	vperm.xlane v5, v1;
	(xrf2) =	vadd.scan.msk.f32 $0xffff, v11  }
0x192: {  	vm12 =	vgt.s32 v13, $0x0;
	v17 =	vsub.f32 $0.0e+00, v16;
	[tilespmem:v8+s22+$0x0] =	vst.idx.add.f32.msk vm14, v2;
	(xrf2) =	vadd.scan.msk.f32 $0xffff, v12;
	v12, _, _ =	vpop (xrf2)  }
0x193: {  	v13 =	vnsel vm12, $0x0, v13;
	[tilespmem:v9+s22+$0x0] =	vst.idx.add.f32.msk vm2, v3;
	vm8 =	vne.s32 v5, v14;
	v11, v15, _ =	vpop (xrf1)  }
0x194: {  	v13 =	vmin.u32 v13, $0x3FFF;
	[tilespmem:v27+s24+$0x0] =	vst.idx.add.f32.msk vm13, v6;
	vm5 =	vmor vm8, vm0;
	_, v18, _ =	vpop (xrf1)  }
0x195: {  	v13 =	vor.u32 $0x80000000, v13;
	[tilespmem:v8+s23+$0x0] =	vst.idx.add.f32.msk vm14, v16;
	vm15 =	vmand vm8, vm1;
	_, v16, _ =	vpop (xrf1)  }
0x196: {  	v6 =	vsub.f32 $0.0e+00, v6;
	[tilespmem:v9+s23+$0x0] =	vst.idx.add.f32.msk vm2, v17;
	(xrf1) =	vsort.ascd.msk.u32 $0xffff, v13, v20;
	v17, v19, _ =	vpop (xrf1)  }
0x197: {  	[tilespmem:v8+s24+$0x0] =	vst.idx.add.f32.msk vm14, v12;
	v12 =	vsub.f32 $0.0e+00, v12;
	(xrf2) =	vadd.scan.msk.f32 $0xffff, v16;
	v8 =	vxor.u32 $0x80000000, v17  }
0x198: {  	[tilespmem:v26+s24+$0x0] =	vst.idx.add.f32.msk vm3, v6;
	(xrf1) =	vsort.ascd.msk.u32 $0xffff, v13, v7;
	v16 =	vperm.xlane v8, v1;
	_, v17, _ =	vpop (xrf1)  }
0x199: {  	[tilespmem:v9+s24+$0x0] =	vst.idx.add.f32.msk vm2, v12;
	(xrf2) =	vadd.scan.msk.f32 $0xffff, v19;
	v19, v20, _ =	vpop (xrf1)  }
0x19a: {  	[tilespmem:v5+s22+$0x0] =	vst.idx.add.f32.msk vm5, v2;
	(xrf2) =	vadd.scan.msk.f32 $0xffff, v17;
	vm3 =	vne.s32 v8, v16;
	v6 =	vxor.u32 $0x80000000, v19  }
0x19b: {  	v7 =	vsub.f32 $0.0e+00, v10;
	[tilespmem:v14+s22+$0x0] =	vst.idx.add.f32.msk vm15, v3;
	v10, _, _ =	vpop (xrf2);
	vm13 =	vmor vm3, vm0;
	v9 =	vperm.xlane v6, v1  }
0x19c: {  	[tilespmem:v5+s23+$0x0] =	vst.idx.add.f32.msk vm5, v10;
	v10 =	vsub.f32 $0.0e+00, v10;
	vm2 =	vmand vm3, vm1  }
0x19d: {  	[tilespmem:v23+s24+$0x0] =	vst.idx.add.f32.msk vm4, v7;
	v12, _, _ =	vpop (xrf2);
	vm3 =	vne.s32 v6, v9  }
0x19e: {  	v7 =	vsub.f32 $0.0e+00, v12;
	[tilespmem:v14+s23+$0x0] =	vst.idx.add.f32.msk vm15, v10;
	vm4 =	vmor vm3, vm0  }
0x19f: {  	(xrf2) =	vadd.scan.msk.f32 $0xffff, v18;
	[tilespmem:v5+s24+$0x0] =	vst.idx.add.f32.msk vm5, v12;
	vm3 =	vmand vm3, vm1  }
0x1a0: {  	v5 =	vxor.u32 $0x80000000, v11;
	[tilespmem:v14+s24+$0x0] =	vst.idx.add.f32.msk vm15, v7  }
0x1a1: {  	(xrf2) =	vadd.scan.msk.f32 $0xffff, v20;
	v10 =	vperm.xlane v5, v1;
	[tilespmem:v8+s22+$0x0] =	vst.idx.add.f32.msk vm13, v2  }
0x1a2: {  	v7, _, _ =	vpop (xrf2);
	[tilespmem:v16+s22+$0x0] =	vst.idx.add.f32.msk vm2, v3  }
0x1a3: {  	vm5 =	vne.s32 v5, v10;
	(xrf2) =	vadd.scan.msk.f32 $0xffff, v15;
	v11, _, _ =	vpop (xrf2);
	[tilespmem:v8+s23+$0x0] =	vst.idx.add.f32.msk vm13, v7;
	v7 =	vsub.f32 $0.0e+00, v7  }
0x1a4: {  	vm14 =	vmor vm5, vm0;
	v12, _, _ =	vpop (xrf2);
	[tilespmem:v6+s22+$0x0] =	vst.idx.add.f32.msk vm4, v2  }
0x1a5: {  	vm5 =	vmand vm5, vm1;
	v13 =	vsub.f32 $0.0e+00, v12;
	[tilespmem:v9+s22+$0x0] =	vst.idx.add.f32.msk vm3, v3  }
0x1a6: {  	[tilespmem:v16+s23+$0x0] =	vst.idx.add.f32.msk vm2, v7  }
0x1a7: {  	v14, v15, _ =	vpop (xrf1);
	[tilespmem:v6+s23+$0x0] =	vst.idx.add.f32.msk vm4, v12  }
0x1a8: {  	v12 =	vxor.u32 $0x80000000, v14;
	[tilespmem:v8+s24+$0x0] =	vst.idx.add.f32.msk vm13, v11;
	_, v7, _ =	vpop (xrf1)  }
0x1a9: {  	[tilespmem:v9+s23+$0x0] =	vst.idx.add.f32.msk vm3, v13;
	v14 =	vperm.xlane v12, v1;
	v13, _, _ =	vpop (xrf2);
	(xrf2) =	vadd.scan.msk.f32 $0xffff, v7  }
0x1aa: {  	[tilespmem:v5+s22+$0x0] =	vst.idx.add.f32.msk vm14, v2  }
0x1ab: {  	[tilespmem:v10+s22+$0x0] =	vst.idx.add.f32.msk vm5, v3;
	vm15 =	vne.s32 v12, v14;
	v7, _, _ =	vpop (xrf2);
	(xrf2) =	vadd.scan.msk.f32 $0xffff, v15  }
0x1ac: {  	vm11 =	vmor vm15, vm0;
	[tilespmem:v6+s24+$0x0] =	vst.idx.add.f32.msk vm4, v7;
	v6 =	vsub.f32 $0.0e+00, v13  }
0x1ad: {  	[tilespmem:v5+s23+$0x0] =	vst.idx.add.f32.msk vm14, v13;
	vm4 =	vmand vm15, vm1;
	v8, _, _ =	vpop (xrf2)  }
0x1ae: {  	[tilespmem:v10+s23+$0x0] =	vst.idx.add.f32.msk vm5, v6;
	v6 =	vsub.f32 $0.0e+00, v8  }
0x1af: {  	[tilespmem:v5+s24+$0x0] =	vst.idx.add.f32.msk vm14, v8;
	v5 =	vsub.f32 $0.0e+00, v7  }
0x1b0: {  	[tilespmem:v10+s24+$0x0] =	vst.idx.add.f32.msk vm5, v6  }
0x1b1: {  	[tilespmem:v9+s24+$0x0] =	vst.idx.add.f32.msk vm3, v5  }
0x1b2: {  	v5 =	vsub.f32 $0.0e+00, v11;
	[tilespmem:v12+s22+$0x0] =	vst.idx.add.f32.msk vm11, v2  }
0x1b3: {  	[tilespmem:v14+s22+$0x0] =	vst.idx.add.f32.msk vm4, v3;
	v7, _, _ =	vpop (xrf2)  }
0x1b4: {  	[tilespmem:v16+s24+$0x0] =	vst.idx.add.f32.msk vm2, v5;
	v6 =	vsub.f32 $0.0e+00, v7  }
0x1b5: {  	[tilespmem:v12+s23+$0x0] =	vst.idx.add.f32.msk vm11, v7;
	v7, _, _ =	vpop (xrf2)  }
0x1b6: {  	v5 =	vsub.f32 $0.0e+00, v7;
	[tilespmem:v14+s23+$0x0] =	vst.idx.add.f32.msk vm4, v6  }
0x1b7: {  	[tilespmem:v12+s24+$0x0] =	vst.idx.add.f32.msk vm11, v7  }
0x1b8: {  	s0 =	simm.s32 $0x0;
	[tilespmem:v14+s24+$0x0] =	vst.idx.add.f32.msk vm4, v5  }
0x1b9: {  	[tilespmem:s19], [sflag:$0x2] =	stream.linear.gather [hbm4b:s10+s0], $0x4000, $0x38;
	[tilespmem:$0x1C080] =	vst v63  }
0x1ba: {  	_ = 	snop  }
0x1bb: {  	[tilespmem:s20], [sflag:$0x2] =	stream.linear.gather [hbm4b:s11+s0], $0x4000, $0x38;
	[tilespmem:$0x1C080] =	vst v63  }
0x1bc: {  	_ =	swait.ge [sflag:s21], $0x4000  }
0x1bd: {  	s1 =	simm.s32 $0x0;
	s28 =	simm.s32 $0x0;
	[sflag:s21] =	ssyncset.done $0x0  }
0x1be: {  	s1 =	sand.u32 $0x3000, s1;
	s29 =	sand.u32 $0xC00, s0;
	[sflag:s21] =	ssyncadd.s32 $0xFFFFC000  }
0x1bf: {  	s28 =	sand.u32 $0x380, s28;
	s1 =	sor.u32 s29, s1;
	_ =	swait.ge [sflag:s21], $0x4000  }
0x1c0: {  	s1 =	sor.u32 s28, s1;
	s0 =	sand.u32 $0x40, s0;
	[sflag:s21] =	ssyncset.done $0x0  }
0x1c1: {  	s0 =	sor.u32 s0, s1;
	[sflag:s21] =	ssyncadd.s32 $0xFFFFC000  }
0x1c2: {  	v5 =	vld [tilespmem:s0+$0x8020]  }
0x1c3: {  	v6 =	vld [tilespmem:s0+$0x20]  }
0x1c4: {  	v7 =	vld [tilespmem:s0+$0x10]  }
0x1c5: {  	v8 =	vld [tilespmem:s0+$0x8010];
	_ =	sdelay $0x2  }
0x1c6: {  	v10 =	vld [tilespmem:s0+$0x30];
	v9 =	vmul.f32 v5, v6  }
0x1c7: {  	v11 =	vld [tilespmem:s0+$0x8030]  }
0x1c8: {  	v6 =	vadd.f32 $1.000000000e+00, v6;
	v12 =	vmul.f32 v8, v7;
	v9 =	vadd.f32 v9, v9  }
0x1c9: {  	v7 =	vadd.f32 $1.000000000e+00, v7  }
0x1ca: {  	v6 =	vsub.f32 v6, v9;
	v9 =	vadd.f32 v12, v12;
	_ =	sdelay $0x1  }
0x1cb: {  	v12 =	vmul.f32 v11, v10;
	v6 =	vmax.f32 v6, $0.0e+00;
	v7 =	vsub.f32 v7, v9  }
0x1cc: {  	v9 =	vadd.f32 $1.000000000e+00, v10;
	v10 =	vsub.s32 v4, v6  }
0x1cd: {  	v12 =	vadd.f32 v12, v12;
	v10 =	vshra.s32 v10, $0xE;
	v7 =	vmax.f32 v7, $0.0e+00  }
0x1ce: {  	v10 =	vsub.s32 $0x3FFF, v10;
	v13 =	vsub.s32 v4, v7  }
0x1cf: {  	v9 =	vsub.f32 v9, v12;
	vm2 =	vgt.s32 v10, $0x0;
	v12 =	vshra.s32 v13, $0xE  }
0x1d0: {  	v10 =	vnsel vm2, $0x0, v10;
	v12 =	vsub.s32 $0x3FFF, v12  }
0x1d1: {  	v10 =	vmin.u32 v10, $0x3FFF;
	vm2 =	vgt.s32 v12, $0x0  }
0x1d2: {  	v9 =	vmax.f32 v9, $0.0e+00;
	v10 =	vor.u32 $0x80000000, v10;
	v12 =	vnsel vm2, $0x0, v12  }
0x1d3: {  	v13 =	vsub.s32 v4, v9;
	(xrf1) =	vsort.ascd.msk.u32 $0xffff, v10, v6;
	v6 =	vmin.u32 v12, $0x3FFF  }
0x1d4: {  	v13 =	vshra.s32 v13, $0xE;
	v6 =	vor.u32 $0x80000000, v6;
	(xrf1) =	vsort.ascd.msk.u32 $0xffff, v10, v5  }
0x1d5: {  	s31 =	simm.s32 $0x200;
	s1 =	simm.s32 $0x40;
	v12 =	vsub.s32 $0x3FFF, v13;
	(xrf1) =	vsort.ascd.msk.u32 $0xffff, v6, v8;
	v8 =	vld [tilespmem:s0+$0x8000]  }
0x1d6: {  	s28 =	simm.s32 $0x10;
	vm2 =	vgt.s32 v12, $0x0;
	(xrf1) =	vsort.ascd.msk.u32 $0xffff, v6, v7;
	v6 =	vld [tilespmem:s0+$0x0];
	s0 =	sand.u32 $0x3000, s1;
	s1 =	sand.u32 $0xC00, s31  }
0x1d7: {  	v5 =	vnsel vm2, $0x0, v12;
	s31 =	sand.u32 $0x380, s28;
	s28 =	simm.s32 $0x40;
	s0 =	sor.u32 s1, s0  }
0x1d8: {  	v5 =	vmin.u32 v5, $0x3FFF;
	s28 =	sand.u32 $0x40, s28;
	s0 =	sor.u32 s31, s0  }
0x1d9: {  	v5 =	vor.u32 $0x80000000, v5;
	s0 =	sor.u32 s28, s0  }
0x1da: {  	(xrf1) =	vsort.ascd.msk.u32 $0xffff, v5, v11;
	v7 =	vld [tilespmem:s0+$0x8020]  }
0x1db: {  	(xrf1) =	vsort.ascd.msk.u32 $0xffff, v5, v9;
	v9 =	vld [tilespmem:s0+$0x20];
	v5 =	vmul.f32 v8, v6  }
0x1dc: {  	v10 =	vld [tilespmem:s0+$0x10]  }
0x1dd: {  	v12 =	vld [tilespmem:s0+$0x8010];
	v6 =	vadd.f32 $1.000000000e+00, v6;
	v5 =	vadd.f32 v5, v5;
	_ =	sdelay $0x1  }
0x1de: {  	v5 =	vsub.f32 v6, v5;
	_ =	sdelay $0x1  }
0x1df: {  	v15 =	vld [tilespmem:s0+$0x8030];
	v13, v14, _ =	vpop (xrf1);
	v11 =	vmax.f32 v5, $0.0e+00;
	v5 =	vmul.f32 v7, v9  }
0x1e0: {  	v6 =	vld [tilespmem:s0+$0x30];
	v21 =	vmul.f32 v12, v10;
	_, v16, _ =	vpop (xrf1)  }
0x1e1: {  	v9 =	vadd.f32 $1.000000000e+00, v9;
	_, v18, _ =	vpop (xrf1);
	v5 =	vadd.f32 v5, v5  }
0x1e2: {  	v10 =	vadd.f32 $1.000000000e+00, v10;
	v21 =	vadd.f32 v21, v21;
	v17 =	vsub.s32 v4, v11;
	v19, v20, _ =	vpop (xrf1)  }
0x1e3: {  	v17 =	vshra.s32 v17, $0xE;
	v22 =	vxor.u32 $0x80000000, v19;
	v5 =	vsub.f32 v9, v5  }
0x1e4: {  	v17 =	vsub.s32 $0x3FFF, v17;
	(xrf2) =	vadd.scan.msk.f32 $0xffff, v18;
	v19 =	vperm.xlane v22, v1  }
0x1e5: {  	s31 =	simm.s32 $0x80;
	s28 =	simm.s32 $0x400;
	v10 =	vsub.f32 v10, v21;
	vm2 =	vgt.s32 v17, $0x0;
	v9 =	vmul.f32 v15, v6;
	(xrf2) =	vadd.scan.msk.f32 $0xffff, v20  }
0x1e6: {  	s29 =	simm.s32 $0x20;
	s1 =	sand.u32 $0x3000, s31;
	s30 =	sand.u32 $0xC00, s28;
	v6 =	vadd.f32 $1.000000000e+00, v6;
	v17 =	vnsel vm2, $0x0, v17;
	_, v18, _ =	vpop (xrf1);
	vm3 =	vne.s32 v22, v19  }
0x1e7: {  	s1 =	sor.u32 s30, s1;
	s30 =	sand.u32 $0x380, s29;
	s29 =	simm.s32 $0x80;
	v23 =	vmax.f32 v5, $0.0e+00;
	v9 =	vadd.f32 v9, v9;
	v5, v24, _ =	vpop (xrf1);
	vm2 =	vmor vm3, vm0  }
0x1e8: {  	v26 =	vld [tilespmem:s0+$0x0];
	s31 =	sand.u32 $0x40, s29;
	s1 =	sor.u32 s30, s1;
	(xrf2) =	vadd.scan.msk.f32 $0xffff, v18;
	vm4 =	vmand vm3, vm1;
	v20 =	vxor.u32 $0x80000000, v5;
	v5 =	vmin.u32 v17, $0x3FFF  }
0x1e9: {  	s30 =	sor.u32 s31, s1;
	v18 =	vsub.s32 v4, v23;
	v17 =	vor.u32 $0x80000000, v5;
	v5 =	vld [tilespmem:s0+$0x8000];
	v25 =	vperm.xlane v20, v1  }
0x1ea: {  	v31 =	vld [tilespmem:s30+$0x0];
	v13 =	vxor.u32 $0x80000000, v13;
	v9 =	vsub.f32 v6, v9;
	(xrf1) =	vsort.ascd.msk.u32 $0xffff, v17, v11;
	v11 =	vshra.s32 v18, $0xE  }
0x1eb: {  	v21 =	vld [tilespmem:s30+$0x30];
	v18 =	vsub.s32 $0x3FFF, v11;
	vm3 =	vne.s32 v20, v25;
	(xrf1) =	vsort.ascd.msk.u32 $0xffff, v17, v8;
	v8 =	vmax.f32 v10, $0.0e+00  }
0x1ec: {  	(xrf2) =	vadd.scan.msk.f32 $0xffff, v16;
	v11 =	vld [tilespmem:s30+$0x10];
	vm5 =	vgt.s32 v18, $0x0;
	vm12 =	vmor vm3, vm0;
	v10 =	vsub.s32 v4, v8  }
0x1ed: {  	v17 =	vnsel vm5, $0x0, v18;
	[tilespmem:v22+s22+$0x0] =	vst.idx.add.f32.msk vm2, v2;
	vm5 =	vmand vm3, vm1;
	v6 =	vshra.s32 v10, $0xE  }
0x1ee: {  	v18, _, _ =	vpop (xrf2);
	v10 =	vmin.u32 v17, $0x3FFF;
	[tilespmem:v19+s22+$0x0] =	vst.idx.add.f32.msk vm4, v3;
	v16 =	vsub.s32 $0x3FFF, v6;
	v17 =	vmul.f32 v5, v26  }
0x1ef: {  	v10 =	vor.u32 $0x80000000, v10;
	[tilespmem:v22+s23+$0x0] =	vst.idx.add.f32.msk vm2, v18;
	vm3 =	vgt.s32 v16, $0x0;
	v27, _, _ =	vpop (xrf2);
	(xrf2) =	vadd.scan.msk.f32 $0xffff, v24  }
0x1f0: {  	v6 =	vld [tilespmem:s30+$0x8010];
	(xrf1) =	vsort.ascd.msk.u32 $0xffff, v10, v23;
	v23 =	vadd.f32 $1.000000000e+00, v26;
	v26 =	vmax.f32 v9, $0.0e+00;
	v16 =	vnsel vm3, $0x0, v16  }
0x1f1: {  	v9 =	vld [tilespmem:s30+$0x8020];
	v17 =	vadd.f32 v17, v17;
	v24 =	vsub.s32 v4, v26;
	v16 =	vmin.u32 v16, $0x3FFF;
	(xrf1) =	vsort.ascd.msk.u32 $0xffff, v10, v7  }
0x1f2: {  	v28, _, _ =	vpop (xrf2);
	[tilespmem:v20+s22+$0x0] =	vst.idx.add.f32.msk vm12, v2;
	v16 =	vor.u32 $0x80000000, v16;
	v10 =	vshra.s32 v24, $0xE;
	v24 =	vperm.xlane v13, v1  }
0x1f3: {  	v7 =	vsub.f32 $0.0e+00, v28;
	[tilespmem:v25+s22+$0x0] =	vst.idx.add.f32.msk vm5, v3;
	(xrf1) =	vsort.ascd.msk.u32 $0xffff, v16, v12;
	v12 =	vsub.f32 v23, v17  }
0x1f4: {  	[tilespmem:v20+s23+$0x0] =	vst.idx.add.f32.msk vm12, v28;
	(xrf1) =	vsort.ascd.msk.u32 $0xffff, v16, v8;
	v8 =	vsub.f32 $0.0e+00, v18;
	vm13 =	vne.s32 v13, v24  }
0x1f5: {  	v10 =	vsub.s32 $0x3FFF, v10;
	v28 =	vld [tilespmem:s30+$0x20];
	v12 =	vmax.f32 v12, $0.0e+00;
	vm14 =	vmor vm13, vm0  }
0x1f6: {  	(xrf2) =	vadd.scan.msk.f32 $0xffff, v14;
	vm3 =	vgt.s32 v10, $0x0;
	[tilespmem:v19+s23+$0x0] =	vst.idx.add.f32.msk vm4, v8;
	v8 =	vsub.s32 v4, v12  }
0x1f7: {  	[tilespmem:v25+s23+$0x0] =	vst.idx.add.f32.msk vm5, v7;
	v14 =	vnsel vm3, $0x0, v10;
	vm7 =	vmand vm13, vm1  }
0x1f8: {  	v10 =	vld [tilespmem:s30+$0x8030];
	v14 =	vmin.u32 v14, $0x3FFF;
	v16, v23, _ =	vpop (xrf1)  }
0x1f9: {  	v7 =	vld [tilespmem:s30+$0x8000];
	v29 =	vor.u32 $0x80000000, v14;
	v17 =	vxor.u32 $0x80000000, v16;
	v16, _, _ =	vpop (xrf2)  }
0x1fa: {  	v30 =	vshra.s32 v8, $0xE;
	[tilespmem:v22+s24+$0x0] =	vst.idx.add.f32.msk vm2, v27;
	_, v8, _ =	vpop (xrf1);
	(xrf1) =	vsort.ascd.msk.u32 $0xffff, v29, v15  }
0x1fb: {  	v18 =	vperm.xlane v17, v1;
	(xrf2) =	vadd.scan.msk.f32 $0xffff, v8;
	v8, _, _ =	vpop (xrf2);
	[tilespmem:v13+s22+$0x0] =	vst.idx.add.f32.msk vm14, v2  }
0x1fc: {  	v32 =	vsub.f32 $0.0e+00, v27;
	v15 =	vsub.f32 $0.0e+00, v16;
	(xrf1) =	vsort.ascd.msk.u32 $0xffff, v29, v26;
	[tilespmem:v20+s24+$0x0] =	vst.idx.add.f32.msk vm12, v8  }
0x1fd: {  	vm9 =	vne.s32 v17, v18;
	(xrf2) =	vadd.scan.msk.f32 $0xffff, v23;
	v20 =	vmul.f32 v10, v21;
	[tilespmem:v24+s22+$0x0] =	vst.idx.add.f32.msk vm7, v3  }
0x1fe: {  	v23 =	vadd.f32 $1.000000000e+00, v21;
	v27 =	vsub.f32 $0.0e+00, v8;
	[tilespmem:v13+s23+$0x0] =	vst.idx.add.f32.msk vm14, v16;
	v16 =	vmul.f32 v7, v31  }
0x1ff: {  	v8 =	vmul.f32 v9, v28;
	v28 =	vadd.f32 $1.000000000e+00, v28;
	v21, v14, _ =	vpop (xrf1);
	v20 =	vadd.f32 v20, v20  }
0x200: {  	v29, _, _ =	vpop (xrf2);
	vm3 =	vmor vm9, vm0;
	v31 =	vadd.f32 $1.000000000e+00, v31;
	[tilespmem:v24+s23+$0x0] =	vst.idx.add.f32.msk vm7, v15;
	v15 =	vadd.f32 v16, v16  }
0x201: {  	vm2 =	vmand vm9, vm1;
	v26 =	vadd.f32 v8, v8;
	v8 =	vxor.u32 $0x80000000, v21;
	_, v21, _ =	vpop (xrf1)  }
0x202: {  	[tilespmem:v13+s24+$0x0] =	vst.idx.add.f32.msk vm14, v29;
	v16 =	vsub.f32 v23, v20;
	v23 =	vsub.s32 $0x3FFF, v30;
	_, v13, _ =	vpop (xrf1);
	v30 =	vsub.f32 v31, v15  }
0x203: {  	v22 =	vmul.f32 v6, v11;
	[tilespmem:v19+s24+$0x0] =	vst.idx.add.f32.msk vm4, v32;
	v26 =	vsub.f32 v28, v26;
	v28 =	vsub.f32 $0.0e+00, v29;
	v20, v29, _ =	vpop (xrf1)  }
0x204: {  	v16 =	vmax.f32 v16, $0.0e+00;
	(xrf2) =	vadd.scan.msk.f32 $0xffff, v13;
	v15 =	vxor.u32 $0x80000000, v20;
	v20 =	vmax.f32 v30, $0.0e+00  }
0x205: {  	[tilespmem:v25+s24+$0x0] =	vst.idx.add.f32.msk vm5, v27;
	vm15 =	vgt.s32 v23, $0x0;
	v13 =	vsub.s32 v4, v16;
	v30 =	vsub.s32 v4, v20  }
0x206: {  	v27 =	vnsel vm15, $0x0, v23;
	[tilespmem:v24+s24+$0x0] =	vst.idx.add.f32.msk vm7, v28;
	v13 =	vshra.s32 v13, $0xE  }
0x207: {  	v28 =	vadd.f32 v22, v22;
	[tilespmem:v17+s22+$0x0] =	vst.idx.add.f32.msk vm3, v2;
	(xrf2) =	vadd.scan.msk.f32 $0xffff, v29;
	v31, _, _ =	vpop (xrf2);
	v33 =	vsub.s32 $0x3FFF, v13  }
0x208: {  	[tilespmem:v18+s22+$0x0] =	vst.idx.add.f32.msk vm2, v3;
	v23 =	vperm.xlane v15, v1;
	v13 =	vshra.s32 v30, $0xE;
	v25, _, _ =	vpop (xrf2);
	vm5 =	vgt.s32 v33, $0x0  }
0x209: {  	s30 =	simm.s32 $0x8;
	[tilespmem:v17+s23+$0x0] =	vst.idx.add.f32.msk vm3, v31;
	v29 =	vsub.f32 $0.0e+00, v31;
	v24 =	vsub.f32 $0.0e+00, v25;
	v22 =	vnsel vm5, $0x0, v33;
	_, v30, _ =	vpop (xrf1)  }
.LBB2_8:
0x20a: {  	s30 =	sadd.s32 $0x4, s30;
	v26 =	vmax.f32 v26, $0.0e+00;
	v31, v32, _ =	vpop (xrf1);
	v19 =	vmov v23  }
0x20b: {  	s28 =	sadd.s32 $0x200, s28;
	s0 =	sshll.u32 s30, $0x4;
	s1 =	sshll.u32 s30, $0x2;
	vm4 =	vne.s32 v15, v19;
	v31 =	vxor.u32 $0x80000000, v31;
	(xrf2) =	vadd.scan.msk.f32 $0xffff, v30;
	[tilespmem:v18+s23+$0x0] =	vst.idx.add.f32.msk vm2, v29  }
0x20c: {  	v11 =	vadd.f32 $1.000000000e+00, v11;
	v23 =	vmin.u32 v27, $0x3FFF;
	s31 =	sand.u32 $0xC00, s28;
	p0 =	slt.u32 s30, $0x3FC;
	s0 =	sand.u32 $0x3000, s0;
	vm6 =	vmor vm4, vm0;
	[tilespmem:v17+s24+$0x0] =	vst.idx.add.f32.msk vm3, v25  }
0x20d: {  	s29 =	sadd.s32 $0x40, s29;
	s1 =	sand.u32 $0x380, s1;
	v17 =	vsub.s32 v4, v26;
	v25 =	vor.u32 $0x80000000, v23;
	vm4 =	vmand vm4, vm1;
	s0 =	sor.u32 s31, s0;
	[tilespmem:v18+s24+$0x0] =	vst.idx.add.f32.msk vm2, v24  }
0x20e: {  	v11 =	vsub.f32 v11, v28;
	v23 =	vperm.xlane v31, v1;
	s31 =	sand.u32 $0x40, s29;
	v17 =	vshra.s32 v17, $0xE;
	s0 =	sor.u32 s1, s0;
	(xrf1) =	vsort.ascd.msk.u32 $0xffff, v25, v12;
	v18, _, _ =	vpop (xrf2)  }
0x20f: {  	v17 =	vsub.s32 $0x3FFF, v17;
	v12 =	vmovc v20;
	s31 =	sor.u32 s31, s0;
	(xrf1) =	vsort.ascd.msk.u32 $0xffff, v25, v5;
	v5 =	vmov v7  }
0x210: {  	vm3 =	vne.s32 v31, v23;
	v7 =	vmax.f32 v11, $0.0e+00;
	vm2 =	vgt.s32 v17, $0x0;
	v20 =	vld [tilespmem:s31+$0x30];
	(xrf2) =	vadd.scan.msk.f32 $0xffff, v21  }
0x211: {  	v21 =	vsub.s32 v4, v7;
	v17 =	vnsel vm2, $0x0, v17;
	vm2 =	vmor vm3, vm0;
	v11 =	vld [tilespmem:s31+$0x10]  }
0x212: {  	v24 =	vsub.f32 $0.0e+00, v18;
	vm5 =	vmand vm3, vm1;
	v21 =	vshra.s32 v21, $0xE;
	[tilespmem:v15+s22+$0x0] =	vst.idx.add.f32.msk vm6, v2;
	v25, _, _ =	vpop (xrf2)  }
0x213: {  	v17 =	vmin.u32 v17, $0x3FFF;
	v21 =	vsub.s32 $0x3FFF, v21;
	[tilespmem:v19+s22+$0x0] =	vst.idx.add.f32.msk vm4, v3  }
0x214: {  	v17 =	vor.u32 $0x80000000, v17;
	vm3 =	vgt.s32 v21, $0x0;
	[tilespmem:v15+s23+$0x0] =	vst.idx.add.f32.msk vm6, v18  }
0x215: {  	v21 =	vnsel vm3, $0x0, v21;
	v18 =	vld [tilespmem:s31+$0x8010];
	(xrf1) =	vsort.ascd.msk.u32 $0xffff, v17, v26;
	v26, _, _ =	vpop (xrf2)  }
0x216: {  	v21 =	vmin.u32 v21, $0x3FFF;
	v27 =	vld [tilespmem:s31+$0x8020];
	(xrf2) =	vadd.scan.msk.f32 $0xffff, v32  }
0x217: {  	v21 =	vor.u32 $0x80000000, v21;
	(xrf1) =	vsort.ascd.msk.u32 $0xffff, v17, v9;
	[tilespmem:v31+s22+$0x0] =	vst.idx.add.f32.msk vm2, v2;
	v9 =	vsub.f32 $0.0e+00, v26  }
0x218: {  	v28 =	vperm.xlane v8, v1;
	(xrf1) =	vsort.ascd.msk.u32 $0xffff, v21, v6;
	[tilespmem:v23+s22+$0x0] =	vst.idx.add.f32.msk vm5, v3  }
0x219: {  	(xrf1) =	vsort.ascd.msk.u32 $0xffff, v21, v7;
	[tilespmem:v31+s23+$0x0] =	vst.idx.add.f32.msk vm2, v26  }
0x21a: {  	vm3 =	vne.s32 v8, v28;
	v32 =	vsub.f32 $0.0e+00, v25;
	[tilespmem:v23+s23+$0x0] =	vst.idx.add.f32.msk vm5, v9;
	(xrf2) =	vadd.scan.msk.f32 $0xffff, v14;
	v21, _, _ =	vpop (xrf2)  }
0x21b: {  	vm8 =	vmor vm3, vm0;
	v6 =	vmov v18;
	v7 =	vld [tilespmem:s31+$0x8000];
	v9 =	vmov v27  }
0x21c: {  	vm7 =	vmand vm3, vm1;
	v14 =	vld [tilespmem:s31+$0x8030];
	v17, v26, _ =	vpop (xrf1)  }
0x21d: {  	v18 =	vmin.u32 v22, $0x3FFF;
	v17 =	vxor.u32 $0x80000000, v17;
	[tilespmem:v19+s23+$0x0] =	vst.idx.add.f32.msk vm4, v24;
	_, v22, _ =	vpop (xrf1)  }
0x21e: {  	v29 =	vor.u32 $0x80000000, v18;
	v24 =	vmul.f32 v6, v11;
	v27 =	vld [tilespmem:s31+$0x20];
	v18 =	vperm.xlane v17, v1;
	(xrf2) =	vadd.scan.msk.f32 $0xffff, v22  }
0x21f: {  	v22 =	vld [tilespmem:s31+$0x0]  }
0x220: {  	(xrf1) =	vsort.ascd.msk.u32 $0xffff, v29, v10  }
0x221: {  	(xrf1) =	vsort.ascd.msk.u32 $0xffff, v29, v16  }
0x222: {  	vm9 =	vne.s32 v17, v18;
	[tilespmem:v15+s24+$0x0] =	vst.idx.add.f32.msk vm6, v25;
	v15 =	vsub.f32 $0.0e+00, v21;
	v16, _, _ =	vpop (xrf2);
	v25 =	vmul.f32 v14, v20  }
0x223: {  	vm3 =	vmor vm9, vm0;
	[tilespmem:v31+s24+$0x0] =	vst.idx.add.f32.msk vm2, v16;
	(xrf2) =	vadd.scan.msk.f32 $0xffff, v26;
	v10 =	vmovc v14;
	v20 =	vadd.f32 $1.000000000e+00, v20  }
0x224: {  	vm2 =	vmand vm9, vm1;
	v29 =	vsub.f32 $0.0e+00, v16;
	[tilespmem:v8+s22+$0x0] =	vst.idx.add.f32.msk vm8, v2;
	v30 =	vmul.f32 v7, v22  }
0x225: {  	v16 =	vmul.f32 v9, v27;
	v26 =	vadd.f32 $1.000000000e+00, v27;
	v27, v14, _ =	vpop (xrf1);
	[tilespmem:v28+s22+$0x0] =	vst.idx.add.f32.msk vm7, v3  }
0x226: {  	v33 =	vadd.f32 v25, v25;
	v27 =	vxor.u32 $0x80000000, v27;
	[tilespmem:v8+s23+$0x0] =	vst.idx.add.f32.msk vm8, v21;
	v31, _, _ =	vpop (xrf2)  }
0x227: {  	v22 =	vadd.f32 $1.000000000e+00, v22;
	v16 =	vadd.f32 v16, v16;
	_, v21, _ =	vpop (xrf1);
	[tilespmem:v28+s23+$0x0] =	vst.idx.add.f32.msk vm7, v15  }
0x228: {  	v20 =	vsub.f32 v20, v33;
	v15 =	vadd.f32 v30, v30;
	_, v25, _ =	vpop (xrf1);
	[tilespmem:v8+s24+$0x0] =	vst.idx.add.f32.msk vm8, v31;
	v8 =	vmov v27  }
0x229: {  	v13 =	vsub.s32 $0x3FFF, v13;
	v31 =	vsub.f32 $0.0e+00, v31;
	v26 =	vsub.f32 v26, v16;
	[tilespmem:v17+s22+$0x0] =	vst.idx.add.f32.msk vm3, v2;
	v27, v30, _ =	vpop (xrf1)  }
0x22a: {  	v16 =	vmax.f32 v20, $0.0e+00;
	v22 =	vsub.f32 v22, v15;
	(xrf2) =	vadd.scan.msk.f32 $0xffff, v25;
	[tilespmem:v18+s22+$0x0] =	vst.idx.add.f32.msk vm2, v3;
	v33, _, _ =	vpop (xrf2)  }
.Ltmp3:
0x22b: {  	vm6 =	vgt.s32 v13, $0x0;
	v34 =	vsub.s32 v4, v16;
	v15 =	vxor.u32 $0x80000000, v27;
	[tilespmem:v23+s24+$0x0] =	vst.idx.add.f32.msk vm5, v29;
	(pc) =	sbr.rel @p0 .LBB2_8-.Ltmp3, $4  }
0x22c: {  	v20 =	vmax.f32 v22, $0.0e+00;
	v22 =	vshra.s32 v34, $0xE;
	v27 =	vnsel vm6, $0x0, v13;
	[tilespmem:v28+s24+$0x0] =	vst.idx.add.f32.msk vm7, v31  }
0x22d: {  	v13 =	vsub.s32 v4, v20;
	v22 =	vsub.s32 $0x3FFF, v22;
	v23 =	vperm.xlane v15, v1;
	[tilespmem:v17+s23+$0x0] =	vst.idx.add.f32.msk vm3, v33;
	v25, _, _ =	vpop (xrf2)  }
0x22e: {  	v28 =	vadd.f32 v24, v24;
	vm5 =	vgt.s32 v22, $0x0;
	(xrf2) =	vadd.scan.msk.f32 $0xffff, v30;
	v24 =	vsub.f32 $0.0e+00, v25  }
0x22f: {  	v29 =	vsub.f32 $0.0e+00, v33;
	v13 =	vshra.s32 v13, $0xE;
	v22 =	vnsel vm5, $0x0, v22;
	_, v30, _ =	vpop (xrf1);
	[tilespmem:v19+s24+$0x0] =	vst.idx.add.f32.msk vm4, v32  }
0x230: {  	v11 =	vadd.f32 $1.000000000e+00, v11  }
0x231: {  	v19 =	vmax.f32 v26, $0.0e+00  }
0x232: {  	v26 =	vmin.u32 v27, $0x3FFF;
	v27 =	vsub.s32 v4, v19;
	v11 =	vsub.f32 v11, v28  }
0x233: {  	v26 =	vor.u32 $0x80000000, v26;
	v27 =	vshra.s32 v27, $0xE  }
0x234: {  	(xrf1) =	vsort.ascd.msk.u32 $0xffff, v26, v12;
	v12 =	vsub.s32 $0x3FFF, v27;
	v11 =	vmax.f32 v11, $0.0e+00  }
0x235: {  	(xrf2) =	vadd.scan.msk.f32 $0xffff, v30;
	vm5 =	vgt.s32 v12, $0x0;
	v31 =	vsub.s32 v4, v11  }
0x236: {  	vm4 =	vne.s32 v15, v23;
	v27, v28, _ =	vpop (xrf1);
	(xrf1) =	vsort.ascd.msk.u32 $0xffff, v26, v5;
	v5 =	vnsel vm5, $0x0, v12;
	v12 =	vshra.s32 v31, $0xE  }
0x237: {  	(xrf2) =	vadd.scan.msk.f32 $0xffff, v21;
	vm5 =	vmor vm4, vm0;
	vm4 =	vmand vm4, vm1;
	v12 =	vsub.s32 $0x3FFF, v12  }
0x238: {  	v27 =	vxor.u32 $0x80000000, v27;
	v5 =	vmin.u32 v5, $0x3FFF;
	(xrf2) =	vadd.scan.msk.f32 $0xffff, v28;
	vm6 =	vgt.s32 v12, $0x0  }
0x239: {  	v26 =	vperm.xlane v27, v1;
	v5 =	vor.u32 $0x80000000, v5;
	(xrf2) =	vadd.scan.msk.f32 $0xffff, v14;
	v12 =	vnsel vm6, $0x0, v12  }
0x23a: {  	(xrf1) =	vsort.ascd.msk.u32 $0xffff, v5, v19;
	v12 =	vmin.u32 v12, $0x3FFF  }
0x23b: {  	[tilespmem:v18+s23+$0x0] =	vst.idx.add.f32.msk vm2, v29;
	vm7 =	vne.s32 v27, v26;
	(xrf1) =	vsort.ascd.msk.u32 $0xffff, v5, v9;
	v12 =	vor.u32 $0x80000000, v12  }
0x23c: {  	[tilespmem:v17+s24+$0x0] =	vst.idx.add.f32.msk vm3, v25;
	vm13 =	vmor vm7, vm0;
	(xrf1) =	vsort.ascd.msk.u32 $0xffff, v12, v6  }
0x23d: {  	v5 =	vmin.u32 v22, $0x3FFF;
	[tilespmem:v15+s22+$0x0] =	vst.idx.add.f32.msk vm5, v2;
	(xrf1) =	vsort.ascd.msk.u32 $0xffff, v12, v11  }
0x23e: {  	v9 =	vperm.xlane v8, v1;
	vm3 =	vmand vm7, vm1;
	v5 =	vor.u32 $0x80000000, v5;
	v6, _, _ =	vpop (xrf2);
	[tilespmem:v23+s22+$0x0] =	vst.idx.add.f32.msk vm4, v3  }
0x23f: {  	[tilespmem:v15+s23+$0x0] =	vst.idx.add.f32.msk vm5, v6;
	v6 =	vsub.f32 $0.0e+00, v6;
	(xrf1) =	vsort.ascd.msk.u32 $0xffff, v5, v10  }
0x240: {  	[tilespmem:v18+s24+$0x0] =	vst.idx.add.f32.msk vm2, v24;
	vm2 =	vne.s32 v8, v9;
	(xrf1) =	vsort.ascd.msk.u32 $0xffff, v5, v16  }
0x241: {  	vm14 =	vmor vm2, vm0;
	v10, _, _ =	vpop (xrf2);
	[tilespmem:v23+s23+$0x0] =	vst.idx.add.f32.msk vm4, v6  }
0x242: {  	vm2 =	vmand vm2, vm1;
	v5, _, _ =	vpop (xrf2);
	[tilespmem:v27+s22+$0x0] =	vst.idx.add.f32.msk vm13, v2  }
0x243: {  	v11, v12, _ =	vpop (xrf1);
	[tilespmem:v15+s24+$0x0] =	vst.idx.add.f32.msk vm5, v10  }
0x244: {  	v14 =	vsub.f32 $0.0e+00, v5;
	v16, _, _ =	vpop (xrf2);
	[tilespmem:v26+s22+$0x0] =	vst.idx.add.f32.msk vm3, v3  }
0x245: {  	[tilespmem:v27+s23+$0x0] =	vst.idx.add.f32.msk vm13, v5;
	v5 =	vxor.u32 $0x80000000, v11;
	_, v11, _ =	vpop (xrf1)  }
0x246: {  	v13 =	vsub.s32 $0x3FFF, v13;
	v6, _, _ =	vpop (xrf2);
	[tilespmem:v26+s23+$0x0] =	vst.idx.add.f32.msk vm3, v14;
	v14 =	vperm.xlane v5, v1;
	(xrf2) =	vadd.scan.msk.f32 $0xffff, v11  }
0x247: {  	vm12 =	vgt.s32 v13, $0x0;
	v17 =	vsub.f32 $0.0e+00, v16;
	[tilespmem:v8+s22+$0x0] =	vst.idx.add.f32.msk vm14, v2;
	(xrf2) =	vadd.scan.msk.f32 $0xffff, v12;
	v12, _, _ =	vpop (xrf2)  }
0x248: {  	v13 =	vnsel vm12, $0x0, v13;
	[tilespmem:v9+s22+$0x0] =	vst.idx.add.f32.msk vm2, v3;
	vm8 =	vne.s32 v5, v14;
	v11, v15, _ =	vpop (xrf1)  }
0x249: {  	v13 =	vmin.u32 v13, $0x3FFF;
	[tilespmem:v27+s24+$0x0] =	vst.idx.add.f32.msk vm13, v6;
	vm5 =	vmor vm8, vm0;
	_, v18, _ =	vpop (xrf1)  }
0x24a: {  	v13 =	vor.u32 $0x80000000, v13;
	[tilespmem:v8+s23+$0x0] =	vst.idx.add.f32.msk vm14, v16;
	vm15 =	vmand vm8, vm1;
	_, v16, _ =	vpop (xrf1)  }
0x24b: {  	v6 =	vsub.f32 $0.0e+00, v6;
	[tilespmem:v9+s23+$0x0] =	vst.idx.add.f32.msk vm2, v17;
	(xrf1) =	vsort.ascd.msk.u32 $0xffff, v13, v20;
	v17, v19, _ =	vpop (xrf1)  }
0x24c: {  	[tilespmem:v8+s24+$0x0] =	vst.idx.add.f32.msk vm14, v12;
	v12 =	vsub.f32 $0.0e+00, v12;
	(xrf2) =	vadd.scan.msk.f32 $0xffff, v16;
	v8 =	vxor.u32 $0x80000000, v17  }
0x24d: {  	[tilespmem:v26+s24+$0x0] =	vst.idx.add.f32.msk vm3, v6;
	(xrf1) =	vsort.ascd.msk.u32 $0xffff, v13, v7;
	v16 =	vperm.xlane v8, v1;
	_, v17, _ =	vpop (xrf1)  }
0x24e: {  	[tilespmem:v9+s24+$0x0] =	vst.idx.add.f32.msk vm2, v12;
	(xrf2) =	vadd.scan.msk.f32 $0xffff, v19;
	v19, v20, _ =	vpop (xrf1)  }
0x24f: {  	[tilespmem:v5+s22+$0x0] =	vst.idx.add.f32.msk vm5, v2;
	(xrf2) =	vadd.scan.msk.f32 $0xffff, v17;
	vm3 =	vne.s32 v8, v16;
	v6 =	vxor.u32 $0x80000000, v19  }
0x250: {  	v7 =	vsub.f32 $0.0e+00, v10;
	[tilespmem:v14+s22+$0x0] =	vst.idx.add.f32.msk vm15, v3;
	v10, _, _ =	vpop (xrf2);
	vm13 =	vmor vm3, vm0;
	v9 =	vperm.xlane v6, v1  }
0x251: {  	[tilespmem:v5+s23+$0x0] =	vst.idx.add.f32.msk vm5, v10;
	v10 =	vsub.f32 $0.0e+00, v10;
	vm2 =	vmand vm3, vm1  }
0x252: {  	[tilespmem:v23+s24+$0x0] =	vst.idx.add.f32.msk vm4, v7;
	v12, _, _ =	vpop (xrf2);
	vm3 =	vne.s32 v6, v9  }
0x253: {  	v7 =	vsub.f32 $0.0e+00, v12;
	[tilespmem:v14+s23+$0x0] =	vst.idx.add.f32.msk vm15, v10;
	vm4 =	vmor vm3, vm0  }
0x254: {  	(xrf2) =	vadd.scan.msk.f32 $0xffff, v18;
	[tilespmem:v5+s24+$0x0] =	vst.idx.add.f32.msk vm5, v12;
	vm3 =	vmand vm3, vm1  }
0x255: {  	v5 =	vxor.u32 $0x80000000, v11;
	[tilespmem:v14+s24+$0x0] =	vst.idx.add.f32.msk vm15, v7  }
0x256: {  	(xrf2) =	vadd.scan.msk.f32 $0xffff, v20;
	v10 =	vperm.xlane v5, v1;
	[tilespmem:v8+s22+$0x0] =	vst.idx.add.f32.msk vm13, v2  }
0x257: {  	v7, _, _ =	vpop (xrf2);
	[tilespmem:v16+s22+$0x0] =	vst.idx.add.f32.msk vm2, v3  }
0x258: {  	vm5 =	vne.s32 v5, v10;
	(xrf2) =	vadd.scan.msk.f32 $0xffff, v15;
	v11, _, _ =	vpop (xrf2);
	[tilespmem:v8+s23+$0x0] =	vst.idx.add.f32.msk vm13, v7;
	v7 =	vsub.f32 $0.0e+00, v7  }
0x259: {  	vm14 =	vmor vm5, vm0;
	v12, _, _ =	vpop (xrf2);
	[tilespmem:v6+s22+$0x0] =	vst.idx.add.f32.msk vm4, v2  }
0x25a: {  	vm5 =	vmand vm5, vm1;
	v13 =	vsub.f32 $0.0e+00, v12;
	[tilespmem:v9+s22+$0x0] =	vst.idx.add.f32.msk vm3, v3  }
0x25b: {  	[tilespmem:v16+s23+$0x0] =	vst.idx.add.f32.msk vm2, v7  }
0x25c: {  	v14, v15, _ =	vpop (xrf1);
	[tilespmem:v6+s23+$0x0] =	vst.idx.add.f32.msk vm4, v12  }
0x25d: {  	v12 =	vxor.u32 $0x80000000, v14;
	[tilespmem:v8+s24+$0x0] =	vst.idx.add.f32.msk vm13, v11;
	_, v7, _ =	vpop (xrf1)  }
0x25e: {  	[tilespmem:v9+s23+$0x0] =	vst.idx.add.f32.msk vm3, v13;
	v14 =	vperm.xlane v12, v1;
	v13, _, _ =	vpop (xrf2);
	(xrf2) =	vadd.scan.msk.f32 $0xffff, v7  }
0x25f: {  	[tilespmem:v5+s22+$0x0] =	vst.idx.add.f32.msk vm14, v2  }
0x260: {  	[tilespmem:v10+s22+$0x0] =	vst.idx.add.f32.msk vm5, v3;
	vm15 =	vne.s32 v12, v14;
	v7, _, _ =	vpop (xrf2);
	(xrf2) =	vadd.scan.msk.f32 $0xffff, v15  }
0x261: {  	vm11 =	vmor vm15, vm0;
	[tilespmem:v6+s24+$0x0] =	vst.idx.add.f32.msk vm4, v7;
	v6 =	vsub.f32 $0.0e+00, v13  }
0x262: {  	[tilespmem:v5+s23+$0x0] =	vst.idx.add.f32.msk vm14, v13;
	vm4 =	vmand vm15, vm1;
	v8, _, _ =	vpop (xrf2)  }
0x263: {  	[tilespmem:v10+s23+$0x0] =	vst.idx.add.f32.msk vm5, v6;
	v6 =	vsub.f32 $0.0e+00, v8  }
0x264: {  	[tilespmem:v5+s24+$0x0] =	vst.idx.add.f32.msk vm14, v8;
	v5 =	vsub.f32 $0.0e+00, v7  }
0x265: {  	[tilespmem:v10+s24+$0x0] =	vst.idx.add.f32.msk vm5, v6  }
0x266: {  	[tilespmem:v9+s24+$0x0] =	vst.idx.add.f32.msk vm3, v5  }
0x267: {  	v5 =	vsub.f32 $0.0e+00, v11;
	[tilespmem:v12+s22+$0x0] =	vst.idx.add.f32.msk vm11, v2  }
0x268: {  	[tilespmem:v14+s22+$0x0] =	vst.idx.add.f32.msk vm4, v3;
	v7, _, _ =	vpop (xrf2)  }
0x269: {  	[tilespmem:v16+s24+$0x0] =	vst.idx.add.f32.msk vm2, v5;
	v6 =	vsub.f32 $0.0e+00, v7  }
0x26a: {  	[tilespmem:v12+s23+$0x0] =	vst.idx.add.f32.msk vm11, v7;
	v7, _, _ =	vpop (xrf2)  }
0x26b: {  	v5 =	vsub.f32 $0.0e+00, v7;
	[tilespmem:v14+s23+$0x0] =	vst.idx.add.f32.msk vm4, v6  }
0x26c: {  	[tilespmem:v12+s24+$0x0] =	vst.idx.add.f32.msk vm11, v7  }
0x26d: {  	[tilespmem:v14+s24+$0x0] =	vst.idx.add.f32.msk vm4, v5  }
0x26e: {  	s0 =	simm.s32 $0x0;
	_ =	swait.ge [sflag:s25], $0x4000  }
0x26f: {  	s1 =	simm.s32 $0x0;
	s28 =	simm.s32 $0x0;
	[sflag:s25] =	ssyncset.done $0x0  }
0x270: {  	s1 =	sand.u32 $0x3000, s1;
	s29 =	sand.u32 $0xC00, s0;
	[sflag:s25] =	ssyncadd.s32 $0xFFFFC000  }
0x271: {  	s28 =	sand.u32 $0x380, s28;
	s1 =	sor.u32 s29, s1;
	_ =	swait.ge [sflag:s25], $0x4000  }
0x272: {  	s0 =	sand.u32 $0x40, s0;
	s1 =	sor.u32 s28, s1;
	[sflag:s25] =	ssyncset.done $0x0  }
0x273: {  	s0 =	sor.u32 s0, s1;
	[sflag:s25] =	ssyncadd.s32 $0xFFFFC000  }
0x274: {  	v5 =	vld [tilespmem:s0+$0xC020]  }
0x275: {  	v6 =	vld [tilespmem:s0+$0x4020]  }
0x276: {  	v7 =	vld [tilespmem:s0+$0x4010]  }
0x277: {  	v8 =	vld [tilespmem:s0+$0xC010];
	_ =	sdelay $0x2  }
0x278: {  	v10 =	vld [tilespmem:s0+$0x4030];
	v9 =	vmul.f32 v5, v6  }
0x279: {  	v11 =	vld [tilespmem:s0+$0xC030]  }
0x27a: {  	v6 =	vadd.f32 $1.000000000e+00, v6;
	v12 =	vmul.f32 v8, v7;
	v9 =	vadd.f32 v9, v9  }
0x27b: {  	v7 =	vadd.f32 $1.000000000e+00, v7  }
0x27c: {  	v6 =	vsub.f32 v6, v9;
	v9 =	vadd.f32 v12, v12;
	_ =	sdelay $0x1  }
0x27d: {  	v12 =	vmul.f32 v11, v10;
	v6 =	vmax.f32 v6, $0.0e+00;
	v7 =	vsub.f32 v7, v9  }
0x27e: {  	v9 =	vadd.f32 $1.000000000e+00, v10;
	v10 =	vsub.s32 v4, v6  }
0x27f: {  	v12 =	vadd.f32 v12, v12;
	v10 =	vshra.s32 v10, $0xE;
	v7 =	vmax.f32 v7, $0.0e+00  }
0x280: {  	v10 =	vsub.s32 $0x3FFF, v10;
	v13 =	vsub.s32 v4, v7  }
0x281: {  	v9 =	vsub.f32 v9, v12;
	vm2 =	vgt.s32 v10, $0x0;
	v12 =	vshra.s32 v13, $0xE  }
0x282: {  	v10 =	vnsel vm2, $0x0, v10;
	v12 =	vsub.s32 $0x3FFF, v12  }
0x283: {  	v10 =	vmin.u32 v10, $0x3FFF;
	vm2 =	vgt.s32 v12, $0x0  }
0x284: {  	v9 =	vmax.f32 v9, $0.0e+00;
	v10 =	vor.u32 $0x80000000, v10;
	v12 =	vnsel vm2, $0x0, v12  }
0x285: {  	v13 =	vsub.s32 v4, v9;
	(xrf1) =	vsort.ascd.msk.u32 $0xffff, v10, v6;
	v6 =	vmin.u32 v12, $0x3FFF  }
0x286: {  	v13 =	vshra.s32 v13, $0xE;
	v6 =	vor.u32 $0x80000000, v6;
	(xrf1) =	vsort.ascd.msk.u32 $0xffff, v10, v5  }
0x287: {  	s31 =	simm.s32 $0x200;
	s1 =	simm.s32 $0x40;
	v12 =	vsub.s32 $0x3FFF, v13;
	(xrf1) =	vsort.ascd.msk.u32 $0xffff, v6, v8;
	v8 =	vld [tilespmem:s0+$0xC000]  }
0x288: {  	s28 =	simm.s32 $0x10;
	vm2 =	vgt.s32 v12, $0x0;
	(xrf1) =	vsort.ascd.msk.u32 $0xffff, v6, v7;
	v6 =	vld [tilespmem:s0+$0x4000];
	s0 =	sand.u32 $0x3000, s1;
	s1 =	sand.u32 $0xC00, s31  }
0x289: {  	v5 =	vnsel vm2, $0x0, v12;
	s31 =	sand.u32 $0x380, s28;
	s28 =	simm.s32 $0x40;
	s0 =	sor.u32 s1, s0  }
0x28a: {  	v5 =	vmin.u32 v5, $0x3FFF;
	s28 =	sand.u32 $0x40, s28;
	s0 =	sor.u32 s31, s0  }
0x28b: {  	v5 =	vor.u32 $0x80000000, v5;
	s0 =	sor.u32 s28, s0  }
0x28c: {  	(xrf1) =	vsort.ascd.msk.u32 $0xffff, v5, v11;
	v7 =	vld [tilespmem:s0+$0xC020]  }
0x28d: {  	(xrf1) =	vsort.ascd.msk.u32 $0xffff, v5, v9;
	v9 =	vld [tilespmem:s0+$0x4020];
	v5 =	vmul.f32 v8, v6  }
0x28e: {  	v10 =	vld [tilespmem:s0+$0x4010]  }
0x28f: {  	v12 =	vld [tilespmem:s0+$0xC010];
	v6 =	vadd.f32 $1.000000000e+00, v6;
	v5 =	vadd.f32 v5, v5;
	_ =	sdelay $0x1  }
0x290: {  	v5 =	vsub.f32 v6, v5;
	_ =	sdelay $0x1  }
0x291: {  	v15 =	vld [tilespmem:s0+$0xC030];
	v13, v14, _ =	vpop (xrf1);
	v11 =	vmax.f32 v5, $0.0e+00;
	v5 =	vmul.f32 v7, v9  }
0x292: {  	v6 =	vld [tilespmem:s0+$0x4030];
	v21 =	vmul.f32 v12, v10;
	_, v16, _ =	vpop (xrf1)  }
0x293: {  	v9 =	vadd.f32 $1.000000000e+00, v9;
	_, v18, _ =	vpop (xrf1);
	v5 =	vadd.f32 v5, v5  }
0x294: {  	v10 =	vadd.f32 $1.000000000e+00, v10;
	v21 =	vadd.f32 v21, v21;
	v17 =	vsub.s32 v4, v11;
	v19, v20, _ =	vpop (xrf1)  }
0x295: {  	v17 =	vshra.s32 v17, $0xE;
	v22 =	vxor.u32 $0x80000000, v19;
	v5 =	vsub.f32 v9, v5  }
0x296: {  	v17 =	vsub.s32 $0x3FFF, v17;
	(xrf2) =	vadd.scan.msk.f32 $0xffff, v18;
	v19 =	vperm.xlane v22, v1  }
0x297: {  	s31 =	simm.s32 $0x80;
	s28 =	simm.s32 $0x400;
	v10 =	vsub.f32 v10, v21;
	vm2 =	vgt.s32 v17, $0x0;
	v9 =	vmul.f32 v15, v6;
	(xrf2) =	vadd.scan.msk.f32 $0xffff, v20  }
0x298: {  	s29 =	simm.s32 $0x20;
	s1 =	sand.u32 $0x3000, s31;
	s30 =	sand.u32 $0xC00, s28;
	v6 =	vadd.f32 $1.000000000e+00, v6;
	v17 =	vnsel vm2, $0x0, v17;
	_, v18, _ =	vpop (xrf1);
	vm3 =	vne.s32 v22, v19  }
0x299: {  	s1 =	sor.u32 s30, s1;
	s30 =	sand.u32 $0x380, s29;
	s29 =	simm.s32 $0x80;
	v23 =	vmax.f32 v5, $0.0e+00;
	v9 =	vadd.f32 v9, v9;
	v5, v24, _ =	vpop (xrf1);
	vm2 =	vmor vm3, vm0  }
0x29a: {  	v26 =	vld [tilespmem:s0+$0x4000];
	s31 =	sand.u32 $0x40, s29;
	s1 =	sor.u32 s30, s1;
	(xrf2) =	vadd.scan.msk.f32 $0xffff, v18;
	vm4 =	vmand vm3, vm1;
	v20 =	vxor.u32 $0x80000000, v5;
	v5 =	vmin.u32 v17, $0x3FFF  }
0x29b: {  	s30 =	sor.u32 s31, s1;
	v18 =	vsub.s32 v4, v23;
	v17 =	vor.u32 $0x80000000, v5;
	v5 =	vld [tilespmem:s0+$0xC000];
	v25 =	vperm.xlane v20, v1  }
0x29c: {  	v31 =	vld [tilespmem:s30+$0x4000];
	v13 =	vxor.u32 $0x80000000, v13;
	v9 =	vsub.f32 v6, v9;
	(xrf1) =	vsort.ascd.msk.u32 $0xffff, v17, v11;
	v11 =	vshra.s32 v18, $0xE  }
0x29d: {  	v21 =	vld [tilespmem:s30+$0x4030];
	v18 =	vsub.s32 $0x3FFF, v11;
	vm3 =	vne.s32 v20, v25;
	(xrf1) =	vsort.ascd.msk.u32 $0xffff, v17, v8;
	v8 =	vmax.f32 v10, $0.0e+00  }
0x29e: {  	(xrf2) =	vadd.scan.msk.f32 $0xffff, v16;
	v11 =	vld [tilespmem:s30+$0x4010];
	vm5 =	vgt.s32 v18, $0x0;
	vm12 =	vmor vm3, vm0;
	v10 =	vsub.s32 v4, v8  }
0x29f: {  	v17 =	vnsel vm5, $0x0, v18;
	[tilespmem:v22+s22+$0x0] =	vst.idx.add.f32.msk vm2, v2;
	vm5 =	vmand vm3, vm1;
	v6 =	vshra.s32 v10, $0xE  }
0x2a0: {  	v18, _, _ =	vpop (xrf2);
	v10 =	vmin.u32 v17, $0x3FFF;
	[tilespmem:v19+s22+$0x0] =	vst.idx.add.f32.msk vm4, v3;
	v16 =	vsub.s32 $0x3FFF, v6;
	v17 =	vmul.f32 v5, v26  }
0x2a1: {  	v10 =	vor.u32 $0x80000000, v10;
	[tilespmem:v22+s23+$0x0] =	vst.idx.add.f32.msk vm2, v18;
	vm3 =	vgt.s32 v16, $0x0;
	v27, _, _ =	vpop (xrf2);
	(xrf2) =	vadd.scan.msk.f32 $0xffff, v24  }
0x2a2: {  	v6 =	vld [tilespmem:s30+$0xC010];
	(xrf1) =	vsort.ascd.msk.u32 $0xffff, v10, v23;
	v23 =	vadd.f32 $1.000000000e+00, v26;
	v26 =	vmax.f32 v9, $0.0e+00;
	v16 =	vnsel vm3, $0x0, v16  }
0x2a3: {  	v9 =	vld [tilespmem:s30+$0xC020];
	v17 =	vadd.f32 v17, v17;
	v24 =	vsub.s32 v4, v26;
	v16 =	vmin.u32 v16, $0x3FFF;
	(xrf1) =	vsort.ascd.msk.u32 $0xffff, v10, v7  }
0x2a4: {  	v28, _, _ =	vpop (xrf2);
	[tilespmem:v20+s22+$0x0] =	vst.idx.add.f32.msk vm12, v2;
	v16 =	vor.u32 $0x80000000, v16;
	v10 =	vshra.s32 v24, $0xE;
	v24 =	vperm.xlane v13, v1  }
0x2a5: {  	v7 =	vsub.f32 $0.0e+00, v28;
	[tilespmem:v25+s22+$0x0] =	vst.idx.add.f32.msk vm5, v3;
	(xrf1) =	vsort.ascd.msk.u32 $0xffff, v16, v12;
	v12 =	vsub.f32 v23, v17  }
0x2a6: {  	[tilespmem:v20+s23+$0x0] =	vst.idx.add.f32.msk vm12, v28;
	(xrf1) =	vsort.ascd.msk.u32 $0xffff, v16, v8;
	v8 =	vsub.f32 $0.0e+00, v18;
	vm13 =	vne.s32 v13, v24  }
0x2a7: {  	v10 =	vsub.s32 $0x3FFF, v10;
	v28 =	vld [tilespmem:s30+$0x4020];
	v12 =	vmax.f32 v12, $0.0e+00;
	vm14 =	vmor vm13, vm0  }
0x2a8: {  	(xrf2) =	vadd.scan.msk.f32 $0xffff, v14;
	vm3 =	vgt.s32 v10, $0x0;
	[tilespmem:v19+s23+$0x0] =	vst.idx.add.f32.msk vm4, v8;
	v8 =	vsub.s32 v4, v12  }
0x2a9: {  	[tilespmem:v25+s23+$0x0] =	vst.idx.add.f32.msk vm5, v7;
	v14 =	vnsel vm3, $0x0, v10;
	vm7 =	vmand vm13, vm1  }
0x2aa: {  	v10 =	vld [tilespmem:s30+$0xC030];
	v14 =	vmin.u32 v14, $0x3FFF;
	v16, v23, _ =	vpop (xrf1)  }
0x2ab: {  	v7 =	vld [tilespmem:s30+$0xC000];
	v29 =	vor.u32 $0x80000000, v14;
	v17 =	vxor.u32 $0x80000000, v16;
	v16, _, _ =	vpop (xrf2)  }
0x2ac: {  	v30 =	vshra.s32 v8, $0xE;
	[tilespmem:v22+s24+$0x0] =	vst.idx.add.f32.msk vm2, v27;
	_, v8, _ =	vpop (xrf1);
	(xrf1) =	vsort.ascd.msk.u32 $0xffff, v29, v15  }
0x2ad: {  	v18 =	vperm.xlane v17, v1;
	(xrf2) =	vadd.scan.msk.f32 $0xffff, v8;
	v8, _, _ =	vpop (xrf2);
	[tilespmem:v13+s22+$0x0] =	vst.idx.add.f32.msk vm14, v2  }
0x2ae: {  	v32 =	vsub.f32 $0.0e+00, v27;
	v15 =	vsub.f32 $0.0e+00, v16;
	(xrf1) =	vsort.ascd.msk.u32 $0xffff, v29, v26;
	[tilespmem:v20+s24+$0x0] =	vst.idx.add.f32.msk vm12, v8  }
0x2af: {  	vm9 =	vne.s32 v17, v18;
	(xrf2) =	vadd.scan.msk.f32 $0xffff, v23;
	v20 =	vmul.f32 v10, v21;
	[tilespmem:v24+s22+$0x0] =	vst.idx.add.f32.msk vm7, v3  }
0x2b0: {  	v23 =	vadd.f32 $1.000000000e+00, v21;
	v27 =	vsub.f32 $0.0e+00, v8;
	[tilespmem:v13+s23+$0x0] =	vst.idx.add.f32.msk vm14, v16;
	v16 =	vmul.f32 v7, v31  }
0x2b1: {  	v8 =	vmul.f32 v9, v28;
	v28 =	vadd.f32 $1.000000000e+00, v28;
	v21, v14, _ =	vpop (xrf1);
	v20 =	vadd.f32 v20, v20  }
0x2b2: {  	v29, _, _ =	vpop (xrf2);
	vm3 =	vmor vm9, vm0;
	v31 =	vadd.f32 $1.000000000e+00, v31;
	[tilespmem:v24+s23+$0x0] =	vst.idx.add.f32.msk vm7, v15;
	v15 =	vadd.f32 v16, v16  }
0x2b3: {  	vm2 =	vmand vm9, vm1;
	v26 =	vadd.f32 v8, v8;
	v8 =	vxor.u32 $0x80000000, v21;
	_, v21, _ =	vpop (xrf1)  }
0x2b4: {  	[tilespmem:v13+s24+$0x0] =	vst.idx.add.f32.msk vm14, v29;
	v16 =	vsub.f32 v23, v20;
	v23 =	vsub.s32 $0x3FFF, v30;
	_, v13, _ =	vpop (xrf1);
	v30 =	vsub.f32 v31, v15  }
0x2b5: {  	v22 =	vmul.f32 v6, v11;
	[tilespmem:v19+s24+$0x0] =	vst.idx.add.f32.msk vm4, v32;
	v26 =	vsub.f32 v28, v26;
	v28 =	vsub.f32 $0.0e+00, v29;
	v20, v29, _ =	vpop (xrf1)  }
0x2b6: {  	v16 =	vmax.f32 v16, $0.0e+00;
	(xrf2) =	vadd.scan.msk.f32 $0xffff, v13;
	v15 =	vxor.u32 $0x80000000, v20;
	v20 =	vmax.f32 v30, $0.0e+00  }
0x2b7: {  	[tilespmem:v25+s24+$0x0] =	vst.idx.add.f32.msk vm5, v27;
	vm15 =	vgt.s32 v23, $0x0;
	v13 =	vsub.s32 v4, v16;
	v30 =	vsub.s32 v4, v20  }
0x2b8: {  	v27 =	vnsel vm15, $0x0, v23;
	[tilespmem:v24+s24+$0x0] =	vst.idx.add.f32.msk vm7, v28;
	v13 =	vshra.s32 v13, $0xE  }
0x2b9: {  	v28 =	vadd.f32 v22, v22;
	[tilespmem:v17+s22+$0x0] =	vst.idx.add.f32.msk vm3, v2;
	(xrf2) =	vadd.scan.msk.f32 $0xffff, v29;
	v31, _, _ =	vpop (xrf2);
	v33 =	vsub.s32 $0x3FFF, v13  }
0x2ba: {  	[tilespmem:v18+s22+$0x0] =	vst.idx.add.f32.msk vm2, v3;
	v23 =	vperm.xlane v15, v1;
	v13 =	vshra.s32 v30, $0xE;
	v25, _, _ =	vpop (xrf2);
	vm5 =	vgt.s32 v33, $0x0  }
0x2bb: {  	s30 =	simm.s32 $0x8;
	[tilespmem:v17+s23+$0x0] =	vst.idx.add.f32.msk vm3, v31;
	v29 =	vsub.f32 $0.0e+00, v31;
	v24 =	vsub.f32 $0.0e+00, v25;
	v22 =	vnsel vm5, $0x0, v33;
	_, v30, _ =	vpop (xrf1)  }
.LBB2_10:
0x2bc: {  	s30 =	sadd.s32 $0x4, s30;
	v26 =	vmax.f32 v26, $0.0e+00;
	v31, v32, _ =	vpop (xrf1);
	v19 =	vmov v23  }
0x2bd: {  	s28 =	sadd.s32 $0x200, s28;
	s0 =	sshll.u32 s30, $0x4;
	s1 =	sshll.u32 s30, $0x2;
	vm4 =	vne.s32 v15, v19;
	v31 =	vxor.u32 $0x80000000, v31;
	(xrf2) =	vadd.scan.msk.f32 $0xffff, v30;
	[tilespmem:v18+s23+$0x0] =	vst.idx.add.f32.msk vm2, v29  }
0x2be: {  	v11 =	vadd.f32 $1.000000000e+00, v11;
	v23 =	vmin.u32 v27, $0x3FFF;
	s31 =	sand.u32 $0xC00, s28;
	p0 =	slt.u32 s30, $0x3FC;
	s0 =	sand.u32 $0x3000, s0;
	vm6 =	vmor vm4, vm0;
	[tilespmem:v17+s24+$0x0] =	vst.idx.add.f32.msk vm3, v25  }
0x2bf: {  	s29 =	sadd.s32 $0x40, s29;
	s1 =	sand.u32 $0x380, s1;
	v17 =	vsub.s32 v4, v26;
	v25 =	vor.u32 $0x80000000, v23;
	vm4 =	vmand vm4, vm1;
	s0 =	sor.u32 s31, s0;
	[tilespmem:v18+s24+$0x0] =	vst.idx.add.f32.msk vm2, v24  }
0x2c0: {  	v11 =	vsub.f32 v11, v28;
	v23 =	vperm.xlane v31, v1;
	s31 =	sand.u32 $0x40, s29;
	v17 =	vshra.s32 v17, $0xE;
	s0 =	sor.u32 s1, s0;
	(xrf1) =	vsort.ascd.msk.u32 $0xffff, v25, v12;
	v18, _, _ =	vpop (xrf2)  }
0x2c1: {  	v17 =	vsub.s32 $0x3FFF, v17;
	v12 =	vmovc v20;
	s31 =	sor.u32 s31, s0;
	(xrf1) =	vsort.ascd.msk.u32 $0xffff, v25, v5;
	v5 =	vmov v7  }
0x2c2: {  	vm3 =	vne.s32 v31, v23;
	v7 =	vmax.f32 v11, $0.0e+00;
	vm2 =	vgt.s32 v17, $0x0;
	v20 =	vld [tilespmem:s31+$0x4030];
	(xrf2) =	vadd.scan.msk.f32 $0xffff, v21  }
0x2c3: {  	v21 =	vsub.s32 v4, v7;
	v17 =	vnsel vm2, $0x0, v17;
	vm2 =	vmor vm3, vm0;
	v11 =	vld [tilespmem:s31+$0x4010]  }
0x2c4: {  	v24 =	vsub.f32 $0.0e+00, v18;
	vm5 =	vmand vm3, vm1;
	v21 =	vshra.s32 v21, $0xE;
	[tilespmem:v15+s22+$0x0] =	vst.idx.add.f32.msk vm6, v2;
	v25, _, _ =	vpop (xrf2)  }
0x2c5: {  	v17 =	vmin.u32 v17, $0x3FFF;
	v21 =	vsub.s32 $0x3FFF, v21;
	[tilespmem:v19+s22+$0x0] =	vst.idx.add.f32.msk vm4, v3  }
0x2c6: {  	v17 =	vor.u32 $0x80000000, v17;
	vm3 =	vgt.s32 v21, $0x0;
	[tilespmem:v15+s23+$0x0] =	vst.idx.add.f32.msk vm6, v18  }
0x2c7: {  	v21 =	vnsel vm3, $0x0, v21;
	v18 =	vld [tilespmem:s31+$0xC010];
	(xrf1) =	vsort.ascd.msk.u32 $0xffff, v17, v26;
	v26, _, _ =	vpop (xrf2)  }
0x2c8: {  	v21 =	vmin.u32 v21, $0x3FFF;
	v27 =	vld [tilespmem:s31+$0xC020];
	(xrf2) =	vadd.scan.msk.f32 $0xffff, v32  }
0x2c9: {  	v21 =	vor.u32 $0x80000000, v21;
	(xrf1) =	vsort.ascd.msk.u32 $0xffff, v17, v9;
	[tilespmem:v31+s22+$0x0] =	vst.idx.add.f32.msk vm2, v2;
	v9 =	vsub.f32 $0.0e+00, v26  }
0x2ca: {  	v28 =	vperm.xlane v8, v1;
	(xrf1) =	vsort.ascd.msk.u32 $0xffff, v21, v6;
	[tilespmem:v23+s22+$0x0] =	vst.idx.add.f32.msk vm5, v3  }
0x2cb: {  	(xrf1) =	vsort.ascd.msk.u32 $0xffff, v21, v7;
	[tilespmem:v31+s23+$0x0] =	vst.idx.add.f32.msk vm2, v26  }
0x2cc: {  	vm3 =	vne.s32 v8, v28;
	v32 =	vsub.f32 $0.0e+00, v25;
	[tilespmem:v23+s23+$0x0] =	vst.idx.add.f32.msk vm5, v9;
	(xrf2) =	vadd.scan.msk.f32 $0xffff, v14;
	v21, _, _ =	vpop (xrf2)  }
0x2cd: {  	vm8 =	vmor vm3, vm0;
	v6 =	vmov v18;
	v7 =	vld [tilespmem:s31+$0xC000];
	v9 =	vmov v27  }
0x2ce: {  	vm7 =	vmand vm3, vm1;
	v14 =	vld [tilespmem:s31+$0xC030];
	v17, v26, _ =	vpop (xrf1)  }
0x2cf: {  	v18 =	vmin.u32 v22, $0x3FFF;
	v17 =	vxor.u32 $0x80000000, v17;
	[tilespmem:v19+s23+$0x0] =	vst.idx.add.f32.msk vm4, v24;
	_, v22, _ =	vpop (xrf1)  }
0x2d0: {  	v29 =	vor.u32 $0x80000000, v18;
	v24 =	vmul.f32 v6, v11;
	v27 =	vld [tilespmem:s31+$0x4020];
	v18 =	vperm.xlane v17, v1;
	(xrf2) =	vadd.scan.msk.f32 $0xffff, v22  }
0x2d1: {  	v22 =	vld [tilespmem:s31+$0x4000]  }
0x2d2: {  	(xrf1) =	vsort.ascd.msk.u32 $0xffff, v29, v10  }
0x2d3: {  	(xrf1) =	vsort.ascd.msk.u32 $0xffff, v29, v16  }
0x2d4: {  	vm9 =	vne.s32 v17, v18;
	[tilespmem:v15+s24+$0x0] =	vst.idx.add.f32.msk vm6, v25;
	v15 =	vsub.f32 $0.0e+00, v21;
	v16, _, _ =	vpop (xrf2);
	v25 =	vmul.f32 v14, v20  }
0x2d5: {  	vm3 =	vmor vm9, vm0;
	[tilespmem:v31+s24+$0x0] =	vst.idx.add.f32.msk vm2, v16;
	(xrf2) =	vadd.scan.msk.f32 $0xffff, v26;
	v10 =	vmovc v14;
	v20 =	vadd.f32 $1.000000000e+00, v20  }
0x2d6: {  	vm2 =	vmand vm9, vm1;
	v29 =	vsub.f32 $0.0e+00, v16;
	[tilespmem:v8+s22+$0x0] =	vst.idx.add.f32.msk vm8, v2;
	v30 =	vmul.f32 v7, v22  }
0x2d7: {  	v16 =	vmul.f32 v9, v27;
	v26 =	vadd.f32 $1.000000000e+00, v27;
	v27, v14, _ =	vpop (xrf1);
	[tilespmem:v28+s22+$0x0] =	vst.idx.add.f32.msk vm7, v3  }
0x2d8: {  	v33 =	vadd.f32 v25, v25;
	v27 =	vxor.u32 $0x80000000, v27;
	[tilespmem:v8+s23+$0x0] =	vst.idx.add.f32.msk vm8, v21;
	v31, _, _ =	vpop (xrf2)  }
0x2d9: {  	v22 =	vadd.f32 $1.000000000e+00, v22;
	v16 =	vadd.f32 v16, v16;
	_, v21, _ =	vpop (xrf1);
	[tilespmem:v28+s23+$0x0] =	vst.idx.add.f32.msk vm7, v15  }
0x2da: {  	v20 =	vsub.f32 v20, v33;
	v15 =	vadd.f32 v30, v30;
	_, v25, _ =	vpop (xrf1);
	[tilespmem:v8+s24+$0x0] =	vst.idx.add.f32.msk vm8, v31;
	v8 =	vmov v27  }
0x2db: {  	v13 =	vsub.s32 $0x3FFF, v13;
	v31 =	vsub.f32 $0.0e+00, v31;
	v26 =	vsub.f32 v26, v16;
	[tilespmem:v17+s22+$0x0] =	vst.idx.add.f32.msk vm3, v2;
	v27, v30, _ =	vpop (xrf1)  }
0x2dc: {  	v16 =	vmax.f32 v20, $0.0e+00;
	v22 =	vsub.f32 v22, v15;
	(xrf2) =	vadd.scan.msk.f32 $0xffff, v25;
	[tilespmem:v18+s22+$0x0] =	vst.idx.add.f32.msk vm2, v3;
	v33, _, _ =	vpop (xrf2)  }
.Ltmp4:
0x2dd: {  	vm6 =	vgt.s32 v13, $0x0;
	v34 =	vsub.s32 v4, v16;
	v15 =	vxor.u32 $0x80000000, v27;
	[tilespmem:v23+s24+$0x0] =	vst.idx.add.f32.msk vm5, v29;
	(pc) =	sbr.rel @p0 .LBB2_10-.Ltmp4, $4  }
0x2de: {  	v20 =	vmax.f32 v22, $0.0e+00;
	v22 =	vshra.s32 v34, $0xE;
	v27 =	vnsel vm6, $0x0, v13;
	[tilespmem:v28+s24+$0x0] =	vst.idx.add.f32.msk vm7, v31  }
0x2df: {  	v13 =	vsub.s32 v4, v20;
	v22 =	vsub.s32 $0x3FFF, v22;
	v23 =	vperm.xlane v15, v1;
	[tilespmem:v17+s23+$0x0] =	vst.idx.add.f32.msk vm3, v33;
	v25, _, _ =	vpop (xrf2)  }
0x2e0: {  	v28 =	vadd.f32 v24, v24;
	vm5 =	vgt.s32 v22, $0x0;
	(xrf2) =	vadd.scan.msk.f32 $0xffff, v30;
	v24 =	vsub.f32 $0.0e+00, v25  }
0x2e1: {  	v29 =	vsub.f32 $0.0e+00, v33;
	v13 =	vshra.s32 v13, $0xE;
	v22 =	vnsel vm5, $0x0, v22;
	_, v30, _ =	vpop (xrf1);
	[tilespmem:v19+s24+$0x0] =	vst.idx.add.f32.msk vm4, v32  }
0x2e2: {  	v11 =	vadd.f32 $1.000000000e+00, v11  }
0x2e3: {  	v19 =	vmax.f32 v26, $0.0e+00  }
0x2e4: {  	v57 =	vmin.u32 v27, $0x3FFF;
	vm4 =	vne.s32 v15, v23;
	v11 =	vsub.f32 v11, v28  }
0x2e5: {  	(xrf2) =	vadd.scan.msk.f32 $0xffff, v30;
	v63 =	vperm.xlane v8, v1;
	v58 =	vsub.s32 v4, v19;
	v26 =	vor.u32 $0x80000000, v57  }
0x2e6: {  	vm13 =	vmor vm4, vm0;
	v27 =	vshra.s32 v58, $0xE;
	(xrf1) =	vsort.ascd.msk.u32 $0xffff, v26, v12;
	v11 =	vmax.f32 v11, $0.0e+00  }
0x2e7: {  	(xrf2) =	vadd.scan.msk.f32 $0xffff, v21;
	vm4 =	vmand vm4, vm1;
	v59 =	vsub.s32 $0x3FFF, v27;
	v4 =	vsub.s32 v4, v11  }
0x2e8: {  	v61, v60, _ =	vpop (xrf1);
	[tilespmem:v18+s23+$0x0] =	vst.idx.add.f32.msk vm2, v29;
	(xrf1) =	vsort.ascd.msk.u32 $0xffff, v26, v5;
	vm5 =	vgt.s32 v59, $0x0;
	v4 =	vshra.s32 v4, $0xE  }
0x2e9: {  	(xrf2) =	vadd.scan.msk.f32 $0xffff, v60;
	[tilespmem:v17+s24+$0x0] =	vst.idx.add.f32.msk vm3, v25;
	v5 =	vnsel vm5, $0x0, v59;
	v4 =	vsub.s32 $0x3FFF, v4  }
0x2ea: {  	v27 =	vxor.u32 $0x80000000, v61;
	[tilespmem:v18+s24+$0x0] =	vst.idx.add.f32.msk vm2, v24;
	v5 =	vmin.u32 v5, $0x3FFF;
	vm6 =	vgt.s32 v4, $0x0  }
0x2eb: {  	(xrf2) =	vadd.scan.msk.f32 $0xffff, v14;
	vm2 =	vne.s32 v8, v63;
	v5 =	vor.u32 $0x80000000, v5;
	v4 =	vnsel vm6, $0x0, v4  }
0x2ec: {  	v62 =	vperm.xlane v27, v1;
	vm15 =	vmor vm2, vm0;
	(xrf1) =	vsort.ascd.msk.u32 $0xffff, v5, v19;
	v4 =	vmin.u32 v4, $0x3FFF  }
0x2ed: {  	(xrf1) =	vsort.ascd.msk.u32 $0xffff, v5, v9;
	v4 =	vor.u32 $0x80000000, v4  }
0x2ee: {  	vm2 =	vmand vm2, vm1;
	vm7 =	vne.s32 v27, v62;
	(xrf1) =	vsort.ascd.msk.u32 $0xffff, v4, v6  }
0x2ef: {  	vm14 =	vmor vm7, vm0;
	(xrf1) =	vsort.ascd.msk.u32 $0xffff, v4, v11;
	v4 =	vmin.u32 v22, $0x3FFF  }
0x2f0: {  	vm3 =	vmand vm7, vm1;
	[tilespmem:v15+s22+$0x0] =	vst.idx.add.f32.msk vm13, v2;
	v4 =	vor.u32 $0x80000000, v4  }
0x2f1: {  	[tilespmem:v23+s22+$0x0] =	vst.idx.add.f32.msk vm4, v3;
	(xrf1) =	vsort.ascd.msk.u32 $0xffff, v4, v10  }
0x2f2: {  	v5, _, _ =	vpop (xrf2);
	[tilespmem:v8+s22+$0x0] =	vst.idx.add.f32.msk vm15, v2;
	(xrf1) =	vsort.ascd.msk.u32 $0xffff, v4, v16  }
0x2f3: {  	v24, _, _ =	vpop (xrf2);
	[tilespmem:v15+s23+$0x0] =	vst.idx.add.f32.msk vm13, v5  }
0x2f4: {  	v5 =	vsub.f32 $0.0e+00, v5;
	[tilespmem:v63+s22+$0x0] =	vst.idx.add.f32.msk vm2, v3;
	v26, v25, _ =	vpop (xrf1)  }
0x2f5: {  	[tilespmem:v27+s22+$0x0] =	vst.idx.add.f32.msk vm14, v2;
	v4, _, _ =	vpop (xrf2)  }
0x2f6: {  	[tilespmem:v62+s22+$0x0] =	vst.idx.add.f32.msk vm3, v3;
	_, v29, _ =	vpop (xrf1)  }
0x2f7: {  	v28 =	vsub.f32 $0.0e+00, v4;
	[tilespmem:v27+s23+$0x0] =	vst.idx.add.f32.msk vm14, v4;
	v4 =	vxor.u32 $0x80000000, v26;
	v31, _, _ =	vpop (xrf2);
	(xrf2) =	vadd.scan.msk.f32 $0xffff, v29  }
0x2f8: {  	[tilespmem:v23+s23+$0x0] =	vst.idx.add.f32.msk vm4, v5;
	v30 =	vperm.xlane v4, v1;
	v5, _, _ =	vpop (xrf2)  }
0x2f9: {  	v13 =	vsub.s32 $0x3FFF, v13;
	[tilespmem:v15+s24+$0x0] =	vst.idx.add.f32.msk vm13, v24;
	v34, _, _ =	vpop (xrf2)  }
0x2fa: {  	vm13 =	vgt.s32 v13, $0x0;
	(xrf2) =	vadd.scan.msk.f32 $0xffff, v25;
	[tilespmem:v8+s23+$0x0] =	vst.idx.add.f32.msk vm15, v31;
	vm8 =	vne.s32 v4, v30;
	v32, v33, _ =	vpop (xrf1)  }
0x2fb: {  	v13 =	vnsel vm13, $0x0, v13;
	v35 =	vsub.f32 $0.0e+00, v31;
	[tilespmem:v62+s23+$0x0] =	vst.idx.add.f32.msk vm3, v28;
	vm5 =	vmor vm8, vm0;
	_, v36, _ =	vpop (xrf1)  }
0x2fc: {  	v13 =	vmin.u32 v13, $0x3FFF;
	[tilespmem:v27+s24+$0x0] =	vst.idx.add.f32.msk vm14, v5;
	vm12 =	vmand vm8, vm1;
	_, v37, _ =	vpop (xrf1)  }
0x2fd: {  	v13 =	vor.u32 $0x80000000, v13;
	[tilespmem:v63+s23+$0x0] =	vst.idx.add.f32.msk vm2, v35;
	v5 =	vsub.f32 $0.0e+00, v5;
	v39, v38, _ =	vpop (xrf1)  }
0x2fe: {  	(xrf1) =	vsort.ascd.msk.u32 $0xffff, v13, v20;
	v11 =	vsub.f32 $0.0e+00, v34;
	[tilespmem:v8+s24+$0x0] =	vst.idx.add.f32.msk vm15, v34;
	v40 =	vxor.u32 $0x80000000, v39  }
0x2ff: {  	[tilespmem:v62+s24+$0x0] =	vst.idx.add.f32.msk vm3, v5;
	(xrf2) =	vadd.scan.msk.f32 $0xffff, v37;
	v41 =	vperm.xlane v40, v1;
	_, v42, _ =	vpop (xrf1)  }
0x300: {  	(xrf1) =	vsort.ascd.msk.u32 $0xffff, v13, v7;
	[tilespmem:v63+s24+$0x0] =	vst.idx.add.f32.msk vm2, v11;
	v44, v43, _ =	vpop (xrf1)  }
0x301: {  	[tilespmem:v4+s22+$0x0] =	vst.idx.add.f32.msk vm5, v2;
	v46, _, _ =	vpop (xrf2);
	vm3 =	vne.s32 v40, v41;
	v5 =	vxor.u32 $0x80000000, v44  }
0x302: {  	[tilespmem:v30+s22+$0x0] =	vst.idx.add.f32.msk vm12, v3;
	v9 =	vsub.f32 $0.0e+00, v46;
	vm14 =	vmor vm3, vm0;
	v47 =	vperm.xlane v5, v1  }
0x303: {  	(xrf2) =	vadd.scan.msk.f32 $0xffff, v38;
	[tilespmem:v4+s23+$0x0] =	vst.idx.add.f32.msk vm5, v46;
	vm2 =	vmand vm3, vm1  }
0x304: {  	v45 =	vsub.f32 $0.0e+00, v24;
	v48, _, _ =	vpop (xrf2);
	(xrf2) =	vadd.scan.msk.f32 $0xffff, v42;
	[tilespmem:v30+s23+$0x0] =	vst.idx.add.f32.msk vm12, v9;
	vm3 =	vne.s32 v5, v47  }
0x305: {  	v49 =	vsub.f32 $0.0e+00, v48;
	[tilespmem:v4+s24+$0x0] =	vst.idx.add.f32.msk vm5, v48;
	v4 =	vxor.u32 $0x80000000, v32;
	vm15 =	vmor vm3, vm0  }
0x306: {  	[tilespmem:v23+s24+$0x0] =	vst.idx.add.f32.msk vm4, v45;
	(xrf2) =	vadd.scan.msk.f32 $0xffff, v36;
	v51 =	vperm.xlane v4, v1  }
0x307: {  	[tilespmem:v30+s24+$0x0] =	vst.idx.add.f32.msk vm12, v49;
	vm3 =	vmand vm3, vm1  }
0x308: {  	(xrf2) =	vadd.scan.msk.f32 $0xffff, v43;
	vm11 =	vne.s32 v4, v51;
	[tilespmem:v40+s22+$0x0] =	vst.idx.add.f32.msk vm14, v2  }
0x309: {  	vm12 =	vmor vm11, vm0;
	v50, _, _ =	vpop (xrf2);
	[tilespmem:v41+s22+$0x0] =	vst.idx.add.f32.msk vm2, v3  }
0x30a: {  	v7 =	vsub.f32 $0.0e+00, v50;
	[tilespmem:v40+s23+$0x0] =	vst.idx.add.f32.msk vm14, v50  }
0x30b: {  	vm5 =	vmand vm11, vm1;
	(xrf2) =	vadd.scan.msk.f32 $0xffff, v33;
	[tilespmem:v5+s22+$0x0] =	vst.idx.add.f32.msk vm15, v2  }
0x30c: {  	v55, v56, _ =	vpop (xrf1);
	[tilespmem:v41+s23+$0x0] =	vst.idx.add.f32.msk vm2, v7  }
0x30d: {  	v57 =	vxor.u32 $0x80000000, v55;
	v52, _, _ =	vpop (xrf2);
	[tilespmem:v47+s22+$0x0] =	vst.idx.add.f32.msk vm3, v3  }
0x30e: {  	_, v59, _ =	vpop (xrf1);
	v13 =	vperm.xlane v57, v1;
	[tilespmem:v40+s24+$0x0] =	vst.idx.add.f32.msk vm14, v52  }
0x30f: {  	v53, _, _ =	vpop (xrf2);
	[tilespmem:v4+s22+$0x0] =	vst.idx.add.f32.msk vm12, v2  }
0x310: {  	vm13 =	vne.s32 v57, v13;
	v54 =	vsub.f32 $0.0e+00, v53;
	v58, _, _ =	vpop (xrf2);
	(xrf2) =	vadd.scan.msk.f32 $0xffff, v59;
	[tilespmem:v5+s23+$0x0] =	vst.idx.add.f32.msk vm15, v53  }
0x311: {  	vm14 =	vmor vm13, vm0;
	[tilespmem:v51+s22+$0x0] =	vst.idx.add.f32.msk vm5, v3  }
0x312: {  	v60, _, _ =	vpop (xrf2);
	(xrf2) =	vadd.scan.msk.f32 $0xffff, v56;
	[tilespmem:v47+s23+$0x0] =	vst.idx.add.f32.msk vm3, v54  }
0x313: {  	[tilespmem:v5+s24+$0x0] =	vst.idx.add.f32.msk vm15, v60;
	v5 =	vsub.f32 $0.0e+00, v58  }
0x314: {  	[tilespmem:v4+s23+$0x0] =	vst.idx.add.f32.msk vm12, v58;
	vm15 =	vmand vm13, vm1  }
0x315: {  	v61, _, _ =	vpop (xrf2);
	[tilespmem:v51+s23+$0x0] =	vst.idx.add.f32.msk vm5, v5  }
0x316: {  	[tilespmem:v4+s24+$0x0] =	vst.idx.add.f32.msk vm12, v61;
	v4 =	vsub.f32 $0.0e+00, v60  }
0x317: {  	[tilespmem:v57+s22+$0x0] =	vst.idx.add.f32.msk vm14, v2;
	v5 =	vsub.f32 $0.0e+00, v61  }
0x318: {  	[tilespmem:v47+s24+$0x0] =	vst.idx.add.f32.msk vm3, v4  }
0x319: {  	[tilespmem:v51+s24+$0x0] =	vst.idx.add.f32.msk vm5, v5  }
0x31a: {  	v4 =	vsub.f32 $0.0e+00, v52;
	[tilespmem:v13+s22+$0x0] =	vst.idx.add.f32.msk vm15, v3;
	v62, _, _ =	vpop (xrf2)  }
0x31b: {  	[tilespmem:v57+s23+$0x0] =	vst.idx.add.f32.msk vm14, v62;
	v5 =	vsub.f32 $0.0e+00, v62  }
0x31c: {  	v63, _, _ =	vpop (xrf2);
	[tilespmem:v41+s24+$0x0] =	vst.idx.add.f32.msk vm2, v4  }
0x31d: {  	v4 =	vsub.f32 $0.0e+00, v63;
	[tilespmem:v13+s23+$0x0] =	vst.idx.add.f32.msk vm15, v5  }
0x31e: {  	[tilespmem:v57+s24+$0x0] =	vst.idx.add.f32.msk vm14, v63  }
0x31f: {  	[tilespmem:v13+s24+$0x0] =	vst.idx.add.f32.msk vm15, v4  }
0x320: {  	[hbm4b:s12+s2] =	stream.linear.scatter [tilespmem:s22], [sflag:$0x1], $0x4000, $0x38;
	[tilespmem:$0x1C080] =	vst v63  }
0x321: {  	_ = 	snop  }
0x322: {  	[hbm4b:s13+s2] =	stream.linear.scatter [tilespmem:s23], [sflag:$0x2], $0x4000, $0x38;
	[tilespmem:$0x1C080] =	vst v63  }
0x323: {  	_ = 	snop  }
0x324: {  	[hbm4b:s14+s2] =	stream.linear.scatter [tilespmem:s24], [sflag:$0x1], $0x4000, $0x38;
	[tilespmem:$0x1C080] =	vst v63  }
0x325: {  	_ =	swait.ge [sflag:s21], $0x4000  }
0x326: {  	[sflag:s21] =	ssyncset.done $0x0  }
0x327: {  	s26 =	sadd.s32 $0x1, s26;
	[sflag:s21] =	ssyncadd.s32 $0xFFFFC000  }
0x328: {  	p0 =	sne.s32 s26, s15;
	_ =	swait.ge [sflag:s25], $0x4000  }
.Ltmp5:
0x329: {  	[sflag:s25] =	ssyncset.done $0x0;
	(pc) =	sbr.rel @p0 .LBB2_1-.Ltmp5, $4  }
0x32a: {  	[sflag:s25] =	ssyncadd.s32 $0xFFFFC000  }
0x32b: {  	_ =	swait.ge [sflag:s21], $0x4000  }
0x32c: {  	[sflag:s21] =	ssyncset.done $0x0  }
0x32d: {  	[sflag:s21] =	ssyncadd.s32 $0xFFFFC000  }
0x32e: {  	_ =	sfence.sel $0x180000  }
0x32f: {  	[bflag:$0x0] =	sbarrier.arrive $0xFFFF  }
0x330: {  	_ =	strace $0x90000047  }
0x331: {  	s0 =	stileid.u32;
	[bflag:$0x2] =	sbarrier.arrive $0xFFFF  }
0x332: {  	p0 =	sne.s32 s0, $0x0;
	s0 =	rddreg [dreg:$0x3]  }
0x333: {  	s0 =	sadd.s32 @!p0 $0x100000, s0  }
0x334: {  	[sflag:s0] =	ssyncadd.tile.s32 @!p0 $0x1;
	_ =	shalt  }
.Lfunc_end2:
_tile_overlayer_lowered:
.L_overlay_start_2:
0x335: {  	(tag) =	ssettag $0x2  }
0x336: {  	s0 =	rddreg [dreg:$0x0];
	s2 =	stileid.u32  }
0x337: {  	s1 =	rddreg [dreg:$0x1];
	p0 =	sne.s32 s2, $0x0  }
0x338: {  	s3 =	rddreg [dreg:$0x2];
	[bflag:$0x3] =	sbarrier.arrive $0xFFFF;
	s2 =	simm.s32 @!p0 $0x1C03  }
0x339: {  	[timem:s3], [sflag:s2] =	dma.local @!p0 [hbm:s0], s1  }
0x33a: {  	s0 =	simm.s32 @!p0 $0x3  }
0x33b: {  	_ =	swait.ge @!p0 [sflag:s0], s1  }
0x33c: {  	s1 =	ssub.s32 @!p0 $0x0, s1;
	[sflag:s0] =	ssyncset.done @!p0 $0x0  }
0x33d: {  	[sflag:s0] =	ssyncadd.s32 @!p0 s1  }
0x33e: {  	[bflag:$0x3] =	sbarrier.arrive $0xFFFF  }
0x33f: {  	_ =	shalt  }

</sc_bundles>
